<compile_context>
chip_gen: v7x
topology: tpu7x:2x2x1
jax: 0.10.2.dev20260603
libtpu: 0.0.44.dev20260713+nightly
codegen_flags: <defaults>
</compile_context>

<pallas_src>
import functools

import jax
import jax.numpy as jnp
from jax import lax
from jax.experimental import pallas as pl
from jax.experimental.pallas import tpu as pltpu
from jax.experimental.pallas import tpu_sc as plsc

N = 10000
D = 128
E = 320000

NC = 2
NS = 16
NW = NC * NS

CH = 128
K = 80
G = K // 4
EW = K * CH
E_PAD = NW * EW
PAD = E_PAD - E
DEGW = 8

NROW = 10240
RPT = NROW // NS
DUMP = N
ZR = 80

R = 400
GRID = N // R
OFFC = 10400
POFF = OFFC // R


def _zero_acc(zb, acc, s, groups):
    def fill(i, _):
        zb[i // 8, pl.ds((i % 8) * 16, 16)] = jnp.zeros((16,), jnp.float32)
        return 0

    lax.fori_loop(0, ZR * 8, fill, 0)

    def zero(t, _):
        pltpu.sync_copy(zb, acc.at[pl.ds(s * RPT + t * ZR, ZR)])
        return 0

    lax.fori_loop(0, groups, zero, 0)


def _copy_out(acc, out_hbm, c, s):
    pltpu.sync_copy(
        acc.at[pl.ds(s * RPT, RPT)],
        out_hbm.at[pl.ds(c * OFFC + s * RPT, RPT)],
    )


def _sc_deg_body(dst_hbm, out_hbm, dstv, ones, zb, acc, sem):
    c = lax.axis_index("c")
    s = lax.axis_index("s")
    wid = c * NS + s

    def fill(i, _):
        ones[i // 8, pl.ds((i % 8) * 16, 16)] = jnp.ones((16,), jnp.float32)
        return 0

    lax.fori_loop(0, CH * 8, fill, 0)
    _zero_acc(zb, acc, s, RPT // ZR)
    pltpu.sync_copy(dst_hbm.at[pl.ds(wid * K, K)], dstv)
    plsc.subcore_barrier()

    for j in range(DEGW):
        pltpu.async_copy(ones, acc.at[dstv.at[j]], sem, add=True)

    def chunk(j, _):
        pltpu.make_async_copy(ones, acc.at[dstv.at[j]], sem).wait()
        pltpu.async_copy(ones, acc.at[dstv.at[j + DEGW]], sem, add=True)
        return 0

    lax.fori_loop(0, K - DEGW, chunk, 0)
    for j in range(DEGW):
        pltpu.make_async_copy(ones, acc.at[dstv.at[0]], sem).wait()
    plsc.subcore_barrier()
    _copy_out(acc, out_hbm, c, s)


def _sc_agg_body(g_hbm, idx_hbm, out_hbm, idxA, idxB, rows0, rows1,
                 acc, gs0, gs1, semA, semB):
    c = lax.axis_index("c")
    s = lax.axis_index("s")
    wid = c * NS + s

    def fill(i, _):
        rows1[i // 8, pl.ds((i % 8) * 16, 16)] = jnp.zeros((16,), jnp.float32)
        return 0

    lax.fori_loop(0, CH * 8, fill, 0)

    def zero(t, _):
        pltpu.sync_copy(rows1, acc.at[pl.ds(s * RPT + t * CH, CH)])
        return 0

    lax.fori_loop(0, RPT // CH, zero, 0)

    pltpu.sync_copy(idx_hbm.at[pl.ds(wid * G * 8, 8)], idxA)
    pltpu.async_copy(idx_hbm.at[pl.ds((wid * G + 1) * 8, 8)], idxB, semB)
    plsc.subcore_barrier()

    pltpu.async_copy(g_hbm.at[idxA.at[0]], rows0, gs0)

    def two_groups(it, _):
        offA = (wid * G + jnp.minimum(2 * it + 2, G - 1)) * 8
        offB = (wid * G + jnp.minimum(2 * it + 3, G - 1)) * 8

        pltpu.async_copy(g_hbm.at[idxA.at[1]], rows1, gs1)
        pltpu.make_async_copy(g_hbm.at[idxA.at[0]], rows0, gs0).wait()
        pltpu.sync_copy(rows0, acc.at[idxA.at[4]], add=True)
        pltpu.async_copy(g_hbm.at[idxA.at[2]], rows0, gs0)
        pltpu.make_async_copy(g_hbm.at[idxA.at[1]], rows1, gs1).wait()
        pltpu.sync_copy(rows1, acc.at[idxA.at[5]], add=True)
        pltpu.async_copy(g_hbm.at[idxA.at[3]], rows1, gs1)
        pltpu.make_async_copy(g_hbm.at[idxA.at[2]], rows0, gs0).wait()
        pltpu.sync_copy(rows0, acc.at[idxA.at[6]], add=True)
        pltpu.make_async_copy(idx_hbm.at[pl.ds(offB, 8)], idxB, semB).wait()
        pltpu.async_copy(g_hbm.at[idxB.at[0]], rows0, gs0)
        pltpu.make_async_copy(g_hbm.at[idxA.at[3]], rows1, gs1).wait()
        pltpu.sync_copy(rows1, acc.at[idxA.at[7]], add=True)
        pltpu.async_copy(idx_hbm.at[pl.ds(offA, 8)], idxA, semA)

        pltpu.async_copy(g_hbm.at[idxB.at[1]], rows1, gs1)
        pltpu.make_async_copy(g_hbm.at[idxB.at[0]], rows0, gs0).wait()
        pltpu.sync_copy(rows0, acc.at[idxB.at[4]], add=True)
        pltpu.async_copy(g_hbm.at[idxB.at[2]], rows0, gs0)
        pltpu.make_async_copy(g_hbm.at[idxB.at[1]], rows1, gs1).wait()
        pltpu.sync_copy(rows1, acc.at[idxB.at[5]], add=True)
        pltpu.async_copy(g_hbm.at[idxB.at[3]], rows1, gs1)
        pltpu.make_async_copy(g_hbm.at[idxB.at[2]], rows0, gs0).wait()
        pltpu.sync_copy(rows0, acc.at[idxB.at[6]], add=True)
        pltpu.make_async_copy(idx_hbm.at[pl.ds(offA, 8)], idxA, semA).wait()
        pltpu.async_copy(g_hbm.at[idxA.at[0]], rows0, gs0)
        pltpu.make_async_copy(g_hbm.at[idxB.at[3]], rows1, gs1).wait()
        pltpu.sync_copy(rows1, acc.at[idxB.at[7]], add=True)
        pltpu.async_copy(idx_hbm.at[pl.ds(offB, 8)], idxB, semB)
        return 0

    lax.fori_loop(0, G // 2, two_groups, 0)
    pltpu.make_async_copy(g_hbm.at[idxA.at[0]], rows0, gs0).wait()
    pltpu.make_async_copy(idx_hbm.at[pl.ds(0, 8)], idxB, semB).wait()
    plsc.subcore_barrier()
    _copy_out(acc, out_hbm, c, s)


@functools.cache
def _sc_kernels():
    mesh = plsc.VectorSubcoreMesh(
        core_axis_name="c", subcore_axis_name="s", num_cores=NC, num_subcores=NS
    )
    sc_deg = pl.kernel(
        _sc_deg_body,
        out_type=jax.ShapeDtypeStruct((OFFC + NROW, D), jnp.float32),
        mesh=mesh,
        scratch_types=[
            pltpu.VMEM((K, CH), jnp.int32),
            pltpu.VMEM((CH, D), jnp.float32),
            pltpu.VMEM((ZR, D), jnp.float32),
            pltpu.VMEM_SHARED((NROW, D), jnp.float32),
            pltpu.SemaphoreType.DMA,
        ],
    )
    sc_agg = pl.kernel(
        _sc_agg_body,
        out_type=jax.ShapeDtypeStruct((OFFC + NROW, D), jnp.float32),
        mesh=mesh,
        scratch_types=[
            pltpu.VMEM((8, CH), jnp.int32),
            pltpu.VMEM((8, CH), jnp.int32),
            pltpu.VMEM((CH, D), jnp.float32),
            pltpu.VMEM((CH, D), jnp.float32),
            pltpu.VMEM_SHARED((NROW, D), jnp.float32),
            pltpu.SemaphoreType.DMA,
            pltpu.SemaphoreType.DMA,
            pltpu.SemaphoreType.DMA,
            pltpu.SemaphoreType.DMA,
        ],
    )
    return sc_deg, sc_agg



def _dinv(da_ref, db_ref):
    return lax.rsqrt(1.0 + da_ref[:, 0:1] + db_ref[:, 0:1])


def _mmraw_body(x_ref, w_ref, o_ref):
    o_ref[...] = jnp.dot(x_ref[...], w_ref[...],
                         preferred_element_type=jnp.float32)


def _scale_body(h_ref, da_ref, db_ref, o_ref):
    o_ref[...] = _dinv(da_ref, db_ref) * h_ref[...]


def _mm2_body(p0_ref, p1_ref, g_ref, da_ref, db_ref, b_ref, w_ref, o_ref):
    dinv = _dinv(da_ref, db_ref)
    t = dinv * (p0_ref[...] + p1_ref[...] + g_ref[...]) + b_ref[...]
    h = jnp.dot(t, w_ref[...], preferred_element_type=jnp.float32)
    o_ref[...] = dinv * h


def _fin_body(p0_ref, p1_ref, g_ref, da_ref, db_ref, b_ref, o_ref):
    dinv = _dinv(da_ref, db_ref)
    o_ref[...] = dinv * (p0_ref[...] + p1_ref[...] + g_ref[...]) + b_ref[...]


_row = pl.BlockSpec((R, D), lambda i: (i, 0))
_row1 = pl.BlockSpec((R, D), lambda i: (i + POFF, 0))
_wspec = pl.BlockSpec((D, D), lambda i: (0, 0))
_bspec = pl.BlockSpec((1, D), lambda i: (0, 0))
_oshape = jax.ShapeDtypeStruct((N, D), jnp.float32)

_mmraw = pl.pallas_call(
    _mmraw_body, grid=(GRID,),
    in_specs=[_row, _wspec],
    out_specs=_row, out_shape=_oshape,
)
_scale = pl.pallas_call(
    _scale_body, grid=(GRID,),
    in_specs=[_row, _row, _row1],
    out_specs=_row, out_shape=_oshape,
)
_mm2 = pl.pallas_call(
    _mm2_body, grid=(GRID,),
    in_specs=[_row, _row1, _row, _row, _row1, _bspec, _wspec],
    out_specs=_row, out_shape=_oshape,
)
_fin = pl.pallas_call(
    _fin_body, grid=(GRID,),
    in_specs=[_row, _row1, _row, _row, _row1, _bspec],
    out_specs=_row, out_shape=_oshape,
)


def kernel(x, edge_index, W1, b1, W2, b2):
    src = edge_index[0]
    dst = edge_index[1]
    pad_idx = jnp.arange(PAD, dtype=jnp.int32)
    pad_src = pad_idx % N
    pad_dst = DUMP + pad_idx % (NROW - N)
    srcp = jnp.concatenate(
        [src.astype(jnp.int32).reshape(NW, E // NW),
         pad_src.reshape(NW, PAD // NW)], axis=1,
    ).reshape(NW * K, CH)
    dstp = jnp.concatenate(
        [dst.astype(jnp.int32).reshape(NW, E // NW),
         pad_dst.reshape(NW, PAD // NW)], axis=1,
    ).reshape(NW * K, CH)
    idxp = jnp.concatenate(
        [srcp.reshape(NW, G, 4, CH), dstp.reshape(NW, G, 4, CH)], axis=2
    ).reshape(NW * G * 8, CH)

    sc_deg, sc_agg = _sc_kernels()
    h1 = _mmraw(x, W1)
    degp = sc_deg(dstp)
    g1 = _scale(h1, degp, degp)
    s1 = sc_agg(g1, idxp)
    g2 = _mm2(s1, s1, g1, degp, degp, b1.reshape(1, D), W2)
    s2 = sc_agg(g2, idxp)
    return _fin(s2, s2, g2, degp, degp, b2.reshape(1, D))

# --- scband reference (transcript-rebuilt; emitter-appended) ---
"""Pipeline reference for scband-stack-gcns-88648124991109 (READ-ONLY COPY).

The authoritative reference and input builder live on the scoring server;
editing this copy changes nothing except your own understanding.
"""

import jax, jax.numpy as jnp
import numpy as np

N_NODES = 10000
N_EDGES = 320000
D_IN = 128
D_OUT = 128


def gcn_conv(x, edge_index, W, b):
    # Faithful PyG GCNConv with add_self_loops=True, normalize=True:
    #   A_hat = A + I; D_hat = deg(A_hat); out = D^-1/2 A_hat D^-1/2 (X W) + b
    N = x.shape[0]
    loop = jnp.arange(N, dtype=edge_index.dtype)
    src = jnp.concatenate([edge_index[0], loop])
    dst = jnp.concatenate([edge_index[1], loop])
    h = x @ W
    ones = jnp.ones(src.shape[0], dtype=x.dtype)
    deg = jax.ops.segment_sum(ones, dst, num_segments=N)
    dinv = jnp.where(deg > 0, jax.lax.rsqrt(deg), jnp.zeros_like(deg))
    norm = dinv[src] * dinv[dst]
    msgs = h[src] * norm[:, None]
    out = jax.ops.segment_sum(msgs, dst, num_segments=N)
    return out + b


def setup_inputs(seed: int = 0) -> dict:
    key = jax.random.key(seed)
    k1, k2, k3, k4, k5, k6 = jax.random.split(key, 6)
    x = jax.random.normal(k1, (N_NODES, D_IN), dtype=jnp.float32)
    edge_index = jax.random.randint(k2, (2, N_EDGES), 0, N_NODES, dtype=jnp.int32)
    s1 = float(np.sqrt(6.0 / (D_IN + D_IN)))
    s2 = float(np.sqrt(6.0 / (D_IN + D_OUT)))
    W1 = jax.random.uniform(k3, (D_IN, D_IN), dtype=jnp.float32, minval=-s1, maxval=s1)
    b1 = jnp.zeros((D_IN,), dtype=jnp.float32)
    W2 = jax.random.uniform(k4, (D_IN, D_OUT), dtype=jnp.float32, minval=-s2, maxval=s2)
    b2 = jnp.zeros((D_OUT,), dtype=jnp.float32)
    return {"x": x, "edge_index": edge_index, "W1": W1, "b1": b1, "W2": W2, "b2": b2}


def reference(x, edge_index, W1, b1, W2, b2):
    # StackGCNs with num_layer=2, self_loops=True (residual=False), eval mode (dropout=identity)
    h = gcn_conv(x, edge_index, W1, b1)
    # dropout is identity at inference
    h = gcn_conv(h, edge_index, W2, b2)
    return h

if __name__ == "__main__":
    import jax
    _d = setup_inputs()
    print(jax.jit(kernel)(*tuple(_d.values())))

</pallas_src>

<mosaic_0001>
#map = affine_map<(d0, d1) -> (0, 0)>
module attributes {stable_mosaic.version = 14 : i64} {
  func.func @_sc_agg_body(%arg0: i32, %arg1: i32, %arg2: memref<10000x128xf32, #tpu.memory_space<hbm>>, %arg3: memref<5120x128xi32, #tpu.memory_space<hbm>>, %arg4: memref<20640x128xf32, #tpu.memory_space<hbm>>, %arg5: memref<8x128xi32, #tpu.memory_space<vmem>>, %arg6: memref<8x128xi32, #tpu.memory_space<vmem>>, %arg7: memref<128x128xf32, #tpu.memory_space<vmem>>, %arg8: memref<128x128xf32, #tpu.memory_space<vmem>>, %arg9: memref<10240x128xf32, #tpu.memory_space<vmem_shared>>, %arg10: memref<!tpu.dma_semaphore, #tpu.memory_space<semaphore_mem>>, %arg11: memref<!tpu.dma_semaphore, #tpu.memory_space<semaphore_mem>>, %arg12: memref<!tpu.dma_semaphore, #tpu.memory_space<semaphore_mem>>, %arg13: memref<!tpu.dma_semaphore, #tpu.memory_space<semaphore_mem>>) attributes {dimension_semantics = [#tpu.dimension_semantics<core_parallel>, #tpu.dimension_semantics<subcore_parallel>], iteration_bounds = array<i64: 2, 16>, scalar_prefetch = 0 : i64, scratch_operands = 9 : i64, tpu.core_type = #tpu.core_type<sc_vector_subcore>, window_params = [{transform_indices = #map}, {transform_indices = #map}, {transform_indices = #map}]} {
    %mul3A = arith.constant 16 : i32
    %mul3A_0 = arith.muli %arg0, %mul3A : i32
    %add3A = arith.addi %mul3A_0, %arg1 : i32
    %scan3A = arith.constant 0 : i32
    %scan3A_1 = arith.constant 0 : i32
    %scan3A_2 = arith.constant 1024 : i32
    %scan3A_3 = arith.addi %scan3A_1, %scan3A_2 : i32
    %scan3A_4 = arith.constant 1 : i32
    %scan3A_5 = scf.for %scan3A_61 = %scan3A_1 to %scan3A_3 step %scan3A_4 iter_args(%scan3A_62 = %scan3A) -> (i32)  : i32 {
      %broadcast_in_dim3A = arith.constant 0.000000e+00 : f32
      %broadcast_in_dim3A_63 = vector.broadcast %broadcast_in_dim3A : f32 to vector<16xf32>
      %jit3A = arith.constant 8 : i32
      %div3A = arith.divsi %scan3A_61, %jit3A : i32
      %sign3A = arith.constant 0 : i32
      %sign3A_64 = arith.cmpi sgt, %scan3A_61, %sign3A : i32
      %sign3A_65 = arith.extui %sign3A_64 : i1 to i32
      %sign3A_66 = arith.constant 0 : i32
      %sign3A_67 = arith.cmpi slt, %scan3A_61, %sign3A_66 : i32
      %sign3A_68 = arith.extui %sign3A_67 : i1 to i32
      %sign3A_69 = arith.subi %sign3A_65, %sign3A_68 : i32
      %sign3A_70 = arith.constant 0 : i32
      %sign3A_71 = arith.cmpi sgt, %jit3A, %sign3A_70 : i32
      %sign3A_72 = arith.extui %sign3A_71 : i1 to i32
      %sign3A_73 = arith.constant 0 : i32
      %sign3A_74 = arith.cmpi slt, %jit3A, %sign3A_73 : i32
      %sign3A_75 = arith.extui %sign3A_74 : i1 to i32
      %sign3A_76 = arith.subi %sign3A_72, %sign3A_75 : i32
      %ne3A = arith.cmpi ne, %sign3A_69, %sign3A_76 : i32
      %rem3A = arith.remsi %scan3A_61, %jit3A : i32
      %ne3A_77 = arith.constant 0 : i32
      %ne3A_78 = arith.cmpi ne, %rem3A, %ne3A_77 : i32
      %and3A = arith.andi %ne3A, %ne3A_78 : i1
      %sub3A = arith.constant 1 : i32
      %sub3A_79 = arith.subi %div3A, %sub3A : i32
      %select_n3A = arith.select %and3A, %sub3A_79, %div3A : i32
      %jit3A_80 = arith.constant 8 : i32
      %eq3A = arith.constant 0 : i32
      %eq3A_81 = arith.cmpi eq, %jit3A_80, %eq3A : i32
      %jit3A_82 = arith.constant 1 : i32
      %select_n3A_83 = arith.select %eq3A_81, %jit3A_82, %jit3A_80 : i32
      %rem3A_84 = arith.remsi %scan3A_61, %select_n3A_83 : i32
      %ne3A_85 = arith.constant 0 : i32
      %ne3A_86 = arith.cmpi ne, %rem3A_84, %ne3A_85 : i32
      %lt3A = arith.constant 0 : i32
      %lt3A_87 = arith.cmpi slt, %rem3A_84, %lt3A : i32
      %lt3A_88 = arith.constant 0 : i32
      %lt3A_89 = arith.cmpi slt, %select_n3A_83, %lt3A_88 : i32
      %ne3A_90 = arith.xori %lt3A_87, %lt3A_89 : i1
      %and3A_91 = arith.andi %ne3A_90, %ne3A_86 : i1
      %add3A_92 = arith.addi %rem3A_84, %select_n3A_83 : i32
      %select_n3A_93 = arith.select %and3A_91, %add3A_92, %rem3A_84 : i32
      %mul3A_94 = arith.constant 16 : i32
      %mul3A_95 = arith.muli %select_n3A_93, %mul3A_94 : i32
      %swap3A = arith.index_cast %select_n3A : i32 to index
      %swap3A_96 = arith.index_cast %mul3A_95 : i32 to index
      %swap3A_97 = tpu.vector_load %arg8[%swap3A, %swap3A_96] {strides = array<i32>} : memref<128x128xf32, #tpu.memory_space<vmem>>, vector<1x16xf32>,
      %swap3A_98 = vector.shape_cast %swap3A_97 : vector<1x16xf32> to vector<16xf32>
      %swap3A_99 = vector.shape_cast %broadcast_in_dim3A_63 : vector<16xf32> to vector<1x16xf32>
      tpu.vector_store %arg8[%swap3A, %swap3A_96], %swap3A_99 {strides = array<i32>} : memref<128x128xf32, #tpu.memory_space<vmem>>, vector<1x16xf32>,
      %scan3A_100 = arith.constant 0 : i32
      scf.yield %scan3A_100 : i32
    }
    %scan3A_6 = arith.constant 1024 : i32
    %scan3A_7 = arith.constant 0 : i32
    %scan3A_8 = arith.constant 0 : i32
    %scan3A_9 = arith.constant 5 : i32
    %scan3A_10 = arith.addi %scan3A_8, %scan3A_9 : i32
    %scan3A_11 = arith.constant 1 : i32
    %scan3A_12 = scf.for %scan3A_61 = %scan3A_8 to %scan3A_10 step %scan3A_11 iter_args(%scan3A_62 = %scan3A_7) -> (i32)  : i32 {
      %mul3A_63 = arith.constant 640 : i32
      %mul3A_64 = arith.muli %arg1, %mul3A_63 : i32
      %mul3A_65 = arith.constant 128 : i32
      %mul3A_66 = arith.muli %scan3A_61, %mul3A_65 : i32
      %add3A_67 = arith.addi %mul3A_64, %mul3A_66 : i32
      "tpu.region"() ({
        %run_scoped3A = tpu.sem_alloc : memref<!tpu.dma_semaphore, #tpu.memory_space<semaphore_mem>>
        %dma_start3A_69 = arith.constant 0 : i32
        %dma_start3A_70 = tpu.memref_slice %arg9[%add3A_67, %dma_start3A_69] : memref<10240x128xf32, #tpu.memory_space<vmem_shared>> -> memref<128x128xf32, #tpu.memory_space<vmem_shared>>
        %dma_start3A_71 = arith.constant 0 : i32
        %dma_start3A_72 = tpu.memref_slice %arg9[%add3A_67, %dma_start3A_71] : memref<10240x128xf32, #tpu.memory_space<vmem_shared>> -> memref<128x128xf32, #tpu.memory_space<vmem_shared>>
        tpu.enqueue_dma source(%arg8 : memref<128x128xf32, #tpu.memory_space<vmem>>) target(%dma_start3A_72 : memref<128x128xf32, #tpu.memory_space<vmem_shared>>) target_semaphore(%run_scoped3A : memref<!tpu.dma_semaphore, #tpu.memory_space<semaphore_mem>>)
        %dma_wait3A_73 = arith.constant 0 : i32
        %dma_wait3A_74 = tpu.memref_slice %arg9[%add3A_67, %dma_wait3A_73] : memref<10240x128xf32, #tpu.memory_space<vmem_shared>> -> memref<128x128xf32, #tpu.memory_space<vmem_shared>>
        %dma_wait3A_75 = arith.constant 0 : i32
        %dma_wait3A_76 = tpu.memref_slice %arg9[%add3A_67, %dma_wait3A_75] : memref<10240x128xf32, #tpu.memory_space<vmem_shared>> -> memref<128x128xf32, #tpu.memory_space<vmem_shared>>
        tpu.wait_dma2 semaphore(%run_scoped3A : memref<!tpu.dma_semaphore, #tpu.memory_space<semaphore_mem>>) src(%arg8 : memref<128x128xf32, #tpu.memory_space<vmem>>) dst(%dma_wait3A_76 : memref<128x128xf32, #tpu.memory_space<vmem_shared>>)
        tpu.yield
      }) : () -> ()
      %scan3A_68 = arith.constant 0 : i32
      scf.yield %scan3A_68 : i32
    }
    %scan3A_13 = arith.constant 5 : i32
    %mul3A_14 = arith.constant 20 : i32
    %mul3A_15 = arith.muli %add3A, %mul3A_14 : i32
    %mul3A_16 = arith.constant 8 : i32
    %mul3A_17 = arith.muli %mul3A_15, %mul3A_16 : i32
    "tpu.region"() ({
      %run_scoped3A = tpu.sem_alloc : memref<!tpu.dma_semaphore, #tpu.memory_space<semaphore_mem>>
      %dma_start3A_61 = arith.constant 0 : i32
      %dma_start3A_62 = tpu.memref_slice %arg3[%mul3A_17, %dma_start3A_61] : memref<5120x128xi32, #tpu.memory_space<hbm>> -> memref<8x128xi32, #tpu.memory_space<hbm>>
      %dma_start3A_63 = arith.constant 0 : i32
      %dma_start3A_64 = tpu.memref_slice %arg3[%mul3A_17, %dma_start3A_63] : memref<5120x128xi32, #tpu.memory_space<hbm>> -> memref<8x128xi32, #tpu.memory_space<hbm>>
      tpu.enqueue_dma source(%dma_start3A_64 : memref<8x128xi32, #tpu.memory_space<hbm>>) target(%arg5 : memref<8x128xi32, #tpu.memory_space<vmem>>) target_semaphore(%run_scoped3A : memref<!tpu.dma_semaphore, #tpu.memory_space<semaphore_mem>>)
      %dma_wait3A_65 = arith.constant 0 : i32
      %dma_wait3A_66 = tpu.memref_slice %arg3[%mul3A_17, %dma_wait3A_65] : memref<5120x128xi32, #tpu.memory_space<hbm>> -> memref<8x128xi32, #tpu.memory_space<hbm>>
      %dma_wait3A_67 = arith.constant 0 : i32
      %dma_wait3A_68 = tpu.memref_slice %arg3[%mul3A_17, %dma_wait3A_67] : memref<5120x128xi32, #tpu.memory_space<hbm>> -> memref<8x128xi32, #tpu.memory_space<hbm>>
      tpu.wait_dma2 semaphore(%run_scoped3A : memref<!tpu.dma_semaphore, #tpu.memory_space<semaphore_mem>>) src(%dma_wait3A_68 : memref<8x128xi32, #tpu.memory_space<hbm>>) dst(%arg5 : memref<8x128xi32, #tpu.memory_space<vmem>>)
      tpu.yield
    }) : () -> ()
    %mul3A_18 = arith.constant 20 : i32
    %mul3A_19 = arith.muli %add3A, %mul3A_18 : i32
    %add3A_20 = arith.constant 1 : i32
    %add3A_21 = arith.addi %mul3A_19, %add3A_20 : i32
    %mul3A_22 = arith.constant 8 : i32
    %mul3A_23 = arith.muli %add3A_21, %mul3A_22 : i32
    %dma_start3A = arith.constant 0 : i32
    %dma_start3A_24 = tpu.memref_slice %arg3[%mul3A_23, %dma_start3A] : memref<5120x128xi32, #tpu.memory_space<hbm>> -> memref<8x128xi32, #tpu.memory_space<hbm>>
    %dma_start3A_25 = arith.constant 0 : i32
    %dma_start3A_26 = tpu.memref_slice %arg3[%mul3A_23, %dma_start3A_25] : memref<5120x128xi32, #tpu.memory_space<hbm>> -> memref<8x128xi32, #tpu.memory_space<hbm>>
    tpu.enqueue_dma source(%dma_start3A_26 : memref<8x128xi32, #tpu.memory_space<hbm>>) target(%arg6 : memref<8x128xi32, #tpu.memory_space<vmem>>) target_semaphore(%arg13 : memref<!tpu.dma_semaphore, #tpu.memory_space<semaphore_mem>>)
    %barrier3A = arith.constant 0 : index
    tpu.barrier barrier_id(%barrier3A)
    %dma_start3A_27 = arith.constant 0 : i32
    %dma_start3A_28 = arith.constant 0 : i32
    %dma_start3A_29 = tpu.memref_slice %arg5[%dma_start3A_27, %dma_start3A_28] : memref<8x128xi32, #tpu.memory_space<vmem>> -> memref<1x128xi32, #tpu.memory_space<vmem>>
    %dma_start3A_30 = tpu.memref_squeeze %dma_start3A_29 : memref<1x128xi32, #tpu.memory_space<vmem>> -> memref<128xi32, #tpu.memory_space<vmem>>
    %dma_start3A_31 = arith.constant 0 : i32
    %dma_start3A_32 = arith.constant 0 : i32
    %dma_start3A_33 = tpu.memref_slice %arg2[%dma_start3A_31, %dma_start3A_32] : memref<10000x128xf32, #tpu.memory_space<hbm>> -> memref<10000x128xf32, #tpu.memory_space<hbm>>
    tpu.enqueue_indirect_dma source(%dma_start3A_33 : memref<10000x128xf32, #tpu.memory_space<hbm>>) target(%arg7 : memref<128x128xf32, #tpu.memory_space<vmem>>) offsets(%dma_start3A_30 : memref<128xi32, #tpu.memory_space<vmem>>) semaphore(%arg10 : memref<!tpu.dma_semaphore, #tpu.memory_space<semaphore_mem>>)
    %scan3A_34 = arith.constant 0 : i32
    %scan3A_35 = arith.constant 0 : i32
    %scan3A_36 = arith.constant 10 : i32
    %scan3A_37 = arith.addi %scan3A_35, %scan3A_36 : i32
    %scan3A_38 = arith.constant 1 : i32
    %scan3A_39 = scf.for %scan3A_61 = %scan3A_35 to %scan3A_37 step %scan3A_38 iter_args(%scan3A_62 = %scan3A_34) -> (i32)  : i32 {
      %mul3A_63 = arith.constant 20 : i32
      %mul3A_64 = arith.muli %add3A, %mul3A_63 : i32
      %mul3A_65 = arith.constant 2 : i32
      %mul3A_66 = arith.muli %mul3A_65, %scan3A_61 : i32
      %add3A_67 = arith.constant 2 : i32
      %add3A_68 = arith.addi %mul3A_66, %add3A_67 : i32
      %min3A = arith.constant 19 : i32
      %min3A_69 = arith.minsi %add3A_68, %min3A : i32
      %add3A_70 = arith.addi %mul3A_64, %min3A_69 : i32
      %mul3A_71 = arith.constant 8 : i32
      %mul3A_72 = arith.muli %add3A_70, %mul3A_71 : i32
      %mul3A_73 = arith.constant 20 : i32
      %mul3A_74 = arith.muli %add3A, %mul3A_73 : i32
      %mul3A_75 = arith.constant 2 : i32
      %mul3A_76 = arith.muli %mul3A_75, %scan3A_61 : i32
      %add3A_77 = arith.constant 3 : i32
      %add3A_78 = arith.addi %mul3A_76, %add3A_77 : i32
      %min3A_79 = arith.constant 19 : i32
      %min3A_80 = arith.minsi %add3A_78, %min3A_79 : i32
      %add3A_81 = arith.addi %mul3A_74, %min3A_80 : i32
      %mul3A_82 = arith.constant 8 : i32
      %mul3A_83 = arith.muli %add3A_81, %mul3A_82 : i32
      %dma_start3A_84 = arith.constant 1 : i32
      %dma_start3A_85 = arith.constant 0 : i32
      %dma_start3A_86 = tpu.memref_slice %arg5[%dma_start3A_84, %dma_start3A_85] : memref<8x128xi32, #tpu.memory_space<vmem>> -> memref<1x128xi32, #tpu.memory_space<vmem>>
      %dma_start3A_87 = tpu.memref_squeeze %dma_start3A_86 : memref<1x128xi32, #tpu.memory_space<vmem>> -> memref<128xi32, #tpu.memory_space<vmem>>
      %dma_start3A_88 = arith.constant 0 : i32
      %dma_start3A_89 = arith.constant 0 : i32
      %dma_start3A_90 = tpu.memref_slice %arg2[%dma_start3A_88, %dma_start3A_89] : memref<10000x128xf32, #tpu.memory_space<hbm>> -> memref<10000x128xf32, #tpu.memory_space<hbm>>
      tpu.enqueue_indirect_dma source(%dma_start3A_90 : memref<10000x128xf32, #tpu.memory_space<hbm>>) target(%arg8 : memref<128x128xf32, #tpu.memory_space<vmem>>) offsets(%dma_start3A_87 : memref<128xi32, #tpu.memory_space<vmem>>) semaphore(%arg11 : memref<!tpu.dma_semaphore, #tpu.memory_space<semaphore_mem>>)
      %dma_wait3A_91 = arith.constant 0 : i32
      %dma_wait3A_92 = arith.constant 0 : i32
      %dma_wait3A_93 = tpu.memref_slice %arg5[%dma_wait3A_91, %dma_wait3A_92] : memref<8x128xi32, #tpu.memory_space<vmem>> -> memref<1x128xi32, #tpu.memory_space<vmem>>
      %dma_wait3A_94 = tpu.memref_squeeze %dma_wait3A_93 : memref<1x128xi32, #tpu.memory_space<vmem>> -> memref<128xi32, #tpu.memory_space<vmem>>
      %dma_wait3A_95 = arith.constant 0 : i32
      %dma_wait3A_96 = arith.constant 0 : i32
      %dma_wait3A_97 = tpu.memref_slice %arg2[%dma_wait3A_95, %dma_wait3A_96] : memref<10000x128xf32, #tpu.memory_space<hbm>> -> memref<10000x128xf32, #tpu.memory_space<hbm>>
      tpu.wait_indirect_dma semaphore(%arg10 : memref<!tpu.dma_semaphore, #tpu.memory_space<semaphore_mem>>) src(%dma_wait3A_97 : memref<10000x128xf32, #tpu.memory_space<hbm>>) dst(%arg7 : memref<128x128xf32, #tpu.memory_space<vmem>>)
      %run_scoped3A = arith.constant 4 : i32
      "tpu.region"() ({
        %run_scoped3A_220 = tpu.sem_alloc : memref<!tpu.dma_semaphore, #tpu.memory_space<semaphore_mem>>
        %dma_start3A_221 = arith.constant 0 : i32
        %dma_start3A_222 = tpu.memref_slice %arg5[%run_scoped3A, %dma_start3A_221] : memref<8x128xi32, #tpu.memory_space<vmem>> -> memref<1x128xi32, #tpu.memory_space<vmem>>
        %dma_start3A_223 = tpu.memref_squeeze %dma_start3A_222 : memref<1x128xi32, #tpu.memory_space<vmem>> -> memref<128xi32, #tpu.memory_space<vmem>>
        %dma_start3A_224 = arith.constant 0 : i32
        %dma_start3A_225 = arith.constant 0 : i32
        %dma_start3A_226 = tpu.memref_slice %arg9[%dma_start3A_224, %dma_start3A_225] : memref<10240x128xf32, #tpu.memory_space<vmem_shared>> -> memref<10240x128xf32, #tpu.memory_space<vmem_shared>>
        tpu.enqueue_indirect_dma source(%arg7 : memref<128x128xf32, #tpu.memory_space<vmem>>) target(%dma_start3A_226 : memref<10240x128xf32, #tpu.memory_space<vmem_shared>>) offsets(%dma_start3A_223 : memref<128xi32, #tpu.memory_space<vmem>>) semaphore(%run_scoped3A_220 : memref<!tpu.dma_semaphore, #tpu.memory_space<semaphore_mem>>) {add = true}
        %dma_wait3A_227 = arith.constant 0 : i32
        %dma_wait3A_228 = tpu.memref_slice %arg5[%run_scoped3A, %dma_wait3A_227] : memref<8x128xi32, #tpu.memory_space<vmem>> -> memref<1x128xi32, #tpu.memory_space<vmem>>
        %dma_wait3A_229 = tpu.memref_squeeze %dma_wait3A_228 : memref<1x128xi32, #tpu.memory_space<vmem>> -> memref<128xi32, #tpu.memory_space<vmem>>
        %dma_wait3A_230 = arith.constant 0 : i32
        %dma_wait3A_231 = arith.constant 0 : i32
        %dma_wait3A_232 = tpu.memref_slice %arg9[%dma_wait3A_230, %dma_wait3A_231] : memref<10240x128xf32, #tpu.memory_space<vmem_shared>> -> memref<10240x128xf32, #tpu.memory_space<vmem_shared>>
        tpu.wait_indirect_dma semaphore(%run_scoped3A_220 : memref<!tpu.dma_semaphore, #tpu.memory_space<semaphore_mem>>) src(%arg7 : memref<128x128xf32, #tpu.memory_space<vmem>>) dst(%dma_wait3A_232 : memref<10240x128xf32, #tpu.memory_space<vmem_shared>>)
        tpu.yield
      }) : () -> ()
      %dma_start3A_98 = arith.constant 2 : i32
      %dma_start3A_99 = arith.constant 0 : i32
      %dma_start3A_100 = tpu.memref_slice %arg5[%dma_start3A_98, %dma_start3A_99] : memref<8x128xi32, #tpu.memory_space<vmem>> -> memref<1x128xi32, #tpu.memory_space<vmem>>
      %dma_start3A_101 = tpu.memref_squeeze %dma_start3A_100 : memref<1x128xi32, #tpu.memory_space<vmem>> -> memref<128xi32, #tpu.memory_space<vmem>>
      %dma_start3A_102 = arith.constant 0 : i32
      %dma_start3A_103 = arith.constant 0 : i32
      %dma_start3A_104 = tpu.memref_slice %arg2[%dma_start3A_102, %dma_start3A_103] : memref<10000x128xf32, #tpu.memory_space<hbm>> -> memref<10000x128xf32, #tpu.memory_space<hbm>>
      tpu.enqueue_indirect_dma source(%dma_start3A_104 : memref<10000x128xf32, #tpu.memory_space<hbm>>) target(%arg7 : memref<128x128xf32, #tpu.memory_space<vmem>>) offsets(%dma_start3A_101 : memref<128xi32, #tpu.memory_space<vmem>>) semaphore(%arg10 : memref<!tpu.dma_semaphore, #tpu.memory_space<semaphore_mem>>)
      %dma_wait3A_105 = arith.constant 1 : i32
      %dma_wait3A_106 = arith.constant 0 : i32
      %dma_wait3A_107 = tpu.memref_slice %arg5[%dma_wait3A_105, %dma_wait3A_106] : memref<8x128xi32, #tpu.memory_space<vmem>> -> memref<1x128xi32, #tpu.memory_space<vmem>>
      %dma_wait3A_108 = tpu.memref_squeeze %dma_wait3A_107 : memref<1x128xi32, #tpu.memory_space<vmem>> -> memref<128xi32, #tpu.memory_space<vmem>>
      %dma_wait3A_109 = arith.constant 0 : i32
      %dma_wait3A_110 = arith.constant 0 : i32
      %dma_wait3A_111 = tpu.memref_slice %arg2[%dma_wait3A_109, %dma_wait3A_110] : memref<10000x128xf32, #tpu.memory_space<hbm>> -> memref<10000x128xf32, #tpu.memory_space<hbm>>
      tpu.wait_indirect_dma semaphore(%arg11 : memref<!tpu.dma_semaphore, #tpu.memory_space<semaphore_mem>>) src(%dma_wait3A_111 : memref<10000x128xf32, #tpu.memory_space<hbm>>) dst(%arg8 : memref<128x128xf32, #tpu.memory_space<vmem>>)
      %run_scoped3A_112 = arith.constant 5 : i32
      "tpu.region"() ({
        %run_scoped3A_220 = tpu.sem_alloc : memref<!tpu.dma_semaphore, #tpu.memory_space<semaphore_mem>>
        %dma_start3A_221 = arith.constant 0 : i32
        %dma_start3A_222 = tpu.memref_slice %arg5[%run_scoped3A_112, %dma_start3A_221] : memref<8x128xi32, #tpu.memory_space<vmem>> -> memref<1x128xi32, #tpu.memory_space<vmem>>
        %dma_start3A_223 = tpu.memref_squeeze %dma_start3A_222 : memref<1x128xi32, #tpu.memory_space<vmem>> -> memref<128xi32, #tpu.memory_space<vmem>>
        %dma_start3A_224 = arith.constant 0 : i32
        %dma_start3A_225 = arith.constant 0 : i32
        %dma_start3A_226 = tpu.memref_slice %arg9[%dma_start3A_224, %dma_start3A_225] : memref<10240x128xf32, #tpu.memory_space<vmem_shared>> -> memref<10240x128xf32, #tpu.memory_space<vmem_shared>>
        tpu.enqueue_indirect_dma source(%arg8 : memref<128x128xf32, #tpu.memory_space<vmem>>) target(%dma_start3A_226 : memref<10240x128xf32, #tpu.memory_space<vmem_shared>>) offsets(%dma_start3A_223 : memref<128xi32, #tpu.memory_space<vmem>>) semaphore(%run_scoped3A_220 : memref<!tpu.dma_semaphore, #tpu.memory_space<semaphore_mem>>) {add = true}
        %dma_wait3A_227 = arith.constant 0 : i32
        %dma_wait3A_228 = tpu.memref_slice %arg5[%run_scoped3A_112, %dma_wait3A_227] : memref<8x128xi32, #tpu.memory_space<vmem>> -> memref<1x128xi32, #tpu.memory_space<vmem>>
        %dma_wait3A_229 = tpu.memref_squeeze %dma_wait3A_228 : memref<1x128xi32, #tpu.memory_space<vmem>> -> memref<128xi32, #tpu.memory_space<vmem>>
        %dma_wait3A_230 = arith.constant 0 : i32
        %dma_wait3A_231 = arith.constant 0 : i32
        %dma_wait3A_232 = tpu.memref_slice %arg9[%dma_wait3A_230, %dma_wait3A_231] : memref<10240x128xf32, #tpu.memory_space<vmem_shared>> -> memref<10240x128xf32, #tpu.memory_space<vmem_shared>>
        tpu.wait_indirect_dma semaphore(%run_scoped3A_220 : memref<!tpu.dma_semaphore, #tpu.memory_space<semaphore_mem>>) src(%arg8 : memref<128x128xf32, #tpu.memory_space<vmem>>) dst(%dma_wait3A_232 : memref<10240x128xf32, #tpu.memory_space<vmem_shared>>)
        tpu.yield
      }) : () -> ()
      %dma_start3A_113 = arith.constant 3 : i32
      %dma_start3A_114 = arith.constant 0 : i32
      %dma_start3A_115 = tpu.memref_slice %arg5[%dma_start3A_113, %dma_start3A_114] : memref<8x128xi32, #tpu.memory_space<vmem>> -> memref<1x128xi32, #tpu.memory_space<vmem>>
      %dma_start3A_116 = tpu.memref_squeeze %dma_start3A_115 : memref<1x128xi32, #tpu.memory_space<vmem>> -> memref<128xi32, #tpu.memory_space<vmem>>
      %dma_start3A_117 = arith.constant 0 : i32
      %dma_start3A_118 = arith.constant 0 : i32
      %dma_start3A_119 = tpu.memref_slice %arg2[%dma_start3A_117, %dma_start3A_118] : memref<10000x128xf32, #tpu.memory_space<hbm>> -> memref<10000x128xf32, #tpu.memory_space<hbm>>
      tpu.enqueue_indirect_dma source(%dma_start3A_119 : memref<10000x128xf32, #tpu.memory_space<hbm>>) target(%arg8 : memref<128x128xf32, #tpu.memory_space<vmem>>) offsets(%dma_start3A_116 : memref<128xi32, #tpu.memory_space<vmem>>) semaphore(%arg11 : memref<!tpu.dma_semaphore, #tpu.memory_space<semaphore_mem>>)
      %dma_wait3A_120 = arith.constant 2 : i32
      %dma_wait3A_121 = arith.constant 0 : i32
      %dma_wait3A_122 = tpu.memref_slice %arg5[%dma_wait3A_120, %dma_wait3A_121] : memref<8x128xi32, #tpu.memory_space<vmem>> -> memref<1x128xi32, #tpu.memory_space<vmem>>
      %dma_wait3A_123 = tpu.memref_squeeze %dma_wait3A_122 : memref<1x128xi32, #tpu.memory_space<vmem>> -> memref<128xi32, #tpu.memory_space<vmem>>
      %dma_wait3A_124 = arith.constant 0 : i32
      %dma_wait3A_125 = arith.constant 0 : i32
      %dma_wait3A_126 = tpu.memref_slice %arg2[%dma_wait3A_124, %dma_wait3A_125] : memref<10000x128xf32, #tpu.memory_space<hbm>> -> memref<10000x128xf32, #tpu.memory_space<hbm>>
      tpu.wait_indirect_dma semaphore(%arg10 : memref<!tpu.dma_semaphore, #tpu.memory_space<semaphore_mem>>) src(%dma_wait3A_126 : memref<10000x128xf32, #tpu.memory_space<hbm>>) dst(%arg7 : memref<128x128xf32, #tpu.memory_space<vmem>>)
      %run_scoped3A_127 = arith.constant 6 : i32
      "tpu.region"() ({
        %run_scoped3A_220 = tpu.sem_alloc : memref<!tpu.dma_semaphore, #tpu.memory_space<semaphore_mem>>
        %dma_start3A_221 = arith.constant 0 : i32
        %dma_start3A_222 = tpu.memref_slice %arg5[%run_scoped3A_127, %dma_start3A_221] : memref<8x128xi32, #tpu.memory_space<vmem>> -> memref<1x128xi32, #tpu.memory_space<vmem>>
        %dma_start3A_223 = tpu.memref_squeeze %dma_start3A_222 : memref<1x128xi32, #tpu.memory_space<vmem>> -> memref<128xi32, #tpu.memory_space<vmem>>
        %dma_start3A_224 = arith.constant 0 : i32
        %dma_start3A_225 = arith.constant 0 : i32
        %dma_start3A_226 = tpu.memref_slice %arg9[%dma_start3A_224, %dma_start3A_225] : memref<10240x128xf32, #tpu.memory_space<vmem_shared>> -> memref<10240x128xf32, #tpu.memory_space<vmem_shared>>
        tpu.enqueue_indirect_dma source(%arg7 : memref<128x128xf32, #tpu.memory_space<vmem>>) target(%dma_start3A_226 : memref<10240x128xf32, #tpu.memory_space<vmem_shared>>) offsets(%dma_start3A_223 : memref<128xi32, #tpu.memory_space<vmem>>) semaphore(%run_scoped3A_220 : memref<!tpu.dma_semaphore, #tpu.memory_space<semaphore_mem>>) {add = true}
        %dma_wait3A_227 = arith.constant 0 : i32
        %dma_wait3A_228 = tpu.memref_slice %arg5[%run_scoped3A_127, %dma_wait3A_227] : memref<8x128xi32, #tpu.memory_space<vmem>> -> memref<1x128xi32, #tpu.memory_space<vmem>>
        %dma_wait3A_229 = tpu.memref_squeeze %dma_wait3A_228 : memref<1x128xi32, #tpu.memory_space<vmem>> -> memref<128xi32, #tpu.memory_space<vmem>>
        %dma_wait3A_230 = arith.constant 0 : i32
        %dma_wait3A_231 = arith.constant 0 : i32
        %dma_wait3A_232 = tpu.memref_slice %arg9[%dma_wait3A_230, %dma_wait3A_231] : memref<10240x128xf32, #tpu.memory_space<vmem_shared>> -> memref<10240x128xf32, #tpu.memory_space<vmem_shared>>
        tpu.wait_indirect_dma semaphore(%run_scoped3A_220 : memref<!tpu.dma_semaphore, #tpu.memory_space<semaphore_mem>>) src(%arg7 : memref<128x128xf32, #tpu.memory_space<vmem>>) dst(%dma_wait3A_232 : memref<10240x128xf32, #tpu.memory_space<vmem_shared>>)
        tpu.yield
      }) : () -> ()
      %dma_wait3A_128 = arith.constant 0 : i32
      %dma_wait3A_129 = tpu.memref_slice %arg3[%mul3A_83, %dma_wait3A_128] : memref<5120x128xi32, #tpu.memory_space<hbm>> -> memref<8x128xi32, #tpu.memory_space<hbm>>
      %dma_wait3A_130 = arith.constant 0 : i32
      %dma_wait3A_131 = tpu.memref_slice %arg3[%mul3A_83, %dma_wait3A_130] : memref<5120x128xi32, #tpu.memory_space<hbm>> -> memref<8x128xi32, #tpu.memory_space<hbm>>
      tpu.wait_dma2 semaphore(%arg13 : memref<!tpu.dma_semaphore, #tpu.memory_space<semaphore_mem>>) src(%dma_wait3A_131 : memref<8x128xi32, #tpu.memory_space<hbm>>) dst(%arg6 : memref<8x128xi32, #tpu.memory_space<vmem>>)
      %dma_start3A_132 = arith.constant 0 : i32
      %dma_start3A_133 = arith.constant 0 : i32
      %dma_start3A_134 = tpu.memref_slice %arg6[%dma_start3A_132, %dma_start3A_133] : memref<8x128xi32, #tpu.memory_space<vmem>> -> memref<1x128xi32, #tpu.memory_space<vmem>>
      %dma_start3A_135 = tpu.memref_squeeze %dma_start3A_134 : memref<1x128xi32, #tpu.memory_space<vmem>> -> memref<128xi32, #tpu.memory_space<vmem>>
      %dma_start3A_136 = arith.constant 0 : i32
      %dma_start3A_137 = arith.constant 0 : i32
      %dma_start3A_138 = tpu.memref_slice %arg2[%dma_start3A_136, %dma_start3A_137] : memref<10000x128xf32, #tpu.memory_space<hbm>> -> memref<10000x128xf32, #tpu.memory_space<hbm>>
      tpu.enqueue_indirect_dma source(%dma_start3A_138 : memref<10000x128xf32, #tpu.memory_space<hbm>>) target(%arg7 : memref<128x128xf32, #tpu.memory_space<vmem>>) offsets(%dma_start3A_135 : memref<128xi32, #tpu.memory_space<vmem>>) semaphore(%arg10 : memref<!tpu.dma_semaphore, #tpu.memory_space<semaphore_mem>>)
      %dma_wait3A_139 = arith.constant 3 : i32
      %dma_wait3A_140 = arith.constant 0 : i32
      %dma_wait3A_141 = tpu.memref_slice %arg5[%dma_wait3A_139, %dma_wait3A_140] : memref<8x128xi32, #tpu.memory_space<vmem>> -> memref<1x128xi32, #tpu.memory_space<vmem>>
      %dma_wait3A_142 = tpu.memref_squeeze %dma_wait3A_141 : memref<1x128xi32, #tpu.memory_space<vmem>> -> memref<128xi32, #tpu.memory_space<vmem>>
      %dma_wait3A_143 = arith.constant 0 : i32
      %dma_wait3A_144 = arith.constant 0 : i32
      %dma_wait3A_145 = tpu.memref_slice %arg2[%dma_wait3A_143, %dma_wait3A_144] : memref<10000x128xf32, #tpu.memory_space<hbm>> -> memref<10000x128xf32, #tpu.memory_space<hbm>>
      tpu.wait_indirect_dma semaphore(%arg11 : memref<!tpu.dma_semaphore, #tpu.memory_space<semaphore_mem>>) src(%dma_wait3A_145 : memref<10000x128xf32, #tpu.memory_space<hbm>>) dst(%arg8 : memref<128x128xf32, #tpu.memory_space<vmem>>)
      %run_scoped3A_146 = arith.constant 7 : i32
      "tpu.region"() ({
        %run_scoped3A_220 = tpu.sem_alloc : memref<!tpu.dma_semaphore, #tpu.memory_space<semaphore_mem>>
        %dma_start3A_221 = arith.constant 0 : i32
        %dma_start3A_222 = tpu.memref_slice %arg5[%run_scoped3A_146, %dma_start3A_221] : memref<8x128xi32, #tpu.memory_space<vmem>> -> memref<1x128xi32, #tpu.memory_space<vmem>>
        %dma_start3A_223 = tpu.memref_squeeze %dma_start3A_222 : memref<1x128xi32, #tpu.memory_space<vmem>> -> memref<128xi32, #tpu.memory_space<vmem>>
        %dma_start3A_224 = arith.constant 0 : i32
        %dma_start3A_225 = arith.constant 0 : i32
        %dma_start3A_226 = tpu.memref_slice %arg9[%dma_start3A_224, %dma_start3A_225] : memref<10240x128xf32, #tpu.memory_space<vmem_shared>> -> memref<10240x128xf32, #tpu.memory_space<vmem_shared>>
        tpu.enqueue_indirect_dma source(%arg8 : memref<128x128xf32, #tpu.memory_space<vmem>>) target(%dma_start3A_226 : memref<10240x128xf32, #tpu.memory_space<vmem_shared>>) offsets(%dma_start3A_223 : memref<128xi32, #tpu.memory_space<vmem>>) semaphore(%run_scoped3A_220 : memref<!tpu.dma_semaphore, #tpu.memory_space<semaphore_mem>>) {add = true}
        %dma_wait3A_227 = arith.constant 0 : i32
        %dma_wait3A_228 = tpu.memref_slice %arg5[%run_scoped3A_146, %dma_wait3A_227] : memref<8x128xi32, #tpu.memory_space<vmem>> -> memref<1x128xi32, #tpu.memory_space<vmem>>
        %dma_wait3A_229 = tpu.memref_squeeze %dma_wait3A_228 : memref<1x128xi32, #tpu.memory_space<vmem>> -> memref<128xi32, #tpu.memory_space<vmem>>
        %dma_wait3A_230 = arith.constant 0 : i32
        %dma_wait3A_231 = arith.constant 0 : i32
        %dma_wait3A_232 = tpu.memref_slice %arg9[%dma_wait3A_230, %dma_wait3A_231] : memref<10240x128xf32, #tpu.memory_space<vmem_shared>> -> memref<10240x128xf32, #tpu.memory_space<vmem_shared>>
        tpu.wait_indirect_dma semaphore(%run_scoped3A_220 : memref<!tpu.dma_semaphore, #tpu.memory_space<semaphore_mem>>) src(%arg8 : memref<128x128xf32, #tpu.memory_space<vmem>>) dst(%dma_wait3A_232 : memref<10240x128xf32, #tpu.memory_space<vmem_shared>>)
        tpu.yield
      }) : () -> ()
      %dma_start3A_147 = arith.constant 0 : i32
      %dma_start3A_148 = tpu.memref_slice %arg3[%mul3A_72, %dma_start3A_147] : memref<5120x128xi32, #tpu.memory_space<hbm>> -> memref<8x128xi32, #tpu.memory_space<hbm>>
      %dma_start3A_149 = arith.constant 0 : i32
      %dma_start3A_150 = tpu.memref_slice %arg3[%mul3A_72, %dma_start3A_149] : memref<5120x128xi32, #tpu.memory_space<hbm>> -> memref<8x128xi32, #tpu.memory_space<hbm>>
      tpu.enqueue_dma source(%dma_start3A_150 : memref<8x128xi32, #tpu.memory_space<hbm>>) target(%arg5 : memref<8x128xi32, #tpu.memory_space<vmem>>) target_semaphore(%arg12 : memref<!tpu.dma_semaphore, #tpu.memory_space<semaphore_mem>>)
      %dma_start3A_151 = arith.constant 1 : i32
      %dma_start3A_152 = arith.constant 0 : i32
      %dma_start3A_153 = tpu.memref_slice %arg6[%dma_start3A_151, %dma_start3A_152] : memref<8x128xi32, #tpu.memory_space<vmem>> -> memref<1x128xi32, #tpu.memory_space<vmem>>
      %dma_start3A_154 = tpu.memref_squeeze %dma_start3A_153 : memref<1x128xi32, #tpu.memory_space<vmem>> -> memref<128xi32, #tpu.memory_space<vmem>>
      %dma_start3A_155 = arith.constant 0 : i32
      %dma_start3A_156 = arith.constant 0 : i32
      %dma_start3A_157 = tpu.memref_slice %arg2[%dma_start3A_155, %dma_start3A_156] : memref<10000x128xf32, #tpu.memory_space<hbm>> -> memref<10000x128xf32, #tpu.memory_space<hbm>>
      tpu.enqueue_indirect_dma source(%dma_start3A_157 : memref<10000x128xf32, #tpu.memory_space<hbm>>) target(%arg8 : memref<128x128xf32, #tpu.memory_space<vmem>>) offsets(%dma_start3A_154 : memref<128xi32, #tpu.memory_space<vmem>>) semaphore(%arg11 : memref<!tpu.dma_semaphore, #tpu.memory_space<semaphore_mem>>)
      %dma_wait3A_158 = arith.constant 0 : i32
      %dma_wait3A_159 = arith.constant 0 : i32
      %dma_wait3A_160 = tpu.memref_slice %arg6[%dma_wait3A_158, %dma_wait3A_159] : memref<8x128xi32, #tpu.memory_space<vmem>> -> memref<1x128xi32, #tpu.memory_space<vmem>>
      %dma_wait3A_161 = tpu.memref_squeeze %dma_wait3A_160 : memref<1x128xi32, #tpu.memory_space<vmem>> -> memref<128xi32, #tpu.memory_space<vmem>>
      %dma_wait3A_162 = arith.constant 0 : i32
      %dma_wait3A_163 = arith.constant 0 : i32
      %dma_wait3A_164 = tpu.memref_slice %arg2[%dma_wait3A_162, %dma_wait3A_163] : memref<10000x128xf32, #tpu.memory_space<hbm>> -> memref<10000x128xf32, #tpu.memory_space<hbm>>
      tpu.wait_indirect_dma semaphore(%arg10 : memref<!tpu.dma_semaphore, #tpu.memory_space<semaphore_mem>>) src(%dma_wait3A_164 : memref<10000x128xf32, #tpu.memory_space<hbm>>) dst(%arg7 : memref<128x128xf32, #tpu.memory_space<vmem>>)
      %run_scoped3A_165 = arith.constant 4 : i32
      "tpu.region"() ({
        %run_scoped3A_220 = tpu.sem_alloc : memref<!tpu.dma_semaphore, #tpu.memory_space<semaphore_mem>>
        %dma_start3A_221 = arith.constant 0 : i32
        %dma_start3A_222 = tpu.memref_slice %arg6[%run_scoped3A_165, %dma_start3A_221] : memref<8x128xi32, #tpu.memory_space<vmem>> -> memref<1x128xi32, #tpu.memory_space<vmem>>
        %dma_start3A_223 = tpu.memref_squeeze %dma_start3A_222 : memref<1x128xi32, #tpu.memory_space<vmem>> -> memref<128xi32, #tpu.memory_space<vmem>>
        %dma_start3A_224 = arith.constant 0 : i32
        %dma_start3A_225 = arith.constant 0 : i32
        %dma_start3A_226 = tpu.memref_slice %arg9[%dma_start3A_224, %dma_start3A_225] : memref<10240x128xf32, #tpu.memory_space<vmem_shared>> -> memref<10240x128xf32, #tpu.memory_space<vmem_shared>>
        tpu.enqueue_indirect_dma source(%arg7 : memref<128x128xf32, #tpu.memory_space<vmem>>) target(%dma_start3A_226 : memref<10240x128xf32, #tpu.memory_space<vmem_shared>>) offsets(%dma_start3A_223 : memref<128xi32, #tpu.memory_space<vmem>>) semaphore(%run_scoped3A_220 : memref<!tpu.dma_semaphore, #tpu.memory_space<semaphore_mem>>) {add = true}
        %dma_wait3A_227 = arith.constant 0 : i32
        %dma_wait3A_228 = tpu.memref_slice %arg6[%run_scoped3A_165, %dma_wait3A_227] : memref<8x128xi32, #tpu.memory_space<vmem>> -> memref<1x128xi32, #tpu.memory_space<vmem>>
        %dma_wait3A_229 = tpu.memref_squeeze %dma_wait3A_228 : memref<1x128xi32, #tpu.memory_space<vmem>> -> memref<128xi32, #tpu.memory_space<vmem>>
        %dma_wait3A_230 = arith.constant 0 : i32
        %dma_wait3A_231 = arith.constant 0 : i32
        %dma_wait3A_232 = tpu.memref_slice %arg9[%dma_wait3A_230, %dma_wait3A_231] : memref<10240x128xf32, #tpu.memory_space<vmem_shared>> -> memref<10240x128xf32, #tpu.memory_space<vmem_shared>>
        tpu.wait_indirect_dma semaphore(%run_scoped3A_220 : memref<!tpu.dma_semaphore, #tpu.memory_space<semaphore_mem>>) src(%arg7 : memref<128x128xf32, #tpu.memory_space<vmem>>) dst(%dma_wait3A_232 : memref<10240x128xf32, #tpu.memory_space<vmem_shared>>)
        tpu.yield
      }) : () -> ()
      %dma_start3A_166 = arith.constant 2 : i32
      %dma_start3A_167 = arith.constant 0 : i32
      %dma_start3A_168 = tpu.memref_slice %arg6[%dma_start3A_166, %dma_start3A_167] : memref<8x128xi32, #tpu.memory_space<vmem>> -> memref<1x128xi32, #tpu.memory_space<vmem>>
      %dma_start3A_169 = tpu.memref_squeeze %dma_start3A_168 : memref<1x128xi32, #tpu.memory_space<vmem>> -> memref<128xi32, #tpu.memory_space<vmem>>
      %dma_start3A_170 = arith.constant 0 : i32
      %dma_start3A_171 = arith.constant 0 : i32
      %dma_start3A_172 = tpu.memref_slice %arg2[%dma_start3A_170, %dma_start3A_171] : memref<10000x128xf32, #tpu.memory_space<hbm>> -> memref<10000x128xf32, #tpu.memory_space<hbm>>
      tpu.enqueue_indirect_dma source(%dma_start3A_172 : memref<10000x128xf32, #tpu.memory_space<hbm>>) target(%arg7 : memref<128x128xf32, #tpu.memory_space<vmem>>) offsets(%dma_start3A_169 : memref<128xi32, #tpu.memory_space<vmem>>) semaphore(%arg10 : memref<!tpu.dma_semaphore, #tpu.memory_space<semaphore_mem>>)
      %dma_wait3A_173 = arith.constant 1 : i32
      %dma_wait3A_174 = arith.constant 0 : i32
      %dma_wait3A_175 = tpu.memref_slice %arg6[%dma_wait3A_173, %dma_wait3A_174] : memref<8x128xi32, #tpu.memory_space<vmem>> -> memref<1x128xi32, #tpu.memory_space<vmem>>
      %dma_wait3A_176 = tpu.memref_squeeze %dma_wait3A_175 : memref<1x128xi32, #tpu.memory_space<vmem>> -> memref<128xi32, #tpu.memory_space<vmem>>
      %dma_wait3A_177 = arith.constant 0 : i32
      %dma_wait3A_178 = arith.constant 0 : i32
      %dma_wait3A_179 = tpu.memref_slice %arg2[%dma_wait3A_177, %dma_wait3A_178] : memref<10000x128xf32, #tpu.memory_space<hbm>> -> memref<10000x128xf32, #tpu.memory_space<hbm>>
      tpu.wait_indirect_dma semaphore(%arg11 : memref<!tpu.dma_semaphore, #tpu.memory_space<semaphore_mem>>) src(%dma_wait3A_179 : memref<10000x128xf32, #tpu.memory_space<hbm>>) dst(%arg8 : memref<128x128xf32, #tpu.memory_space<vmem>>)
      %run_scoped3A_180 = arith.constant 5 : i32
      "tpu.region"() ({
        %run_scoped3A_220 = tpu.sem_alloc : memref<!tpu.dma_semaphore, #tpu.memory_space<semaphore_mem>>
        %dma_start3A_221 = arith.constant 0 : i32
        %dma_start3A_222 = tpu.memref_slice %arg6[%run_scoped3A_180, %dma_start3A_221] : memref<8x128xi32, #tpu.memory_space<vmem>> -> memref<1x128xi32, #tpu.memory_space<vmem>>
        %dma_start3A_223 = tpu.memref_squeeze %dma_start3A_222 : memref<1x128xi32, #tpu.memory_space<vmem>> -> memref<128xi32, #tpu.memory_space<vmem>>
        %dma_start3A_224 = arith.constant 0 : i32
        %dma_start3A_225 = arith.constant 0 : i32
        %dma_start3A_226 = tpu.memref_slice %arg9[%dma_start3A_224, %dma_start3A_225] : memref<10240x128xf32, #tpu.memory_space<vmem_shared>> -> memref<10240x128xf32, #tpu.memory_space<vmem_shared>>
        tpu.enqueue_indirect_dma source(%arg8 : memref<128x128xf32, #tpu.memory_space<vmem>>) target(%dma_start3A_226 : memref<10240x128xf32, #tpu.memory_space<vmem_shared>>) offsets(%dma_start3A_223 : memref<128xi32, #tpu.memory_space<vmem>>) semaphore(%run_scoped3A_220 : memref<!tpu.dma_semaphore, #tpu.memory_space<semaphore_mem>>) {add = true}
        %dma_wait3A_227 = arith.constant 0 : i32
        %dma_wait3A_228 = tpu.memref_slice %arg6[%run_scoped3A_180, %dma_wait3A_227] : memref<8x128xi32, #tpu.memory_space<vmem>> -> memref<1x128xi32, #tpu.memory_space<vmem>>
        %dma_wait3A_229 = tpu.memref_squeeze %dma_wait3A_228 : memref<1x128xi32, #tpu.memory_space<vmem>> -> memref<128xi32, #tpu.memory_space<vmem>>
        %dma_wait3A_230 = arith.constant 0 : i32
        %dma_wait3A_231 = arith.constant 0 : i32
        %dma_wait3A_232 = tpu.memref_slice %arg9[%dma_wait3A_230, %dma_wait3A_231] : memref<10240x128xf32, #tpu.memory_space<vmem_shared>> -> memref<10240x128xf32, #tpu.memory_space<vmem_shared>>
        tpu.wait_indirect_dma semaphore(%run_scoped3A_220 : memref<!tpu.dma_semaphore, #tpu.memory_space<semaphore_mem>>) src(%arg8 : memref<128x128xf32, #tpu.memory_space<vmem>>) dst(%dma_wait3A_232 : memref<10240x128xf32, #tpu.memory_space<vmem_shared>>)
        tpu.yield
      }) : () -> ()
      %dma_start3A_181 = arith.constant 3 : i32
      %dma_start3A_182 = arith.constant 0 : i32
      %dma_start3A_183 = tpu.memref_slice %arg6[%dma_start3A_181, %dma_start3A_182] : memref<8x128xi32, #tpu.memory_space<vmem>> -> memref<1x128xi32, #tpu.memory_space<vmem>>
      %dma_start3A_184 = tpu.memref_squeeze %dma_start3A_183 : memref<1x128xi32, #tpu.memory_space<vmem>> -> memref<128xi32, #tpu.memory_space<vmem>>
      %dma_start3A_185 = arith.constant 0 : i32
      %dma_start3A_186 = arith.constant 0 : i32
      %dma_start3A_187 = tpu.memref_slice %arg2[%dma_start3A_185, %dma_start3A_186] : memref<10000x128xf32, #tpu.memory_space<hbm>> -> memref<10000x128xf32, #tpu.memory_space<hbm>>
      tpu.enqueue_indirect_dma source(%dma_start3A_187 : memref<10000x128xf32, #tpu.memory_space<hbm>>) target(%arg8 : memref<128x128xf32, #tpu.memory_space<vmem>>) offsets(%dma_start3A_184 : memref<128xi32, #tpu.memory_space<vmem>>) semaphore(%arg11 : memref<!tpu.dma_semaphore, #tpu.memory_space<semaphore_mem>>)
      %dma_wait3A_188 = arith.constant 2 : i32
      %dma_wait3A_189 = arith.constant 0 : i32
      %dma_wait3A_190 = tpu.memref_slice %arg6[%dma_wait3A_188, %dma_wait3A_189] : memref<8x128xi32, #tpu.memory_space<vmem>> -> memref<1x128xi32, #tpu.memory_space<vmem>>
      %dma_wait3A_191 = tpu.memref_squeeze %dma_wait3A_190 : memref<1x128xi32, #tpu.memory_space<vmem>> -> memref<128xi32, #tpu.memory_space<vmem>>
      %dma_wait3A_192 = arith.constant 0 : i32
      %dma_wait3A_193 = arith.constant 0 : i32
      %dma_wait3A_194 = tpu.memref_slice %arg2[%dma_wait3A_192, %dma_wait3A_193] : memref<10000x128xf32, #tpu.memory_space<hbm>> -> memref<10000x128xf32, #tpu.memory_space<hbm>>
      tpu.wait_indirect_dma semaphore(%arg10 : memref<!tpu.dma_semaphore, #tpu.memory_space<semaphore_mem>>) src(%dma_wait3A_194 : memref<10000x128xf32, #tpu.memory_space<hbm>>) dst(%arg7 : memref<128x128xf32, #tpu.memory_space<vmem>>)
      %run_scoped3A_195 = arith.constant 6 : i32
      "tpu.region"() ({
        %run_scoped3A_220 = tpu.sem_alloc : memref<!tpu.dma_semaphore, #tpu.memory_space<semaphore_mem>>
        %dma_start3A_221 = arith.constant 0 : i32
        %dma_start3A_222 = tpu.memref_slice %arg6[%run_scoped3A_195, %dma_start3A_221] : memref<8x128xi32, #tpu.memory_space<vmem>> -> memref<1x128xi32, #tpu.memory_space<vmem>>
        %dma_start3A_223 = tpu.memref_squeeze %dma_start3A_222 : memref<1x128xi32, #tpu.memory_space<vmem>> -> memref<128xi32, #tpu.memory_space<vmem>>
        %dma_start3A_224 = arith.constant 0 : i32
        %dma_start3A_225 = arith.constant 0 : i32
        %dma_start3A_226 = tpu.memref_slice %arg9[%dma_start3A_224, %dma_start3A_225] : memref<10240x128xf32, #tpu.memory_space<vmem_shared>> -> memref<10240x128xf32, #tpu.memory_space<vmem_shared>>
        tpu.enqueue_indirect_dma source(%arg7 : memref<128x128xf32, #tpu.memory_space<vmem>>) target(%dma_start3A_226 : memref<10240x128xf32, #tpu.memory_space<vmem_shared>>) offsets(%dma_start3A_223 : memref<128xi32, #tpu.memory_space<vmem>>) semaphore(%run_scoped3A_220 : memref<!tpu.dma_semaphore, #tpu.memory_space<semaphore_mem>>) {add = true}
        %dma_wait3A_227 = arith.constant 0 : i32
        %dma_wait3A_228 = tpu.memref_slice %arg6[%run_scoped3A_195, %dma_wait3A_227] : memref<8x128xi32, #tpu.memory_space<vmem>> -> memref<1x128xi32, #tpu.memory_space<vmem>>
        %dma_wait3A_229 = tpu.memref_squeeze %dma_wait3A_228 : memref<1x128xi32, #tpu.memory_space<vmem>> -> memref<128xi32, #tpu.memory_space<vmem>>
        %dma_wait3A_230 = arith.constant 0 : i32
        %dma_wait3A_231 = arith.constant 0 : i32
        %dma_wait3A_232 = tpu.memref_slice %arg9[%dma_wait3A_230, %dma_wait3A_231] : memref<10240x128xf32, #tpu.memory_space<vmem_shared>> -> memref<10240x128xf32, #tpu.memory_space<vmem_shared>>
        tpu.wait_indirect_dma semaphore(%run_scoped3A_220 : memref<!tpu.dma_semaphore, #tpu.memory_space<semaphore_mem>>) src(%arg7 : memref<128x128xf32, #tpu.memory_space<vmem>>) dst(%dma_wait3A_232 : memref<10240x128xf32, #tpu.memory_space<vmem_shared>>)
        tpu.yield
      }) : () -> ()
      %dma_wait3A_196 = arith.constant 0 : i32
      %dma_wait3A_197 = tpu.memref_slice %arg3[%mul3A_72, %dma_wait3A_196] : memref<5120x128xi32, #tpu.memory_space<hbm>> -> memref<8x128xi32, #tpu.memory_space<hbm>>
      %dma_wait3A_198 = arith.constant 0 : i32
      %dma_wait3A_199 = tpu.memref_slice %arg3[%mul3A_72, %dma_wait3A_198] : memref<5120x128xi32, #tpu.memory_space<hbm>> -> memref<8x128xi32, #tpu.memory_space<hbm>>
      tpu.wait_dma2 semaphore(%arg12 : memref<!tpu.dma_semaphore, #tpu.memory_space<semaphore_mem>>) src(%dma_wait3A_199 : memref<8x128xi32, #tpu.memory_space<hbm>>) dst(%arg5 : memref<8x128xi32, #tpu.memory_space<vmem>>)
      %dma_start3A_200 = arith.constant 0 : i32
      %dma_start3A_201 = arith.constant 0 : i32
      %dma_start3A_202 = tpu.memref_slice %arg5[%dma_start3A_200, %dma_start3A_201] : memref<8x128xi32, #tpu.memory_space<vmem>> -> memref<1x128xi32, #tpu.memory_space<vmem>>
      %dma_start3A_203 = tpu.memref_squeeze %dma_start3A_202 : memref<1x128xi32, #tpu.memory_space<vmem>> -> memref<128xi32, #tpu.memory_space<vmem>>
      %dma_start3A_204 = arith.constant 0 : i32
      %dma_start3A_205 = arith.constant 0 : i32
      %dma_start3A_206 = tpu.memref_slice %arg2[%dma_start3A_204, %dma_start3A_205] : memref<10000x128xf32, #tpu.memory_space<hbm>> -> memref<10000x128xf32, #tpu.memory_space<hbm>>
      tpu.enqueue_indirect_dma source(%dma_start3A_206 : memref<10000x128xf32, #tpu.memory_space<hbm>>) target(%arg7 : memref<128x128xf32, #tpu.memory_space<vmem>>) offsets(%dma_start3A_203 : memref<128xi32, #tpu.memory_space<vmem>>) semaphore(%arg10 : memref<!tpu.dma_semaphore, #tpu.memory_space<semaphore_mem>>)
      %dma_wait3A_207 = arith.constant 3 : i32
      %dma_wait3A_208 = arith.constant 0 : i32
      %dma_wait3A_209 = tpu.memref_slice %arg6[%dma_wait3A_207, %dma_wait3A_208] : memref<8x128xi32, #tpu.memory_space<vmem>> -> memref<1x128xi32, #tpu.memory_space<vmem>>
      %dma_wait3A_210 = tpu.memref_squeeze %dma_wait3A_209 : memref<1x128xi32, #tpu.memory_space<vmem>> -> memref<128xi32, #tpu.memory_space<vmem>>
      %dma_wait3A_211 = arith.constant 0 : i32
      %dma_wait3A_212 = arith.constant 0 : i32
      %dma_wait3A_213 = tpu.memref_slice %arg2[%dma_wait3A_211, %dma_wait3A_212] : memref<10000x128xf32, #tpu.memory_space<hbm>> -> memref<10000x128xf32, #tpu.memory_space<hbm>>
      tpu.wait_indirect_dma semaphore(%arg11 : memref<!tpu.dma_semaphore, #tpu.memory_space<semaphore_mem>>) src(%dma_wait3A_213 : memref<10000x128xf32, #tpu.memory_space<hbm>>) dst(%arg8 : memref<128x128xf32, #tpu.memory_space<vmem>>)
      %run_scoped3A_214 = arith.constant 7 : i32
      "tpu.region"() ({
        %run_scoped3A_220 = tpu.sem_alloc : memref<!tpu.dma_semaphore, #tpu.memory_space<semaphore_mem>>
        %dma_start3A_221 = arith.constant 0 : i32
        %dma_start3A_222 = tpu.memref_slice %arg6[%run_scoped3A_214, %dma_start3A_221] : memref<8x128xi32, #tpu.memory_space<vmem>> -> memref<1x128xi32, #tpu.memory_space<vmem>>
        %dma_start3A_223 = tpu.memref_squeeze %dma_start3A_222 : memref<1x128xi32, #tpu.memory_space<vmem>> -> memref<128xi32, #tpu.memory_space<vmem>>
        %dma_start3A_224 = arith.constant 0 : i32
        %dma_start3A_225 = arith.constant 0 : i32
        %dma_start3A_226 = tpu.memref_slice %arg9[%dma_start3A_224, %dma_start3A_225] : memref<10240x128xf32, #tpu.memory_space<vmem_shared>> -> memref<10240x128xf32, #tpu.memory_space<vmem_shared>>
        tpu.enqueue_indirect_dma source(%arg8 : memref<128x128xf32, #tpu.memory_space<vmem>>) target(%dma_start3A_226 : memref<10240x128xf32, #tpu.memory_space<vmem_shared>>) offsets(%dma_start3A_223 : memref<128xi32, #tpu.memory_space<vmem>>) semaphore(%run_scoped3A_220 : memref<!tpu.dma_semaphore, #tpu.memory_space<semaphore_mem>>) {add = true}
        %dma_wait3A_227 = arith.constant 0 : i32
        %dma_wait3A_228 = tpu.memref_slice %arg6[%run_scoped3A_214, %dma_wait3A_227] : memref<8x128xi32, #tpu.memory_space<vmem>> -> memref<1x128xi32, #tpu.memory_space<vmem>>
        %dma_wait3A_229 = tpu.memref_squeeze %dma_wait3A_228 : memref<1x128xi32, #tpu.memory_space<vmem>> -> memref<128xi32, #tpu.memory_space<vmem>>
        %dma_wait3A_230 = arith.constant 0 : i32
        %dma_wait3A_231 = arith.constant 0 : i32
        %dma_wait3A_232 = tpu.memref_slice %arg9[%dma_wait3A_230, %dma_wait3A_231] : memref<10240x128xf32, #tpu.memory_space<vmem_shared>> -> memref<10240x128xf32, #tpu.memory_space<vmem_shared>>
        tpu.wait_indirect_dma semaphore(%run_scoped3A_220 : memref<!tpu.dma_semaphore, #tpu.memory_space<semaphore_mem>>) src(%arg8 : memref<128x128xf32, #tpu.memory_space<vmem>>) dst(%dma_wait3A_232 : memref<10240x128xf32, #tpu.memory_space<vmem_shared>>)
        tpu.yield
      }) : () -> ()
      %dma_start3A_215 = arith.constant 0 : i32
      %dma_start3A_216 = tpu.memref_slice %arg3[%mul3A_83, %dma_start3A_215] : memref<5120x128xi32, #tpu.memory_space<hbm>> -> memref<8x128xi32, #tpu.memory_space<hbm>>
      %dma_start3A_217 = arith.constant 0 : i32
      %dma_start3A_218 = tpu.memref_slice %arg3[%mul3A_83, %dma_start3A_217] : memref<5120x128xi32, #tpu.memory_space<hbm>> -> memref<8x128xi32, #tpu.memory_space<hbm>>
      tpu.enqueue_dma source(%dma_start3A_218 : memref<8x128xi32, #tpu.memory_space<hbm>>) target(%arg6 : memref<8x128xi32, #tpu.memory_space<vmem>>) target_semaphore(%arg13 : memref<!tpu.dma_semaphore, #tpu.memory_space<semaphore_mem>>)
      %scan3A_219 = arith.constant 0 : i32
      scf.yield %scan3A_219 : i32
    }
    %scan3A_40 = arith.constant 10 : i32
    %dma_wait3A = arith.constant 0 : i32
    %dma_wait3A_41 = arith.constant 0 : i32
    %dma_wait3A_42 = tpu.memref_slice %arg5[%dma_wait3A, %dma_wait3A_41] : memref<8x128xi32, #tpu.memory_space<vmem>> -> memref<1x128xi32, #tpu.memory_space<vmem>>
    %dma_wait3A_43 = tpu.memref_squeeze %dma_wait3A_42 : memref<1x128xi32, #tpu.memory_space<vmem>> -> memref<128xi32, #tpu.memory_space<vmem>>
    %dma_wait3A_44 = arith.constant 0 : i32
    %dma_wait3A_45 = arith.constant 0 : i32
    %dma_wait3A_46 = tpu.memref_slice %arg2[%dma_wait3A_44, %dma_wait3A_45] : memref<10000x128xf32, #tpu.memory_space<hbm>> -> memref<10000x128xf32, #tpu.memory_space<hbm>>
    tpu.wait_indirect_dma semaphore(%arg10 : memref<!tpu.dma_semaphore, #tpu.memory_space<semaphore_mem>>) src(%dma_wait3A_46 : memref<10000x128xf32, #tpu.memory_space<hbm>>) dst(%arg7 : memref<128x128xf32, #tpu.memory_space<vmem>>)
    %dma_wait3A_47 = arith.constant 0 : i32
    %dma_wait3A_48 = arith.constant 0 : i32
    %dma_wait3A_49 = tpu.memref_slice %arg3[%dma_wait3A_47, %dma_wait3A_48] : memref<5120x128xi32, #tpu.memory_space<hbm>> -> memref<8x128xi32, #tpu.memory_space<hbm>>
    %dma_wait3A_50 = arith.constant 0 : i32
    %dma_wait3A_51 = arith.constant 0 : i32
    %dma_wait3A_52 = tpu.memref_slice %arg3[%dma_wait3A_50, %dma_wait3A_51] : memref<5120x128xi32, #tpu.memory_space<hbm>> -> memref<8x128xi32, #tpu.memory_space<hbm>>
    tpu.wait_dma2 semaphore(%arg13 : memref<!tpu.dma_semaphore, #tpu.memory_space<semaphore_mem>>) src(%dma_wait3A_52 : memref<8x128xi32, #tpu.memory_space<hbm>>) dst(%arg6 : memref<8x128xi32, #tpu.memory_space<vmem>>)
    %barrier3A_53 = arith.constant 0 : index
    tpu.barrier barrier_id(%barrier3A_53)
    %mul3A_54 = arith.constant 640 : i32
    %mul3A_55 = arith.muli %arg1, %mul3A_54 : i32
    %mul3A_56 = arith.constant 10400 : i32
    %mul3A_57 = arith.muli %arg0, %mul3A_56 : i32
    %mul3A_58 = arith.constant 640 : i32
    %mul3A_59 = arith.muli %arg1, %mul3A_58 : i32
    %add3A_60 = arith.addi %mul3A_57, %mul3A_59 : i32
    "tpu.region"() ({
      %run_scoped3A = tpu.sem_alloc : memref<!tpu.dma_semaphore, #tpu.memory_space<semaphore_mem>>
      %dma_start3A_61 = arith.constant 0 : i32
      %dma_start3A_62 = tpu.memref_slice %arg4[%add3A_60, %dma_start3A_61] : memref<20640x128xf32, #tpu.memory_space<hbm>> -> memref<640x128xf32, #tpu.memory_space<hbm>>
      %dma_start3A_63 = arith.constant 0 : i32
      %dma_start3A_64 = tpu.memref_slice %arg9[%mul3A_55, %dma_start3A_63] : memref<10240x128xf32, #tpu.memory_space<vmem_shared>> -> memref<640x128xf32, #tpu.memory_space<vmem_shared>>
      tpu.enqueue_dma source(%dma_start3A_64 : memref<640x128xf32, #tpu.memory_space<vmem_shared>>) target(%dma_start3A_62 : memref<640x128xf32, #tpu.memory_space<hbm>>) target_semaphore(%run_scoped3A : memref<!tpu.dma_semaphore, #tpu.memory_space<semaphore_mem>>)
      %dma_wait3A_65 = arith.constant 0 : i32
      %dma_wait3A_66 = tpu.memref_slice %arg4[%add3A_60, %dma_wait3A_65] : memref<20640x128xf32, #tpu.memory_space<hbm>> -> memref<640x128xf32, #tpu.memory_space<hbm>>
      %dma_wait3A_67 = arith.constant 0 : i32
      %dma_wait3A_68 = tpu.memref_slice %arg9[%mul3A_55, %dma_wait3A_67] : memref<10240x128xf32, #tpu.memory_space<vmem_shared>> -> memref<640x128xf32, #tpu.memory_space<vmem_shared>>
      tpu.wait_dma2 semaphore(%run_scoped3A : memref<!tpu.dma_semaphore, #tpu.memory_space<semaphore_mem>>) src(%dma_wait3A_68 : memref<640x128xf32, #tpu.memory_space<vmem_shared>>) dst(%dma_wait3A_66 : memref<640x128xf32, #tpu.memory_space<hbm>>)
      tpu.yield
    }) : () -> ()
    return
  }
}

#map = affine_map<(d0, d1) -> (0, 0)>
module attributes {stable_mosaic.version = 14 : i64} {
  func.func @_sc_deg_body(%arg0: i32, %arg1: i32, %arg2: memref<2560x128xi32, #tpu.memory_space<hbm>>, %arg3: memref<20640x128xf32, #tpu.memory_space<hbm>>, %arg4: memref<80x128xi32, #tpu.memory_space<vmem>>, %arg5: memref<128x128xf32, #tpu.memory_space<vmem>>, %arg6: memref<80x128xf32, #tpu.memory_space<vmem>>, %arg7: memref<10240x128xf32, #tpu.memory_space<vmem_shared>>, %arg8: memref<!tpu.dma_semaphore, #tpu.memory_space<semaphore_mem>>) attributes {dimension_semantics = [#tpu.dimension_semantics<core_parallel>, #tpu.dimension_semantics<subcore_parallel>], iteration_bounds = array<i64: 2, 16>, scalar_prefetch = 0 : i64, scratch_operands = 5 : i64, tpu.core_type = #tpu.core_type<sc_vector_subcore>, window_params = [{transform_indices = #map}, {transform_indices = #map}]} {
    %mul3A = arith.constant 16 : i32
    %mul3A_0 = arith.muli %arg0, %mul3A : i32
    %add3A = arith.addi %mul3A_0, %arg1 : i32
    %scan3A = arith.constant 0 : i32
    %scan3A_1 = arith.constant 0 : i32
    %scan3A_2 = arith.constant 1024 : i32
    %scan3A_3 = arith.addi %scan3A_1, %scan3A_2 : i32
    %scan3A_4 = arith.constant 1 : i32
    %scan3A_5 = scf.for %scan3A_148 = %scan3A_1 to %scan3A_3 step %scan3A_4 iter_args(%scan3A_149 = %scan3A) -> (i32)  : i32 {
      %broadcast_in_dim3A = arith.constant 1.000000e+00 : f32
      %broadcast_in_dim3A_150 = vector.broadcast %broadcast_in_dim3A : f32 to vector<16xf32>
      %jit3A = arith.constant 8 : i32
      %div3A = arith.divsi %scan3A_148, %jit3A : i32
      %sign3A = arith.constant 0 : i32
      %sign3A_151 = arith.cmpi sgt, %scan3A_148, %sign3A : i32
      %sign3A_152 = arith.extui %sign3A_151 : i1 to i32
      %sign3A_153 = arith.constant 0 : i32
      %sign3A_154 = arith.cmpi slt, %scan3A_148, %sign3A_153 : i32
      %sign3A_155 = arith.extui %sign3A_154 : i1 to i32
      %sign3A_156 = arith.subi %sign3A_152, %sign3A_155 : i32
      %sign3A_157 = arith.constant 0 : i32
      %sign3A_158 = arith.cmpi sgt, %jit3A, %sign3A_157 : i32
      %sign3A_159 = arith.extui %sign3A_158 : i1 to i32
      %sign3A_160 = arith.constant 0 : i32
      %sign3A_161 = arith.cmpi slt, %jit3A, %sign3A_160 : i32
      %sign3A_162 = arith.extui %sign3A_161 : i1 to i32
      %sign3A_163 = arith.subi %sign3A_159, %sign3A_162 : i32
      %ne3A = arith.cmpi ne, %sign3A_156, %sign3A_163 : i32
      %rem3A = arith.remsi %scan3A_148, %jit3A : i32
      %ne3A_164 = arith.constant 0 : i32
      %ne3A_165 = arith.cmpi ne, %rem3A, %ne3A_164 : i32
      %and3A = arith.andi %ne3A, %ne3A_165 : i1
      %sub3A = arith.constant 1 : i32
      %sub3A_166 = arith.subi %div3A, %sub3A : i32
      %select_n3A = arith.select %and3A, %sub3A_166, %div3A : i32
      %jit3A_167 = arith.constant 8 : i32
      %eq3A = arith.constant 0 : i32
      %eq3A_168 = arith.cmpi eq, %jit3A_167, %eq3A : i32
      %jit3A_169 = arith.constant 1 : i32
      %select_n3A_170 = arith.select %eq3A_168, %jit3A_169, %jit3A_167 : i32
      %rem3A_171 = arith.remsi %scan3A_148, %select_n3A_170 : i32
      %ne3A_172 = arith.constant 0 : i32
      %ne3A_173 = arith.cmpi ne, %rem3A_171, %ne3A_172 : i32
      %lt3A = arith.constant 0 : i32
      %lt3A_174 = arith.cmpi slt, %rem3A_171, %lt3A : i32
      %lt3A_175 = arith.constant 0 : i32
      %lt3A_176 = arith.cmpi slt, %select_n3A_170, %lt3A_175 : i32
      %ne3A_177 = arith.xori %lt3A_174, %lt3A_176 : i1
      %and3A_178 = arith.andi %ne3A_177, %ne3A_173 : i1
      %add3A_179 = arith.addi %rem3A_171, %select_n3A_170 : i32
      %select_n3A_180 = arith.select %and3A_178, %add3A_179, %rem3A_171 : i32
      %mul3A_181 = arith.constant 16 : i32
      %mul3A_182 = arith.muli %select_n3A_180, %mul3A_181 : i32
      %swap3A = arith.index_cast %select_n3A : i32 to index
      %swap3A_183 = arith.index_cast %mul3A_182 : i32 to index
      %swap3A_184 = tpu.vector_load %arg5[%swap3A, %swap3A_183] {strides = array<i32>} : memref<128x128xf32, #tpu.memory_space<vmem>>, vector<1x16xf32>,
      %swap3A_185 = vector.shape_cast %swap3A_184 : vector<1x16xf32> to vector<16xf32>
      %swap3A_186 = vector.shape_cast %broadcast_in_dim3A_150 : vector<16xf32> to vector<1x16xf32>
      tpu.vector_store %arg5[%swap3A, %swap3A_183], %swap3A_186 {strides = array<i32>} : memref<128x128xf32, #tpu.memory_space<vmem>>, vector<1x16xf32>,
      %scan3A_187 = arith.constant 0 : i32
      scf.yield %scan3A_187 : i32
    }
    %scan3A_6 = arith.constant 1024 : i32
    %scan3A_7 = arith.constant 0 : i32
    %scan3A_8 = arith.constant 0 : i32
    %scan3A_9 = arith.constant 640 : i32
    %scan3A_10 = arith.addi %scan3A_8, %scan3A_9 : i32
    %scan3A_11 = arith.constant 1 : i32
    %scan3A_12 = scf.for %scan3A_148 = %scan3A_8 to %scan3A_10 step %scan3A_11 iter_args(%scan3A_149 = %scan3A_7) -> (i32)  : i32 {
      %broadcast_in_dim3A = arith.constant 0.000000e+00 : f32
      %broadcast_in_dim3A_150 = vector.broadcast %broadcast_in_dim3A : f32 to vector<16xf32>
      %jit3A = arith.constant 8 : i32
      %div3A = arith.divsi %scan3A_148, %jit3A : i32
      %sign3A = arith.constant 0 : i32
      %sign3A_151 = arith.cmpi sgt, %scan3A_148, %sign3A : i32
      %sign3A_152 = arith.extui %sign3A_151 : i1 to i32
      %sign3A_153 = arith.constant 0 : i32
      %sign3A_154 = arith.cmpi slt, %scan3A_148, %sign3A_153 : i32
      %sign3A_155 = arith.extui %sign3A_154 : i1 to i32
      %sign3A_156 = arith.subi %sign3A_152, %sign3A_155 : i32
      %sign3A_157 = arith.constant 0 : i32
      %sign3A_158 = arith.cmpi sgt, %jit3A, %sign3A_157 : i32
      %sign3A_159 = arith.extui %sign3A_158 : i1 to i32
      %sign3A_160 = arith.constant 0 : i32
      %sign3A_161 = arith.cmpi slt, %jit3A, %sign3A_160 : i32
      %sign3A_162 = arith.extui %sign3A_161 : i1 to i32
      %sign3A_163 = arith.subi %sign3A_159, %sign3A_162 : i32
      %ne3A = arith.cmpi ne, %sign3A_156, %sign3A_163 : i32
      %rem3A = arith.remsi %scan3A_148, %jit3A : i32
      %ne3A_164 = arith.constant 0 : i32
      %ne3A_165 = arith.cmpi ne, %rem3A, %ne3A_164 : i32
      %and3A = arith.andi %ne3A, %ne3A_165 : i1
      %sub3A = arith.constant 1 : i32
      %sub3A_166 = arith.subi %div3A, %sub3A : i32
      %select_n3A = arith.select %and3A, %sub3A_166, %div3A : i32
      %jit3A_167 = arith.constant 8 : i32
      %eq3A = arith.constant 0 : i32
      %eq3A_168 = arith.cmpi eq, %jit3A_167, %eq3A : i32
      %jit3A_169 = arith.constant 1 : i32
      %select_n3A_170 = arith.select %eq3A_168, %jit3A_169, %jit3A_167 : i32
      %rem3A_171 = arith.remsi %scan3A_148, %select_n3A_170 : i32
      %ne3A_172 = arith.constant 0 : i32
      %ne3A_173 = arith.cmpi ne, %rem3A_171, %ne3A_172 : i32
      %lt3A = arith.constant 0 : i32
      %lt3A_174 = arith.cmpi slt, %rem3A_171, %lt3A : i32
      %lt3A_175 = arith.constant 0 : i32
      %lt3A_176 = arith.cmpi slt, %select_n3A_170, %lt3A_175 : i32
      %ne3A_177 = arith.xori %lt3A_174, %lt3A_176 : i1
      %and3A_178 = arith.andi %ne3A_177, %ne3A_173 : i1
      %add3A_179 = arith.addi %rem3A_171, %select_n3A_170 : i32
      %select_n3A_180 = arith.select %and3A_178, %add3A_179, %rem3A_171 : i32
      %mul3A_181 = arith.constant 16 : i32
      %mul3A_182 = arith.muli %select_n3A_180, %mul3A_181 : i32
      %swap3A = arith.index_cast %select_n3A : i32 to index
      %swap3A_183 = arith.index_cast %mul3A_182 : i32 to index
      %swap3A_184 = tpu.vector_load %arg6[%swap3A, %swap3A_183] {strides = array<i32>} : memref<80x128xf32, #tpu.memory_space<vmem>>, vector<1x16xf32>,
      %swap3A_185 = vector.shape_cast %swap3A_184 : vector<1x16xf32> to vector<16xf32>
      %swap3A_186 = vector.shape_cast %broadcast_in_dim3A_150 : vector<16xf32> to vector<1x16xf32>
      tpu.vector_store %arg6[%swap3A, %swap3A_183], %swap3A_186 {strides = array<i32>} : memref<80x128xf32, #tpu.memory_space<vmem>>, vector<1x16xf32>,
      %scan3A_187 = arith.constant 0 : i32
      scf.yield %scan3A_187 : i32
    }
    %scan3A_13 = arith.constant 640 : i32
    %scan3A_14 = arith.constant 0 : i32
    %scan3A_15 = arith.constant 0 : i32
    %scan3A_16 = arith.constant 8 : i32
    %scan3A_17 = arith.addi %scan3A_15, %scan3A_16 : i32
    %scan3A_18 = arith.constant 1 : i32
    %scan3A_19 = scf.for %scan3A_148 = %scan3A_15 to %scan3A_17 step %scan3A_18 iter_args(%scan3A_149 = %scan3A_14) -> (i32)  : i32 {
      %mul3A_150 = arith.constant 640 : i32
      %mul3A_151 = arith.muli %arg1, %mul3A_150 : i32
      %mul3A_152 = arith.constant 80 : i32
      %mul3A_153 = arith.muli %scan3A_148, %mul3A_152 : i32
      %add3A_154 = arith.addi %mul3A_151, %mul3A_153 : i32
      "tpu.region"() ({
        %run_scoped3A = tpu.sem_alloc : memref<!tpu.dma_semaphore, #tpu.memory_space<semaphore_mem>>
        %dma_start3A_156 = arith.constant 0 : i32
        %dma_start3A_157 = tpu.memref_slice %arg7[%add3A_154, %dma_start3A_156] : memref<10240x128xf32, #tpu.memory_space<vmem_shared>> -> memref<80x128xf32, #tpu.memory_space<vmem_shared>>
        %dma_start3A_158 = arith.constant 0 : i32
        %dma_start3A_159 = tpu.memref_slice %arg7[%add3A_154, %dma_start3A_158] : memref<10240x128xf32, #tpu.memory_space<vmem_shared>> -> memref<80x128xf32, #tpu.memory_space<vmem_shared>>
        tpu.enqueue_dma source(%arg6 : memref<80x128xf32, #tpu.memory_space<vmem>>) target(%dma_start3A_159 : memref<80x128xf32, #tpu.memory_space<vmem_shared>>) target_semaphore(%run_scoped3A : memref<!tpu.dma_semaphore, #tpu.memory_space<semaphore_mem>>)
        %dma_wait3A_160 = arith.constant 0 : i32
        %dma_wait3A_161 = tpu.memref_slice %arg7[%add3A_154, %dma_wait3A_160] : memref<10240x128xf32, #tpu.memory_space<vmem_shared>> -> memref<80x128xf32, #tpu.memory_space<vmem_shared>>
        %dma_wait3A_162 = arith.constant 0 : i32
        %dma_wait3A_163 = tpu.memref_slice %arg7[%add3A_154, %dma_wait3A_162] : memref<10240x128xf32, #tpu.memory_space<vmem_shared>> -> memref<80x128xf32, #tpu.memory_space<vmem_shared>>
        tpu.wait_dma2 semaphore(%run_scoped3A : memref<!tpu.dma_semaphore, #tpu.memory_space<semaphore_mem>>) src(%arg6 : memref<80x128xf32, #tpu.memory_space<vmem>>) dst(%dma_wait3A_163 : memref<80x128xf32, #tpu.memory_space<vmem_shared>>)
        tpu.yield
      }) : () -> ()
      %scan3A_155 = arith.constant 0 : i32
      scf.yield %scan3A_155 : i32
    }
    %scan3A_20 = arith.constant 8 : i32
    %mul3A_21 = arith.constant 80 : i32
    %mul3A_22 = arith.muli %add3A, %mul3A_21 : i32
    "tpu.region"() ({
      %run_scoped3A = tpu.sem_alloc : memref<!tpu.dma_semaphore, #tpu.memory_space<semaphore_mem>>
      %dma_start3A_148 = arith.constant 0 : i32
      %dma_start3A_149 = tpu.memref_slice %arg2[%mul3A_22, %dma_start3A_148] : memref<2560x128xi32, #tpu.memory_space<hbm>> -> memref<80x128xi32, #tpu.memory_space<hbm>>
      %dma_start3A_150 = arith.constant 0 : i32
      %dma_start3A_151 = tpu.memref_slice %arg2[%mul3A_22, %dma_start3A_150] : memref<2560x128xi32, #tpu.memory_space<hbm>> -> memref<80x128xi32, #tpu.memory_space<hbm>>
      tpu.enqueue_dma source(%dma_start3A_151 : memref<80x128xi32, #tpu.memory_space<hbm>>) target(%arg4 : memref<80x128xi32, #tpu.memory_space<vmem>>) target_semaphore(%run_scoped3A : memref<!tpu.dma_semaphore, #tpu.memory_space<semaphore_mem>>)
      %dma_wait3A_152 = arith.constant 0 : i32
      %dma_wait3A_153 = tpu.memref_slice %arg2[%mul3A_22, %dma_wait3A_152] : memref<2560x128xi32, #tpu.memory_space<hbm>> -> memref<80x128xi32, #tpu.memory_space<hbm>>
      %dma_wait3A_154 = arith.constant 0 : i32
      %dma_wait3A_155 = tpu.memref_slice %arg2[%mul3A_22, %dma_wait3A_154] : memref<2560x128xi32, #tpu.memory_space<hbm>> -> memref<80x128xi32, #tpu.memory_space<hbm>>
      tpu.wait_dma2 semaphore(%run_scoped3A : memref<!tpu.dma_semaphore, #tpu.memory_space<semaphore_mem>>) src(%dma_wait3A_155 : memref<80x128xi32, #tpu.memory_space<hbm>>) dst(%arg4 : memref<80x128xi32, #tpu.memory_space<vmem>>)
      tpu.yield
    }) : () -> ()
    %barrier3A = arith.constant 0 : index
    tpu.barrier barrier_id(%barrier3A)
    %dma_start3A = arith.constant 0 : i32
    %dma_start3A_23 = arith.constant 0 : i32
    %dma_start3A_24 = tpu.memref_slice %arg4[%dma_start3A, %dma_start3A_23] : memref<80x128xi32, #tpu.memory_space<vmem>> -> memref<1x128xi32, #tpu.memory_space<vmem>>
    %dma_start3A_25 = tpu.memref_squeeze %dma_start3A_24 : memref<1x128xi32, #tpu.memory_space<vmem>> -> memref<128xi32, #tpu.memory_space<vmem>>
    %dma_start3A_26 = arith.constant 0 : i32
    %dma_start3A_27 = arith.constant 0 : i32
    %dma_start3A_28 = tpu.memref_slice %arg7[%dma_start3A_26, %dma_start3A_27] : memref<10240x128xf32, #tpu.memory_space<vmem_shared>> -> memref<10240x128xf32, #tpu.memory_space<vmem_shared>>
    tpu.enqueue_indirect_dma source(%arg5 : memref<128x128xf32, #tpu.memory_space<vmem>>) target(%dma_start3A_28 : memref<10240x128xf32, #tpu.memory_space<vmem_shared>>) offsets(%dma_start3A_25 : memref<128xi32, #tpu.memory_space<vmem>>) semaphore(%arg8 : memref<!tpu.dma_semaphore, #tpu.memory_space<semaphore_mem>>) {add = true}
    %dma_start3A_29 = arith.constant 1 : i32
    %dma_start3A_30 = arith.constant 0 : i32
    %dma_start3A_31 = tpu.memref_slice %arg4[%dma_start3A_29, %dma_start3A_30] : memref<80x128xi32, #tpu.memory_space<vmem>> -> memref<1x128xi32, #tpu.memory_space<vmem>>
    %dma_start3A_32 = tpu.memref_squeeze %dma_start3A_31 : memref<1x128xi32, #tpu.memory_space<vmem>> -> memref<128xi32, #tpu.memory_space<vmem>>
    %dma_start3A_33 = arith.constant 0 : i32
    %dma_start3A_34 = arith.constant 0 : i32
    %dma_start3A_35 = tpu.memref_slice %arg7[%dma_start3A_33, %dma_start3A_34] : memref<10240x128xf32, #tpu.memory_space<vmem_shared>> -> memref<10240x128xf32, #tpu.memory_space<vmem_shared>>
    tpu.enqueue_indirect_dma source(%arg5 : memref<128x128xf32, #tpu.memory_space<vmem>>) target(%dma_start3A_35 : memref<10240x128xf32, #tpu.memory_space<vmem_shared>>) offsets(%dma_start3A_32 : memref<128xi32, #tpu.memory_space<vmem>>) semaphore(%arg8 : memref<!tpu.dma_semaphore, #tpu.memory_space<semaphore_mem>>) {add = true}
    %dma_start3A_36 = arith.constant 2 : i32
    %dma_start3A_37 = arith.constant 0 : i32
    %dma_start3A_38 = tpu.memref_slice %arg4[%dma_start3A_36, %dma_start3A_37] : memref<80x128xi32, #tpu.memory_space<vmem>> -> memref<1x128xi32, #tpu.memory_space<vmem>>
    %dma_start3A_39 = tpu.memref_squeeze %dma_start3A_38 : memref<1x128xi32, #tpu.memory_space<vmem>> -> memref<128xi32, #tpu.memory_space<vmem>>
    %dma_start3A_40 = arith.constant 0 : i32
    %dma_start3A_41 = arith.constant 0 : i32
    %dma_start3A_42 = tpu.memref_slice %arg7[%dma_start3A_40, %dma_start3A_41] : memref<10240x128xf32, #tpu.memory_space<vmem_shared>> -> memref<10240x128xf32, #tpu.memory_space<vmem_shared>>
    tpu.enqueue_indirect_dma source(%arg5 : memref<128x128xf32, #tpu.memory_space<vmem>>) target(%dma_start3A_42 : memref<10240x128xf32, #tpu.memory_space<vmem_shared>>) offsets(%dma_start3A_39 : memref<128xi32, #tpu.memory_space<vmem>>) semaphore(%arg8 : memref<!tpu.dma_semaphore, #tpu.memory_space<semaphore_mem>>) {add = true}
    %dma_start3A_43 = arith.constant 3 : i32
    %dma_start3A_44 = arith.constant 0 : i32
    %dma_start3A_45 = tpu.memref_slice %arg4[%dma_start3A_43, %dma_start3A_44] : memref<80x128xi32, #tpu.memory_space<vmem>> -> memref<1x128xi32, #tpu.memory_space<vmem>>
    %dma_start3A_46 = tpu.memref_squeeze %dma_start3A_45 : memref<1x128xi32, #tpu.memory_space<vmem>> -> memref<128xi32, #tpu.memory_space<vmem>>
    %dma_start3A_47 = arith.constant 0 : i32
    %dma_start3A_48 = arith.constant 0 : i32
    %dma_start3A_49 = tpu.memref_slice %arg7[%dma_start3A_47, %dma_start3A_48] : memref<10240x128xf32, #tpu.memory_space<vmem_shared>> -> memref<10240x128xf32, #tpu.memory_space<vmem_shared>>
    tpu.enqueue_indirect_dma source(%arg5 : memref<128x128xf32, #tpu.memory_space<vmem>>) target(%dma_start3A_49 : memref<10240x128xf32, #tpu.memory_space<vmem_shared>>) offsets(%dma_start3A_46 : memref<128xi32, #tpu.memory_space<vmem>>) semaphore(%arg8 : memref<!tpu.dma_semaphore, #tpu.memory_space<semaphore_mem>>) {add = true}
    %dma_start3A_50 = arith.constant 4 : i32
    %dma_start3A_51 = arith.constant 0 : i32
    %dma_start3A_52 = tpu.memref_slice %arg4[%dma_start3A_50, %dma_start3A_51] : memref<80x128xi32, #tpu.memory_space<vmem>> -> memref<1x128xi32, #tpu.memory_space<vmem>>
    %dma_start3A_53 = tpu.memref_squeeze %dma_start3A_52 : memref<1x128xi32, #tpu.memory_space<vmem>> -> memref<128xi32, #tpu.memory_space<vmem>>
    %dma_start3A_54 = arith.constant 0 : i32
    %dma_start3A_55 = arith.constant 0 : i32
    %dma_start3A_56 = tpu.memref_slice %arg7[%dma_start3A_54, %dma_start3A_55] : memref<10240x128xf32, #tpu.memory_space<vmem_shared>> -> memref<10240x128xf32, #tpu.memory_space<vmem_shared>>
    tpu.enqueue_indirect_dma source(%arg5 : memref<128x128xf32, #tpu.memory_space<vmem>>) target(%dma_start3A_56 : memref<10240x128xf32, #tpu.memory_space<vmem_shared>>) offsets(%dma_start3A_53 : memref<128xi32, #tpu.memory_space<vmem>>) semaphore(%arg8 : memref<!tpu.dma_semaphore, #tpu.memory_space<semaphore_mem>>) {add = true}
    %dma_start3A_57 = arith.constant 5 : i32
    %dma_start3A_58 = arith.constant 0 : i32
    %dma_start3A_59 = tpu.memref_slice %arg4[%dma_start3A_57, %dma_start3A_58] : memref<80x128xi32, #tpu.memory_space<vmem>> -> memref<1x128xi32, #tpu.memory_space<vmem>>
    %dma_start3A_60 = tpu.memref_squeeze %dma_start3A_59 : memref<1x128xi32, #tpu.memory_space<vmem>> -> memref<128xi32, #tpu.memory_space<vmem>>
    %dma_start3A_61 = arith.constant 0 : i32
    %dma_start3A_62 = arith.constant 0 : i32
    %dma_start3A_63 = tpu.memref_slice %arg7[%dma_start3A_61, %dma_start3A_62] : memref<10240x128xf32, #tpu.memory_space<vmem_shared>> -> memref<10240x128xf32, #tpu.memory_space<vmem_shared>>
    tpu.enqueue_indirect_dma source(%arg5 : memref<128x128xf32, #tpu.memory_space<vmem>>) target(%dma_start3A_63 : memref<10240x128xf32, #tpu.memory_space<vmem_shared>>) offsets(%dma_start3A_60 : memref<128xi32, #tpu.memory_space<vmem>>) semaphore(%arg8 : memref<!tpu.dma_semaphore, #tpu.memory_space<semaphore_mem>>) {add = true}
    %dma_start3A_64 = arith.constant 6 : i32
    %dma_start3A_65 = arith.constant 0 : i32
    %dma_start3A_66 = tpu.memref_slice %arg4[%dma_start3A_64, %dma_start3A_65] : memref<80x128xi32, #tpu.memory_space<vmem>> -> memref<1x128xi32, #tpu.memory_space<vmem>>
    %dma_start3A_67 = tpu.memref_squeeze %dma_start3A_66 : memref<1x128xi32, #tpu.memory_space<vmem>> -> memref<128xi32, #tpu.memory_space<vmem>>
    %dma_start3A_68 = arith.constant 0 : i32
    %dma_start3A_69 = arith.constant 0 : i32
    %dma_start3A_70 = tpu.memref_slice %arg7[%dma_start3A_68, %dma_start3A_69] : memref<10240x128xf32, #tpu.memory_space<vmem_shared>> -> memref<10240x128xf32, #tpu.memory_space<vmem_shared>>
    tpu.enqueue_indirect_dma source(%arg5 : memref<128x128xf32, #tpu.memory_space<vmem>>) target(%dma_start3A_70 : memref<10240x128xf32, #tpu.memory_space<vmem_shared>>) offsets(%dma_start3A_67 : memref<128xi32, #tpu.memory_space<vmem>>) semaphore(%arg8 : memref<!tpu.dma_semaphore, #tpu.memory_space<semaphore_mem>>) {add = true}
    %dma_start3A_71 = arith.constant 7 : i32
    %dma_start3A_72 = arith.constant 0 : i32
    %dma_start3A_73 = tpu.memref_slice %arg4[%dma_start3A_71, %dma_start3A_72] : memref<80x128xi32, #tpu.memory_space<vmem>> -> memref<1x128xi32, #tpu.memory_space<vmem>>
    %dma_start3A_74 = tpu.memref_squeeze %dma_start3A_73 : memref<1x128xi32, #tpu.memory_space<vmem>> -> memref<128xi32, #tpu.memory_space<vmem>>
    %dma_start3A_75 = arith.constant 0 : i32
    %dma_start3A_76 = arith.constant 0 : i32
    %dma_start3A_77 = tpu.memref_slice %arg7[%dma_start3A_75, %dma_start3A_76] : memref<10240x128xf32, #tpu.memory_space<vmem_shared>> -> memref<10240x128xf32, #tpu.memory_space<vmem_shared>>
    tpu.enqueue_indirect_dma source(%arg5 : memref<128x128xf32, #tpu.memory_space<vmem>>) target(%dma_start3A_77 : memref<10240x128xf32, #tpu.memory_space<vmem_shared>>) offsets(%dma_start3A_74 : memref<128xi32, #tpu.memory_space<vmem>>) semaphore(%arg8 : memref<!tpu.dma_semaphore, #tpu.memory_space<semaphore_mem>>) {add = true}
    %scan3A_78 = arith.constant 0 : i32
    %scan3A_79 = arith.constant 0 : i32
    %scan3A_80 = arith.constant 72 : i32
    %scan3A_81 = arith.addi %scan3A_79, %scan3A_80 : i32
    %scan3A_82 = arith.constant 1 : i32
    %scan3A_83 = scf.for %scan3A_148 = %scan3A_79 to %scan3A_81 step %scan3A_82 iter_args(%scan3A_149 = %scan3A_78) -> (i32)  : i32 {
      %dma_wait3A_150 = arith.constant 0 : i32
      %dma_wait3A_151 = tpu.memref_slice %arg4[%scan3A_148, %dma_wait3A_150] : memref<80x128xi32, #tpu.memory_space<vmem>> -> memref<1x128xi32, #tpu.memory_space<vmem>>
      %dma_wait3A_152 = tpu.memref_squeeze %dma_wait3A_151 : memref<1x128xi32, #tpu.memory_space<vmem>> -> memref<128xi32, #tpu.memory_space<vmem>>
      %dma_wait3A_153 = arith.constant 0 : i32
      %dma_wait3A_154 = arith.constant 0 : i32
      %dma_wait3A_155 = tpu.memref_slice %arg7[%dma_wait3A_153, %dma_wait3A_154] : memref<10240x128xf32, #tpu.memory_space<vmem_shared>> -> memref<10240x128xf32, #tpu.memory_space<vmem_shared>>
      tpu.wait_indirect_dma semaphore(%arg8 : memref<!tpu.dma_semaphore, #tpu.memory_space<semaphore_mem>>) src(%arg5 : memref<128x128xf32, #tpu.memory_space<vmem>>) dst(%dma_wait3A_155 : memref<10240x128xf32, #tpu.memory_space<vmem_shared>>)
      %add3A_156 = arith.constant 8 : i32
      %add3A_157 = arith.addi %scan3A_148, %add3A_156 : i32
      %dma_start3A_158 = arith.constant 0 : i32
      %dma_start3A_159 = tpu.memref_slice %arg4[%add3A_157, %dma_start3A_158] : memref<80x128xi32, #tpu.memory_space<vmem>> -> memref<1x128xi32, #tpu.memory_space<vmem>>
      %dma_start3A_160 = tpu.memref_squeeze %dma_start3A_159 : memref<1x128xi32, #tpu.memory_space<vmem>> -> memref<128xi32, #tpu.memory_space<vmem>>
      %dma_start3A_161 = arith.constant 0 : i32
      %dma_start3A_162 = arith.constant 0 : i32
      %dma_start3A_163 = tpu.memref_slice %arg7[%dma_start3A_161, %dma_start3A_162] : memref<10240x128xf32, #tpu.memory_space<vmem_shared>> -> memref<10240x128xf32, #tpu.memory_space<vmem_shared>>
      tpu.enqueue_indirect_dma source(%arg5 : memref<128x128xf32, #tpu.memory_space<vmem>>) target(%dma_start3A_163 : memref<10240x128xf32, #tpu.memory_space<vmem_shared>>) offsets(%dma_start3A_160 : memref<128xi32, #tpu.memory_space<vmem>>) semaphore(%arg8 : memref<!tpu.dma_semaphore, #tpu.memory_space<semaphore_mem>>) {add = true}
      %scan3A_164 = arith.constant 0 : i32
      scf.yield %scan3A_164 : i32
    }
    %scan3A_84 = arith.constant 72 : i32
    %dma_wait3A = arith.constant 0 : i32
    %dma_wait3A_85 = arith.constant 0 : i32
    %dma_wait3A_86 = tpu.memref_slice %arg4[%dma_wait3A, %dma_wait3A_85] : memref<80x128xi32, #tpu.memory_space<vmem>> -> memref<1x128xi32, #tpu.memory_space<vmem>>
    %dma_wait3A_87 = tpu.memref_squeeze %dma_wait3A_86 : memref<1x128xi32, #tpu.memory_space<vmem>> -> memref<128xi32, #tpu.memory_space<vmem>>
    %dma_wait3A_88 = arith.constant 0 : i32
    %dma_wait3A_89 = arith.constant 0 : i32
    %dma_wait3A_90 = tpu.memref_slice %arg7[%dma_wait3A_88, %dma_wait3A_89] : memref<10240x128xf32, #tpu.memory_space<vmem_shared>> -> memref<10240x128xf32, #tpu.memory_space<vmem_shared>>
    tpu.wait_indirect_dma semaphore(%arg8 : memref<!tpu.dma_semaphore, #tpu.memory_space<semaphore_mem>>) src(%arg5 : memref<128x128xf32, #tpu.memory_space<vmem>>) dst(%dma_wait3A_90 : memref<10240x128xf32, #tpu.memory_space<vmem_shared>>)
    %dma_wait3A_91 = arith.constant 0 : i32
    %dma_wait3A_92 = arith.constant 0 : i32
    %dma_wait3A_93 = tpu.memref_slice %arg4[%dma_wait3A_91, %dma_wait3A_92] : memref<80x128xi32, #tpu.memory_space<vmem>> -> memref<1x128xi32, #tpu.memory_space<vmem>>
    %dma_wait3A_94 = tpu.memref_squeeze %dma_wait3A_93 : memref<1x128xi32, #tpu.memory_space<vmem>> -> memref<128xi32, #tpu.memory_space<vmem>>
    %dma_wait3A_95 = arith.constant 0 : i32
    %dma_wait3A_96 = arith.constant 0 : i32
    %dma_wait3A_97 = tpu.memref_slice %arg7[%dma_wait3A_95, %dma_wait3A_96] : memref<10240x128xf32, #tpu.memory_space<vmem_shared>> -> memref<10240x128xf32, #tpu.memory_space<vmem_shared>>
    tpu.wait_indirect_dma semaphore(%arg8 : memref<!tpu.dma_semaphore, #tpu.memory_space<semaphore_mem>>) src(%arg5 : memref<128x128xf32, #tpu.memory_space<vmem>>) dst(%dma_wait3A_97 : memref<10240x128xf32, #tpu.memory_space<vmem_shared>>)
    %dma_wait3A_98 = arith.constant 0 : i32
    %dma_wait3A_99 = arith.constant 0 : i32
    %dma_wait3A_100 = tpu.memref_slice %arg4[%dma_wait3A_98, %dma_wait3A_99] : memref<80x128xi32, #tpu.memory_space<vmem>> -> memref<1x128xi32, #tpu.memory_space<vmem>>
    %dma_wait3A_101 = tpu.memref_squeeze %dma_wait3A_100 : memref<1x128xi32, #tpu.memory_space<vmem>> -> memref<128xi32, #tpu.memory_space<vmem>>
    %dma_wait3A_102 = arith.constant 0 : i32
    %dma_wait3A_103 = arith.constant 0 : i32
    %dma_wait3A_104 = tpu.memref_slice %arg7[%dma_wait3A_102, %dma_wait3A_103] : memref<10240x128xf32, #tpu.memory_space<vmem_shared>> -> memref<10240x128xf32, #tpu.memory_space<vmem_shared>>
    tpu.wait_indirect_dma semaphore(%arg8 : memref<!tpu.dma_semaphore, #tpu.memory_space<semaphore_mem>>) src(%arg5 : memref<128x128xf32, #tpu.memory_space<vmem>>) dst(%dma_wait3A_104 : memref<10240x128xf32, #tpu.memory_space<vmem_shared>>)
    %dma_wait3A_105 = arith.constant 0 : i32
    %dma_wait3A_106 = arith.constant 0 : i32
    %dma_wait3A_107 = tpu.memref_slice %arg4[%dma_wait3A_105, %dma_wait3A_106] : memref<80x128xi32, #tpu.memory_space<vmem>> -> memref<1x128xi32, #tpu.memory_space<vmem>>
    %dma_wait3A_108 = tpu.memref_squeeze %dma_wait3A_107 : memref<1x128xi32, #tpu.memory_space<vmem>> -> memref<128xi32, #tpu.memory_space<vmem>>
    %dma_wait3A_109 = arith.constant 0 : i32
    %dma_wait3A_110 = arith.constant 0 : i32
    %dma_wait3A_111 = tpu.memref_slice %arg7[%dma_wait3A_109, %dma_wait3A_110] : memref<10240x128xf32, #tpu.memory_space<vmem_shared>> -> memref<10240x128xf32, #tpu.memory_space<vmem_shared>>
    tpu.wait_indirect_dma semaphore(%arg8 : memref<!tpu.dma_semaphore, #tpu.memory_space<semaphore_mem>>) src(%arg5 : memref<128x128xf32, #tpu.memory_space<vmem>>) dst(%dma_wait3A_111 : memref<10240x128xf32, #tpu.memory_space<vmem_shared>>)
    %dma_wait3A_112 = arith.constant 0 : i32
    %dma_wait3A_113 = arith.constant 0 : i32
    %dma_wait3A_114 = tpu.memref_slice %arg4[%dma_wait3A_112, %dma_wait3A_113] : memref<80x128xi32, #tpu.memory_space<vmem>> -> memref<1x128xi32, #tpu.memory_space<vmem>>
    %dma_wait3A_115 = tpu.memref_squeeze %dma_wait3A_114 : memref<1x128xi32, #tpu.memory_space<vmem>> -> memref<128xi32, #tpu.memory_space<vmem>>
    %dma_wait3A_116 = arith.constant 0 : i32
    %dma_wait3A_117 = arith.constant 0 : i32
    %dma_wait3A_118 = tpu.memref_slice %arg7[%dma_wait3A_116, %dma_wait3A_117] : memref<10240x128xf32, #tpu.memory_space<vmem_shared>> -> memref<10240x128xf32, #tpu.memory_space<vmem_shared>>
    tpu.wait_indirect_dma semaphore(%arg8 : memref<!tpu.dma_semaphore, #tpu.memory_space<semaphore_mem>>) src(%arg5 : memref<128x128xf32, #tpu.memory_space<vmem>>) dst(%dma_wait3A_118 : memref<10240x128xf32, #tpu.memory_space<vmem_shared>>)
    %dma_wait3A_119 = arith.constant 0 : i32
    %dma_wait3A_120 = arith.constant 0 : i32
    %dma_wait3A_121 = tpu.memref_slice %arg4[%dma_wait3A_119, %dma_wait3A_120] : memref<80x128xi32, #tpu.memory_space<vmem>> -> memref<1x128xi32, #tpu.memory_space<vmem>>
    %dma_wait3A_122 = tpu.memref_squeeze %dma_wait3A_121 : memref<1x128xi32, #tpu.memory_space<vmem>> -> memref<128xi32, #tpu.memory_space<vmem>>
    %dma_wait3A_123 = arith.constant 0 : i32
    %dma_wait3A_124 = arith.constant 0 : i32
    %dma_wait3A_125 = tpu.memref_slice %arg7[%dma_wait3A_123, %dma_wait3A_124] : memref<10240x128xf32, #tpu.memory_space<vmem_shared>> -> memref<10240x128xf32, #tpu.memory_space<vmem_shared>>
    tpu.wait_indirect_dma semaphore(%arg8 : memref<!tpu.dma_semaphore, #tpu.memory_space<semaphore_mem>>) src(%arg5 : memref<128x128xf32, #tpu.memory_space<vmem>>) dst(%dma_wait3A_125 : memref<10240x128xf32, #tpu.memory_space<vmem_shared>>)
    %dma_wait3A_126 = arith.constant 0 : i32
    %dma_wait3A_127 = arith.constant 0 : i32
    %dma_wait3A_128 = tpu.memref_slice %arg4[%dma_wait3A_126, %dma_wait3A_127] : memref<80x128xi32, #tpu.memory_space<vmem>> -> memref<1x128xi32, #tpu.memory_space<vmem>>
    %dma_wait3A_129 = tpu.memref_squeeze %dma_wait3A_128 : memref<1x128xi32, #tpu.memory_space<vmem>> -> memref<128xi32, #tpu.memory_space<vmem>>
    %dma_wait3A_130 = arith.constant 0 : i32
    %dma_wait3A_131 = arith.constant 0 : i32
    %dma_wait3A_132 = tpu.memref_slice %arg7[%dma_wait3A_130, %dma_wait3A_131] : memref<10240x128xf32, #tpu.memory_space<vmem_shared>> -> memref<10240x128xf32, #tpu.memory_space<vmem_shared>>
    tpu.wait_indirect_dma semaphore(%arg8 : memref<!tpu.dma_semaphore, #tpu.memory_space<semaphore_mem>>) src(%arg5 : memref<128x128xf32, #tpu.memory_space<vmem>>) dst(%dma_wait3A_132 : memref<10240x128xf32, #tpu.memory_space<vmem_shared>>)
    %dma_wait3A_133 = arith.constant 0 : i32
    %dma_wait3A_134 = arith.constant 0 : i32
    %dma_wait3A_135 = tpu.memref_slice %arg4[%dma_wait3A_133, %dma_wait3A_134] : memref<80x128xi32, #tpu.memory_space<vmem>> -> memref<1x128xi32, #tpu.memory_space<vmem>>
    %dma_wait3A_136 = tpu.memref_squeeze %dma_wait3A_135 : memref<1x128xi32, #tpu.memory_space<vmem>> -> memref<128xi32, #tpu.memory_space<vmem>>
    %dma_wait3A_137 = arith.constant 0 : i32
    %dma_wait3A_138 = arith.constant 0 : i32
    %dma_wait3A_139 = tpu.memref_slice %arg7[%dma_wait3A_137, %dma_wait3A_138] : memref<10240x128xf32, #tpu.memory_space<vmem_shared>> -> memref<10240x128xf32, #tpu.memory_space<vmem_shared>>
    tpu.wait_indirect_dma semaphore(%arg8 : memref<!tpu.dma_semaphore, #tpu.memory_space<semaphore_mem>>) src(%arg5 : memref<128x128xf32, #tpu.memory_space<vmem>>) dst(%dma_wait3A_139 : memref<10240x128xf32, #tpu.memory_space<vmem_shared>>)
    %barrier3A_140 = arith.constant 0 : index
    tpu.barrier barrier_id(%barrier3A_140)
    %mul3A_141 = arith.constant 640 : i32
    %mul3A_142 = arith.muli %arg1, %mul3A_141 : i32
    %mul3A_143 = arith.constant 10400 : i32
    %mul3A_144 = arith.muli %arg0, %mul3A_143 : i32
    %mul3A_145 = arith.constant 640 : i32
    %mul3A_146 = arith.muli %arg1, %mul3A_145 : i32
    %add3A_147 = arith.addi %mul3A_144, %mul3A_146 : i32
    "tpu.region"() ({
      %run_scoped3A = tpu.sem_alloc : memref<!tpu.dma_semaphore, #tpu.memory_space<semaphore_mem>>
      %dma_start3A_148 = arith.constant 0 : i32
      %dma_start3A_149 = tpu.memref_slice %arg3[%add3A_147, %dma_start3A_148] : memref<20640x128xf32, #tpu.memory_space<hbm>> -> memref<640x128xf32, #tpu.memory_space<hbm>>
      %dma_start3A_150 = arith.constant 0 : i32
      %dma_start3A_151 = tpu.memref_slice %arg7[%mul3A_142, %dma_start3A_150] : memref<10240x128xf32, #tpu.memory_space<vmem_shared>> -> memref<640x128xf32, #tpu.memory_space<vmem_shared>>
      tpu.enqueue_dma source(%dma_start3A_151 : memref<640x128xf32, #tpu.memory_space<vmem_shared>>) target(%dma_start3A_149 : memref<640x128xf32, #tpu.memory_space<hbm>>) target_semaphore(%run_scoped3A : memref<!tpu.dma_semaphore, #tpu.memory_space<semaphore_mem>>)
      %dma_wait3A_152 = arith.constant 0 : i32
      %dma_wait3A_153 = tpu.memref_slice %arg3[%add3A_147, %dma_wait3A_152] : memref<20640x128xf32, #tpu.memory_space<hbm>> -> memref<640x128xf32, #tpu.memory_space<hbm>>
      %dma_wait3A_154 = arith.constant 0 : i32
      %dma_wait3A_155 = tpu.memref_slice %arg7[%mul3A_142, %dma_wait3A_154] : memref<10240x128xf32, #tpu.memory_space<vmem_shared>> -> memref<640x128xf32, #tpu.memory_space<vmem_shared>>
      tpu.wait_dma2 semaphore(%run_scoped3A : memref<!tpu.dma_semaphore, #tpu.memory_space<semaphore_mem>>) src(%dma_wait3A_155 : memref<640x128xf32, #tpu.memory_space<vmem_shared>>) dst(%dma_wait3A_153 : memref<640x128xf32, #tpu.memory_space<hbm>>)
      tpu.yield
    }) : () -> ()
    return
  }
}

#map = affine_map<(d0, d1) -> (0, 0)>
module attributes {stable_mosaic.version = 14 : i64} {
  func.func @_sc_agg_body(%arg0: i32, %arg1: i32, %arg2: memref<10000x128xf32, #tpu.memory_space<hbm>>, %arg3: memref<5120x128xi32, #tpu.memory_space<hbm>>, %arg4: memref<20640x128xf32, #tpu.memory_space<hbm>>, %arg5: memref<8x128xi32, #tpu.memory_space<vmem>>, %arg6: memref<8x128xi32, #tpu.memory_space<vmem>>, %arg7: memref<128x128xf32, #tpu.memory_space<vmem>>, %arg8: memref<128x128xf32, #tpu.memory_space<vmem>>, %arg9: memref<10240x128xf32, #tpu.memory_space<vmem_shared>>, %arg10: memref<!tpu.dma_semaphore, #tpu.memory_space<semaphore_mem>>, %arg11: memref<!tpu.dma_semaphore, #tpu.memory_space<semaphore_mem>>, %arg12: memref<!tpu.dma_semaphore, #tpu.memory_space<semaphore_mem>>, %arg13: memref<!tpu.dma_semaphore, #tpu.memory_space<semaphore_mem>>) attributes {dimension_semantics = [#tpu.dimension_semantics<core_parallel>, #tpu.dimension_semantics<subcore_parallel>], iteration_bounds = array<i64: 2, 16>, scalar_prefetch = 0 : i64, scratch_operands = 9 : i64, tpu.core_type = #tpu.core_type<sc_vector_subcore>, window_params = [{transform_indices = #map}, {transform_indices = #map}, {transform_indices = #map}]} {
    %mul3A = arith.constant 16 : i32
    %mul3A_0 = arith.muli %arg0, %mul3A : i32
    %add3A = arith.addi %mul3A_0, %arg1 : i32
    %scan3A = arith.constant 0 : i32
    %scan3A_1 = arith.constant 0 : i32
    %scan3A_2 = arith.constant 1024 : i32
    %scan3A_3 = arith.addi %scan3A_1, %scan3A_2 : i32
    %scan3A_4 = arith.constant 1 : i32
    %scan3A_5 = scf.for %scan3A_61 = %scan3A_1 to %scan3A_3 step %scan3A_4 iter_args(%scan3A_62 = %scan3A) -> (i32)  : i32 {
      %broadcast_in_dim3A = arith.constant 0.000000e+00 : f32
      %broadcast_in_dim3A_63 = vector.broadcast %broadcast_in_dim3A : f32 to vector<16xf32>
      %jit3A = arith.constant 8 : i32
      %div3A = arith.divsi %scan3A_61, %jit3A : i32
      %sign3A = arith.constant 0 : i32
      %sign3A_64 = arith.cmpi sgt, %scan3A_61, %sign3A : i32
      %sign3A_65 = arith.extui %sign3A_64 : i1 to i32
      %sign3A_66 = arith.constant 0 : i32
      %sign3A_67 = arith.cmpi slt, %scan3A_61, %sign3A_66 : i32
      %sign3A_68 = arith.extui %sign3A_67 : i1 to i32
      %sign3A_69 = arith.subi %sign3A_65, %sign3A_68 : i32
      %sign3A_70 = arith.constant 0 : i32
      %sign3A_71 = arith.cmpi sgt, %jit3A, %sign3A_70 : i32
      %sign3A_72 = arith.extui %sign3A_71 : i1 to i32
      %sign3A_73 = arith.constant 0 : i32
      %sign3A_74 = arith.cmpi slt, %jit3A, %sign3A_73 : i32
      %sign3A_75 = arith.extui %sign3A_74 : i1 to i32
      %sign3A_76 = arith.subi %sign3A_72, %sign3A_75 : i32
      %ne3A = arith.cmpi ne, %sign3A_69, %sign3A_76 : i32
      %rem3A = arith.remsi %scan3A_61, %jit3A : i32
      %ne3A_77 = arith.constant 0 : i32
      %ne3A_78 = arith.cmpi ne, %rem3A, %ne3A_77 : i32
      %and3A = arith.andi %ne3A, %ne3A_78 : i1
      %sub3A = arith.constant 1 : i32
      %sub3A_79 = arith.subi %div3A, %sub3A : i32
      %select_n3A = arith.select %and3A, %sub3A_79, %div3A : i32
      %jit3A_80 = arith.constant 8 : i32
      %eq3A = arith.constant 0 : i32
      %eq3A_81 = arith.cmpi eq, %jit3A_80, %eq3A : i32
      %jit3A_82 = arith.constant 1 : i32
      %select_n3A_83 = arith.select %eq3A_81, %jit3A_82, %jit3A_80 : i32
      %rem3A_84 = arith.remsi %scan3A_61, %select_n3A_83 : i32
      %ne3A_85 = arith.constant 0 : i32
      %ne3A_86 = arith.cmpi ne, %rem3A_84, %ne3A_85 : i32
      %lt3A = arith.constant 0 : i32
      %lt3A_87 = arith.cmpi slt, %rem3A_84, %lt3A : i32
      %lt3A_88 = arith.constant 0 : i32
      %lt3A_89 = arith.cmpi slt, %select_n3A_83, %lt3A_88 : i32
      %ne3A_90 = arith.xori %lt3A_87, %lt3A_89 : i1
      %and3A_91 = arith.andi %ne3A_90, %ne3A_86 : i1
      %add3A_92 = arith.addi %rem3A_84, %select_n3A_83 : i32
      %select_n3A_93 = arith.select %and3A_91, %add3A_92, %rem3A_84 : i32
      %mul3A_94 = arith.constant 16 : i32
      %mul3A_95 = arith.muli %select_n3A_93, %mul3A_94 : i32
      %swap3A = arith.index_cast %select_n3A : i32 to index
      %swap3A_96 = arith.index_cast %mul3A_95 : i32 to index
      %swap3A_97 = tpu.vector_load %arg8[%swap3A, %swap3A_96] {strides = array<i32>} : memref<128x128xf32, #tpu.memory_space<vmem>>, vector<1x16xf32>,
      %swap3A_98 = vector.shape_cast %swap3A_97 : vector<1x16xf32> to vector<16xf32>
      %swap3A_99 = vector.shape_cast %broadcast_in_dim3A_63 : vector<16xf32> to vector<1x16xf32>
      tpu.vector_store %arg8[%swap3A, %swap3A_96], %swap3A_99 {strides = array<i32>} : memref<128x128xf32, #tpu.memory_space<vmem>>, vector<1x16xf32>,
      %scan3A_100 = arith.constant 0 : i32
      scf.yield %scan3A_100 : i32
    }
    %scan3A_6 = arith.constant 1024 : i32
    %scan3A_7 = arith.constant 0 : i32
    %scan3A_8 = arith.constant 0 : i32
    %scan3A_9 = arith.constant 5 : i32
    %scan3A_10 = arith.addi %scan3A_8, %scan3A_9 : i32
    %scan3A_11 = arith.constant 1 : i32
    %scan3A_12 = scf.for %scan3A_61 = %scan3A_8 to %scan3A_10 step %scan3A_11 iter_args(%scan3A_62 = %scan3A_7) -> (i32)  : i32 {
      %mul3A_63 = arith.constant 640 : i32
      %mul3A_64 = arith.muli %arg1, %mul3A_63 : i32
      %mul3A_65 = arith.constant 128 : i32
      %mul3A_66 = arith.muli %scan3A_61, %mul3A_65 : i32
      %add3A_67 = arith.addi %mul3A_64, %mul3A_66 : i32
      "tpu.region"() ({
        %run_scoped3A = tpu.sem_alloc : memref<!tpu.dma_semaphore, #tpu.memory_space<semaphore_mem>>
        %dma_start3A_69 = arith.constant 0 : i32
        %dma_start3A_70 = tpu.memref_slice %arg9[%add3A_67, %dma_start3A_69] : memref<10240x128xf32, #tpu.memory_space<vmem_shared>> -> memref<128x128xf32, #tpu.memory_space<vmem_shared>>
        %dma_start3A_71 = arith.constant 0 : i32
        %dma_start3A_72 = tpu.memref_slice %arg9[%add3A_67, %dma_start3A_71] : memref<10240x128xf32, #tpu.memory_space<vmem_shared>> -> memref<128x128xf32, #tpu.memory_space<vmem_shared>>
        tpu.enqueue_dma source(%arg8 : memref<128x128xf32, #tpu.memory_space<vmem>>) target(%dma_start3A_72 : memref<128x128xf32, #tpu.memory_space<vmem_shared>>) target_semaphore(%run_scoped3A : memref<!tpu.dma_semaphore, #tpu.memory_space<semaphore_mem>>)
        %dma_wait3A_73 = arith.constant 0 : i32
        %dma_wait3A_74 = tpu.memref_slice %arg9[%add3A_67, %dma_wait3A_73] : memref<10240x128xf32, #tpu.memory_space<vmem_shared>> -> memref<128x128xf32, #tpu.memory_space<vmem_shared>>
        %dma_wait3A_75 = arith.constant 0 : i32
        %dma_wait3A_76 = tpu.memref_slice %arg9[%add3A_67, %dma_wait3A_75] : memref<10240x128xf32, #tpu.memory_space<vmem_shared>> -> memref<128x128xf32, #tpu.memory_space<vmem_shared>>
        tpu.wait_dma2 semaphore(%run_scoped3A : memref<!tpu.dma_semaphore, #tpu.memory_space<semaphore_mem>>) src(%arg8 : memref<128x128xf32, #tpu.memory_space<vmem>>) dst(%dma_wait3A_76 : memref<128x128xf32, #tpu.memory_space<vmem_shared>>)
        tpu.yield
      }) : () -> ()
      %scan3A_68 = arith.constant 0 : i32
      scf.yield %scan3A_68 : i32
    }
    %scan3A_13 = arith.constant 5 : i32
    %mul3A_14 = arith.constant 20 : i32
    %mul3A_15 = arith.muli %add3A, %mul3A_14 : i32
    %mul3A_16 = arith.constant 8 : i32
    %mul3A_17 = arith.muli %mul3A_15, %mul3A_16 : i32
    "tpu.region"() ({
      %run_scoped3A = tpu.sem_alloc : memref<!tpu.dma_semaphore, #tpu.memory_space<semaphore_mem>>
      %dma_start3A_61 = arith.constant 0 : i32
      %dma_start3A_62 = tpu.memref_slice %arg3[%mul3A_17, %dma_start3A_61] : memref<5120x128xi32, #tpu.memory_space<hbm>> -> memref<8x128xi32, #tpu.memory_space<hbm>>
      %dma_start3A_63 = arith.constant 0 : i32
      %dma_start3A_64 = tpu.memref_slice %arg3[%mul3A_17, %dma_start3A_63] : memref<5120x128xi32, #tpu.memory_space<hbm>> -> memref<8x128xi32, #tpu.memory_space<hbm>>
      tpu.enqueue_dma source(%dma_start3A_64 : memref<8x128xi32, #tpu.memory_space<hbm>>) target(%arg5 : memref<8x128xi32, #tpu.memory_space<vmem>>) target_semaphore(%run_scoped3A : memref<!tpu.dma_semaphore, #tpu.memory_space<semaphore_mem>>)
      %dma_wait3A_65 = arith.constant 0 : i32
      %dma_wait3A_66 = tpu.memref_slice %arg3[%mul3A_17, %dma_wait3A_65] : memref<5120x128xi32, #tpu.memory_space<hbm>> -> memref<8x128xi32, #tpu.memory_space<hbm>>
      %dma_wait3A_67 = arith.constant 0 : i32
      %dma_wait3A_68 = tpu.memref_slice %arg3[%mul3A_17, %dma_wait3A_67] : memref<5120x128xi32, #tpu.memory_space<hbm>> -> memref<8x128xi32, #tpu.memory_space<hbm>>
      tpu.wait_dma2 semaphore(%run_scoped3A : memref<!tpu.dma_semaphore, #tpu.memory_space<semaphore_mem>>) src(%dma_wait3A_68 : memref<8x128xi32, #tpu.memory_space<hbm>>) dst(%arg5 : memref<8x128xi32, #tpu.memory_space<vmem>>)
      tpu.yield
    }) : () -> ()
    %mul3A_18 = arith.constant 20 : i32
    %mul3A_19 = arith.muli %add3A, %mul3A_18 : i32
    %add3A_20 = arith.constant 1 : i32
    %add3A_21 = arith.addi %mul3A_19, %add3A_20 : i32
    %mul3A_22 = arith.constant 8 : i32
    %mul3A_23 = arith.muli %add3A_21, %mul3A_22 : i32
    %dma_start3A = arith.constant 0 : i32
    %dma_start3A_24 = tpu.memref_slice %arg3[%mul3A_23, %dma_start3A] : memref<5120x128xi32, #tpu.memory_space<hbm>> -> memref<8x128xi32, #tpu.memory_space<hbm>>
    %dma_start3A_25 = arith.constant 0 : i32
    %dma_start3A_26 = tpu.memref_slice %arg3[%mul3A_23, %dma_start3A_25] : memref<5120x128xi32, #tpu.memory_space<hbm>> -> memref<8x128xi32, #tpu.memory_space<hbm>>
    tpu.enqueue_dma source(%dma_start3A_26 : memref<8x128xi32, #tpu.memory_space<hbm>>) target(%arg6 : memref<8x128xi32, #tpu.memory_space<vmem>>) target_semaphore(%arg13 : memref<!tpu.dma_semaphore, #tpu.memory_space<semaphore_mem>>)
    %barrier3A = arith.constant 0 : index
    tpu.barrier barrier_id(%barrier3A)
    %dma_start3A_27 = arith.constant 0 : i32
    %dma_start3A_28 = arith.constant 0 : i32
    %dma_start3A_29 = tpu.memref_slice %arg5[%dma_start3A_27, %dma_start3A_28] : memref<8x128xi32, #tpu.memory_space<vmem>> -> memref<1x128xi32, #tpu.memory_space<vmem>>
    %dma_start3A_30 = tpu.memref_squeeze %dma_start3A_29 : memref<1x128xi32, #tpu.memory_space<vmem>> -> memref<128xi32, #tpu.memory_space<vmem>>
    %dma_start3A_31 = arith.constant 0 : i32
    %dma_start3A_32 = arith.constant 0 : i32
    %dma_start3A_33 = tpu.memref_slice %arg2[%dma_start3A_31, %dma_start3A_32] : memref<10000x128xf32, #tpu.memory_space<hbm>> -> memref<10000x128xf32, #tpu.memory_space<hbm>>
    tpu.enqueue_indirect_dma source(%dma_start3A_33 : memref<10000x128xf32, #tpu.memory_space<hbm>>) target(%arg7 : memref<128x128xf32, #tpu.memory_space<vmem>>) offsets(%dma_start3A_30 : memref<128xi32, #tpu.memory_space<vmem>>) semaphore(%arg10 : memref<!tpu.dma_semaphore, #tpu.memory_space<semaphore_mem>>)
    %scan3A_34 = arith.constant 0 : i32
    %scan3A_35 = arith.constant 0 : i32
    %scan3A_36 = arith.constant 10 : i32
    %scan3A_37 = arith.addi %scan3A_35, %scan3A_36 : i32
    %scan3A_38 = arith.constant 1 : i32
    %scan3A_39 = scf.for %scan3A_61 = %scan3A_35 to %scan3A_37 step %scan3A_38 iter_args(%scan3A_62 = %scan3A_34) -> (i32)  : i32 {
      %mul3A_63 = arith.constant 20 : i32
      %mul3A_64 = arith.muli %add3A, %mul3A_63 : i32
      %mul3A_65 = arith.constant 2 : i32
      %mul3A_66 = arith.muli %mul3A_65, %scan3A_61 : i32
      %add3A_67 = arith.constant 2 : i32
      %add3A_68 = arith.addi %mul3A_66, %add3A_67 : i32
      %min3A = arith.constant 19 : i32
      %min3A_69 = arith.minsi %add3A_68, %min3A : i32
      %add3A_70 = arith.addi %mul3A_64, %min3A_69 : i32
      %mul3A_71 = arith.constant 8 : i32
      %mul3A_72 = arith.muli %add3A_70, %mul3A_71 : i32
      %mul3A_73 = arith.constant 20 : i32
      %mul3A_74 = arith.muli %add3A, %mul3A_73 : i32
      %mul3A_75 = arith.constant 2 : i32
      %mul3A_76 = arith.muli %mul3A_75, %scan3A_61 : i32
      %add3A_77 = arith.constant 3 : i32
      %add3A_78 = arith.addi %mul3A_76, %add3A_77 : i32
      %min3A_79 = arith.constant 19 : i32
      %min3A_80 = arith.minsi %add3A_78, %min3A_79 : i32
      %add3A_81 = arith.addi %mul3A_74, %min3A_80 : i32
      %mul3A_82 = arith.constant 8 : i32
      %mul3A_83 = arith.muli %add3A_81, %mul3A_82 : i32
      %dma_start3A_84 = arith.constant 1 : i32
      %dma_start3A_85 = arith.constant 0 : i32
      %dma_start3A_86 = tpu.memref_slice %arg5[%dma_start3A_84, %dma_start3A_85] : memref<8x128xi32, #tpu.memory_space<vmem>> -> memref<1x128xi32, #tpu.memory_space<vmem>>
      %dma_start3A_87 = tpu.memref_squeeze %dma_start3A_86 : memref<1x128xi32, #tpu.memory_space<vmem>> -> memref<128xi32, #tpu.memory_space<vmem>>
      %dma_start3A_88 = arith.constant 0 : i32
      %dma_start3A_89 = arith.constant 0 : i32
      %dma_start3A_90 = tpu.memref_slice %arg2[%dma_start3A_88, %dma_start3A_89] : memref<10000x128xf32, #tpu.memory_space<hbm>> -> memref<10000x128xf32, #tpu.memory_space<hbm>>
      tpu.enqueue_indirect_dma source(%dma_start3A_90 : memref<10000x128xf32, #tpu.memory_space<hbm>>) target(%arg8 : memref<128x128xf32, #tpu.memory_space<vmem>>) offsets(%dma_start3A_87 : memref<128xi32, #tpu.memory_space<vmem>>) semaphore(%arg11 : memref<!tpu.dma_semaphore, #tpu.memory_space<semaphore_mem>>)
      %dma_wait3A_91 = arith.constant 0 : i32
      %dma_wait3A_92 = arith.constant 0 : i32
      %dma_wait3A_93 = tpu.memref_slice %arg5[%dma_wait3A_91, %dma_wait3A_92] : memref<8x128xi32, #tpu.memory_space<vmem>> -> memref<1x128xi32, #tpu.memory_space<vmem>>
      %dma_wait3A_94 = tpu.memref_squeeze %dma_wait3A_93 : memref<1x128xi32, #tpu.memory_space<vmem>> -> memref<128xi32, #tpu.memory_space<vmem>>
      %dma_wait3A_95 = arith.constant 0 : i32
      %dma_wait3A_96 = arith.constant 0 : i32
      %dma_wait3A_97 = tpu.memref_slice %arg2[%dma_wait3A_95, %dma_wait3A_96] : memref<10000x128xf32, #tpu.memory_space<hbm>> -> memref<10000x128xf32, #tpu.memory_space<hbm>>
      tpu.wait_indirect_dma semaphore(%arg10 : memref<!tpu.dma_semaphore, #tpu.memory_space<semaphore_mem>>) src(%dma_wait3A_97 : memref<10000x128xf32, #tpu.memory_space<hbm>>) dst(%arg7 : memref<128x128xf32, #tpu.memory_space<vmem>>)
      %run_scoped3A = arith.constant 4 : i32
      "tpu.region"() ({
        %run_scoped3A_220 = tpu.sem_alloc : memref<!tpu.dma_semaphore, #tpu.memory_space<semaphore_mem>>
        %dma_start3A_221 = arith.constant 0 : i32
        %dma_start3A_222 = tpu.memref_slice %arg5[%run_scoped3A, %dma_start3A_221] : memref<8x128xi32, #tpu.memory_space<vmem>> -> memref<1x128xi32, #tpu.memory_space<vmem>>
        %dma_start3A_223 = tpu.memref_squeeze %dma_start3A_222 : memref<1x128xi32, #tpu.memory_space<vmem>> -> memref<128xi32, #tpu.memory_space<vmem>>
        %dma_start3A_224 = arith.constant 0 : i32
        %dma_start3A_225 = arith.constant 0 : i32
        %dma_start3A_226 = tpu.memref_slice %arg9[%dma_start3A_224, %dma_start3A_225] : memref<10240x128xf32, #tpu.memory_space<vmem_shared>> -> memref<10240x128xf32, #tpu.memory_space<vmem_shared>>
        tpu.enqueue_indirect_dma source(%arg7 : memref<128x128xf32, #tpu.memory_space<vmem>>) target(%dma_start3A_226 : memref<10240x128xf32, #tpu.memory_space<vmem_shared>>) offsets(%dma_start3A_223 : memref<128xi32, #tpu.memory_space<vmem>>) semaphore(%run_scoped3A_220 : memref<!tpu.dma_semaphore, #tpu.memory_space<semaphore_mem>>) {add = true}
        %dma_wait3A_227 = arith.constant 0 : i32
        %dma_wait3A_228 = tpu.memref_slice %arg5[%run_scoped3A, %dma_wait3A_227] : memref<8x128xi32, #tpu.memory_space<vmem>> -> memref<1x128xi32, #tpu.memory_space<vmem>>
        %dma_wait3A_229 = tpu.memref_squeeze %dma_wait3A_228 : memref<1x128xi32, #tpu.memory_space<vmem>> -> memref<128xi32, #tpu.memory_space<vmem>>
        %dma_wait3A_230 = arith.constant 0 : i32
        %dma_wait3A_231 = arith.constant 0 : i32
        %dma_wait3A_232 = tpu.memref_slice %arg9[%dma_wait3A_230, %dma_wait3A_231] : memref<10240x128xf32, #tpu.memory_space<vmem_shared>> -> memref<10240x128xf32, #tpu.memory_space<vmem_shared>>
        tpu.wait_indirect_dma semaphore(%run_scoped3A_220 : memref<!tpu.dma_semaphore, #tpu.memory_space<semaphore_mem>>) src(%arg7 : memref<128x128xf32, #tpu.memory_space<vmem>>) dst(%dma_wait3A_232 : memref<10240x128xf32, #tpu.memory_space<vmem_shared>>)
        tpu.yield
      }) : () -> ()
      %dma_start3A_98 = arith.constant 2 : i32
      %dma_start3A_99 = arith.constant 0 : i32
      %dma_start3A_100 = tpu.memref_slice %arg5[%dma_start3A_98, %dma_start3A_99] : memref<8x128xi32, #tpu.memory_space<vmem>> -> memref<1x128xi32, #tpu.memory_space<vmem>>
      %dma_start3A_101 = tpu.memref_squeeze %dma_start3A_100 : memref<1x128xi32, #tpu.memory_space<vmem>> -> memref<128xi32, #tpu.memory_space<vmem>>
      %dma_start3A_102 = arith.constant 0 : i32
      %dma_start3A_103 = arith.constant 0 : i32
      %dma_start3A_104 = tpu.memref_slice %arg2[%dma_start3A_102, %dma_start3A_103] : memref<10000x128xf32, #tpu.memory_space<hbm>> -> memref<10000x128xf32, #tpu.memory_space<hbm>>
      tpu.enqueue_indirect_dma source(%dma_start3A_104 : memref<10000x128xf32, #tpu.memory_space<hbm>>) target(%arg7 : memref<128x128xf32, #tpu.memory_space<vmem>>) offsets(%dma_start3A_101 : memref<128xi32, #tpu.memory_space<vmem>>) semaphore(%arg10 : memref<!tpu.dma_semaphore, #tpu.memory_space<semaphore_mem>>)
      %dma_wait3A_105 = arith.constant 1 : i32
      %dma_wait3A_106 = arith.constant 0 : i32
      %dma_wait3A_107 = tpu.memref_slice %arg5[%dma_wait3A_105, %dma_wait3A_106] : memref<8x128xi32, #tpu.memory_space<vmem>> -> memref<1x128xi32, #tpu.memory_space<vmem>>
      %dma_wait3A_108 = tpu.memref_squeeze %dma_wait3A_107 : memref<1x128xi32, #tpu.memory_space<vmem>> -> memref<128xi32, #tpu.memory_space<vmem>>
      %dma_wait3A_109 = arith.constant 0 : i32
      %dma_wait3A_110 = arith.constant 0 : i32
      %dma_wait3A_111 = tpu.memref_slice %arg2[%dma_wait3A_109, %dma_wait3A_110] : memref<10000x128xf32, #tpu.memory_space<hbm>> -> memref<10000x128xf32, #tpu.memory_space<hbm>>
      tpu.wait_indirect_dma semaphore(%arg11 : memref<!tpu.dma_semaphore, #tpu.memory_space<semaphore_mem>>) src(%dma_wait3A_111 : memref<10000x128xf32, #tpu.memory_space<hbm>>) dst(%arg8 : memref<128x128xf32, #tpu.memory_space<vmem>>)
      %run_scoped3A_112 = arith.constant 5 : i32
      "tpu.region"() ({
        %run_scoped3A_220 = tpu.sem_alloc : memref<!tpu.dma_semaphore, #tpu.memory_space<semaphore_mem>>
        %dma_start3A_221 = arith.constant 0 : i32
        %dma_start3A_222 = tpu.memref_slice %arg5[%run_scoped3A_112, %dma_start3A_221] : memref<8x128xi32, #tpu.memory_space<vmem>> -> memref<1x128xi32, #tpu.memory_space<vmem>>
        %dma_start3A_223 = tpu.memref_squeeze %dma_start3A_222 : memref<1x128xi32, #tpu.memory_space<vmem>> -> memref<128xi32, #tpu.memory_space<vmem>>
        %dma_start3A_224 = arith.constant 0 : i32
        %dma_start3A_225 = arith.constant 0 : i32
        %dma_start3A_226 = tpu.memref_slice %arg9[%dma_start3A_224, %dma_start3A_225] : memref<10240x128xf32, #tpu.memory_space<vmem_shared>> -> memref<10240x128xf32, #tpu.memory_space<vmem_shared>>
        tpu.enqueue_indirect_dma source(%arg8 : memref<128x128xf32, #tpu.memory_space<vmem>>) target(%dma_start3A_226 : memref<10240x128xf32, #tpu.memory_space<vmem_shared>>) offsets(%dma_start3A_223 : memref<128xi32, #tpu.memory_space<vmem>>) semaphore(%run_scoped3A_220 : memref<!tpu.dma_semaphore, #tpu.memory_space<semaphore_mem>>) {add = true}
        %dma_wait3A_227 = arith.constant 0 : i32
        %dma_wait3A_228 = tpu.memref_slice %arg5[%run_scoped3A_112, %dma_wait3A_227] : memref<8x128xi32, #tpu.memory_space<vmem>> -> memref<1x128xi32, #tpu.memory_space<vmem>>
        %dma_wait3A_229 = tpu.memref_squeeze %dma_wait3A_228 : memref<1x128xi32, #tpu.memory_space<vmem>> -> memref<128xi32, #tpu.memory_space<vmem>>
        %dma_wait3A_230 = arith.constant 0 : i32
        %dma_wait3A_231 = arith.constant 0 : i32
        %dma_wait3A_232 = tpu.memref_slice %arg9[%dma_wait3A_230, %dma_wait3A_231] : memref<10240x128xf32, #tpu.memory_space<vmem_shared>> -> memref<10240x128xf32, #tpu.memory_space<vmem_shared>>
        tpu.wait_indirect_dma semaphore(%run_scoped3A_220 : memref<!tpu.dma_semaphore, #tpu.memory_space<semaphore_mem>>) src(%arg8 : memref<128x128xf32, #tpu.memory_space<vmem>>) dst(%dma_wait3A_232 : memref<10240x128xf32, #tpu.memory_space<vmem_shared>>)
        tpu.yield
      }) : () -> ()
      %dma_start3A_113 = arith.constant 3 : i32
      %dma_start3A_114 = arith.constant 0 : i32
      %dma_start3A_115 = tpu.memref_slice %arg5[%dma_start3A_113, %dma_start3A_114] : memref<8x128xi32, #tpu.memory_space<vmem>> -> memref<1x128xi32, #tpu.memory_space<vmem>>
      %dma_start3A_116 = tpu.memref_squeeze %dma_start3A_115 : memref<1x128xi32, #tpu.memory_space<vmem>> -> memref<128xi32, #tpu.memory_space<vmem>>
      %dma_start3A_117 = arith.constant 0 : i32
      %dma_start3A_118 = arith.constant 0 : i32
      %dma_start3A_119 = tpu.memref_slice %arg2[%dma_start3A_117, %dma_start3A_118] : memref<10000x128xf32, #tpu.memory_space<hbm>> -> memref<10000x128xf32, #tpu.memory_space<hbm>>
      tpu.enqueue_indirect_dma source(%dma_start3A_119 : memref<10000x128xf32, #tpu.memory_space<hbm>>) target(%arg8 : memref<128x128xf32, #tpu.memory_space<vmem>>) offsets(%dma_start3A_116 : memref<128xi32, #tpu.memory_space<vmem>>) semaphore(%arg11 : memref<!tpu.dma_semaphore, #tpu.memory_space<semaphore_mem>>)
      %dma_wait3A_120 = arith.constant 2 : i32
      %dma_wait3A_121 = arith.constant 0 : i32
      %dma_wait3A_122 = tpu.memref_slice %arg5[%dma_wait3A_120, %dma_wait3A_121] : memref<8x128xi32, #tpu.memory_space<vmem>> -> memref<1x128xi32, #tpu.memory_space<vmem>>
      %dma_wait3A_123 = tpu.memref_squeeze %dma_wait3A_122 : memref<1x128xi32, #tpu.memory_space<vmem>> -> memref<128xi32, #tpu.memory_space<vmem>>
      %dma_wait3A_124 = arith.constant 0 : i32
      %dma_wait3A_125 = arith.constant 0 : i32
      %dma_wait3A_126 = tpu.memref_slice %arg2[%dma_wait3A_124, %dma_wait3A_125] : memref<10000x128xf32, #tpu.memory_space<hbm>> -> memref<10000x128xf32, #tpu.memory_space<hbm>>
      tpu.wait_indirect_dma semaphore(%arg10 : memref<!tpu.dma_semaphore, #tpu.memory_space<semaphore_mem>>) src(%dma_wait3A_126 : memref<10000x128xf32, #tpu.memory_space<hbm>>) dst(%arg7 : memref<128x128xf32, #tpu.memory_space<vmem>>)
      %run_scoped3A_127 = arith.constant 6 : i32
      "tpu.region"() ({
        %run_scoped3A_220 = tpu.sem_alloc : memref<!tpu.dma_semaphore, #tpu.memory_space<semaphore_mem>>
        %dma_start3A_221 = arith.constant 0 : i32
        %dma_start3A_222 = tpu.memref_slice %arg5[%run_scoped3A_127, %dma_start3A_221] : memref<8x128xi32, #tpu.memory_space<vmem>> -> memref<1x128xi32, #tpu.memory_space<vmem>>
        %dma_start3A_223 = tpu.memref_squeeze %dma_start3A_222 : memref<1x128xi32, #tpu.memory_space<vmem>> -> memref<128xi32, #tpu.memory_space<vmem>>
        %dma_start3A_224 = arith.constant 0 : i32
        %dma_start3A_225 = arith.constant 0 : i32
        %dma_start3A_226 = tpu.memref_slice %arg9[%dma_start3A_224, %dma_start3A_225] : memref<10240x128xf32, #tpu.memory_space<vmem_shared>> -> memref<10240x128xf32, #tpu.memory_space<vmem_shared>>
        tpu.enqueue_indirect_dma source(%arg7 : memref<128x128xf32, #tpu.memory_space<vmem>>) target(%dma_start3A_226 : memref<10240x128xf32, #tpu.memory_space<vmem_shared>>) offsets(%dma_start3A_223 : memref<128xi32, #tpu.memory_space<vmem>>) semaphore(%run_scoped3A_220 : memref<!tpu.dma_semaphore, #tpu.memory_space<semaphore_mem>>) {add = true}
        %dma_wait3A_227 = arith.constant 0 : i32
        %dma_wait3A_228 = tpu.memref_slice %arg5[%run_scoped3A_127, %dma_wait3A_227] : memref<8x128xi32, #tpu.memory_space<vmem>> -> memref<1x128xi32, #tpu.memory_space<vmem>>
        %dma_wait3A_229 = tpu.memref_squeeze %dma_wait3A_228 : memref<1x128xi32, #tpu.memory_space<vmem>> -> memref<128xi32, #tpu.memory_space<vmem>>
        %dma_wait3A_230 = arith.constant 0 : i32
        %dma_wait3A_231 = arith.constant 0 : i32
        %dma_wait3A_232 = tpu.memref_slice %arg9[%dma_wait3A_230, %dma_wait3A_231] : memref<10240x128xf32, #tpu.memory_space<vmem_shared>> -> memref<10240x128xf32, #tpu.memory_space<vmem_shared>>
        tpu.wait_indirect_dma semaphore(%run_scoped3A_220 : memref<!tpu.dma_semaphore, #tpu.memory_space<semaphore_mem>>) src(%arg7 : memref<128x128xf32, #tpu.memory_space<vmem>>) dst(%dma_wait3A_232 : memref<10240x128xf32, #tpu.memory_space<vmem_shared>>)
        tpu.yield
      }) : () -> ()
      %dma_wait3A_128 = arith.constant 0 : i32
      %dma_wait3A_129 = tpu.memref_slice %arg3[%mul3A_83, %dma_wait3A_128] : memref<5120x128xi32, #tpu.memory_space<hbm>> -> memref<8x128xi32, #tpu.memory_space<hbm>>
      %dma_wait3A_130 = arith.constant 0 : i32
      %dma_wait3A_131 = tpu.memref_slice %arg3[%mul3A_83, %dma_wait3A_130] : memref<5120x128xi32, #tpu.memory_space<hbm>> -> memref<8x128xi32, #tpu.memory_space<hbm>>
      tpu.wait_dma2 semaphore(%arg13 : memref<!tpu.dma_semaphore, #tpu.memory_space<semaphore_mem>>) src(%dma_wait3A_131 : memref<8x128xi32, #tpu.memory_space<hbm>>) dst(%arg6 : memref<8x128xi32, #tpu.memory_space<vmem>>)
      %dma_start3A_132 = arith.constant 0 : i32
      %dma_start3A_133 = arith.constant 0 : i32
      %dma_start3A_134 = tpu.memref_slice %arg6[%dma_start3A_132, %dma_start3A_133] : memref<8x128xi32, #tpu.memory_space<vmem>> -> memref<1x128xi32, #tpu.memory_space<vmem>>
      %dma_start3A_135 = tpu.memref_squeeze %dma_start3A_134 : memref<1x128xi32, #tpu.memory_space<vmem>> -> memref<128xi32, #tpu.memory_space<vmem>>
      %dma_start3A_136 = arith.constant 0 : i32
      %dma_start3A_137 = arith.constant 0 : i32
      %dma_start3A_138 = tpu.memref_slice %arg2[%dma_start3A_136, %dma_start3A_137] : memref<10000x128xf32, #tpu.memory_space<hbm>> -> memref<10000x128xf32, #tpu.memory_space<hbm>>
      tpu.enqueue_indirect_dma source(%dma_start3A_138 : memref<10000x128xf32, #tpu.memory_space<hbm>>) target(%arg7 : memref<128x128xf32, #tpu.memory_space<vmem>>) offsets(%dma_start3A_135 : memref<128xi32, #tpu.memory_space<vmem>>) semaphore(%arg10 : memref<!tpu.dma_semaphore, #tpu.memory_space<semaphore_mem>>)
      %dma_wait3A_139 = arith.constant 3 : i32
      %dma_wait3A_140 = arith.constant 0 : i32
      %dma_wait3A_141 = tpu.memref_slice %arg5[%dma_wait3A_139, %dma_wait3A_140] : memref<8x128xi32, #tpu.memory_space<vmem>> -> memref<1x128xi32, #tpu.memory_space<vmem>>
      %dma_wait3A_142 = tpu.memref_squeeze %dma_wait3A_141 : memref<1x128xi32, #tpu.memory_space<vmem>> -> memref<128xi32, #tpu.memory_space<vmem>>
      %dma_wait3A_143 = arith.constant 0 : i32
      %dma_wait3A_144 = arith.constant 0 : i32
      %dma_wait3A_145 = tpu.memref_slice %arg2[%dma_wait3A_143, %dma_wait3A_144] : memref<10000x128xf32, #tpu.memory_space<hbm>> -> memref<10000x128xf32, #tpu.memory_space<hbm>>
      tpu.wait_indirect_dma semaphore(%arg11 : memref<!tpu.dma_semaphore, #tpu.memory_space<semaphore_mem>>) src(%dma_wait3A_145 : memref<10000x128xf32, #tpu.memory_space<hbm>>) dst(%arg8 : memref<128x128xf32, #tpu.memory_space<vmem>>)
      %run_scoped3A_146 = arith.constant 7 : i32
      "tpu.region"() ({
        %run_scoped3A_220 = tpu.sem_alloc : memref<!tpu.dma_semaphore, #tpu.memory_space<semaphore_mem>>
        %dma_start3A_221 = arith.constant 0 : i32
        %dma_start3A_222 = tpu.memref_slice %arg5[%run_scoped3A_146, %dma_start3A_221] : memref<8x128xi32, #tpu.memory_space<vmem>> -> memref<1x128xi32, #tpu.memory_space<vmem>>
        %dma_start3A_223 = tpu.memref_squeeze %dma_start3A_222 : memref<1x128xi32, #tpu.memory_space<vmem>> -> memref<128xi32, #tpu.memory_space<vmem>>
        %dma_start3A_224 = arith.constant 0 : i32
        %dma_start3A_225 = arith.constant 0 : i32
        %dma_start3A_226 = tpu.memref_slice %arg9[%dma_start3A_224, %dma_start3A_225] : memref<10240x128xf32, #tpu.memory_space<vmem_shared>> -> memref<10240x128xf32, #tpu.memory_space<vmem_shared>>
        tpu.enqueue_indirect_dma source(%arg8 : memref<128x128xf32, #tpu.memory_space<vmem>>) target(%dma_start3A_226 : memref<10240x128xf32, #tpu.memory_space<vmem_shared>>) offsets(%dma_start3A_223 : memref<128xi32, #tpu.memory_space<vmem>>) semaphore(%run_scoped3A_220 : memref<!tpu.dma_semaphore, #tpu.memory_space<semaphore_mem>>) {add = true}
        %dma_wait3A_227 = arith.constant 0 : i32
        %dma_wait3A_228 = tpu.memref_slice %arg5[%run_scoped3A_146, %dma_wait3A_227] : memref<8x128xi32, #tpu.memory_space<vmem>> -> memref<1x128xi32, #tpu.memory_space<vmem>>
        %dma_wait3A_229 = tpu.memref_squeeze %dma_wait3A_228 : memref<1x128xi32, #tpu.memory_space<vmem>> -> memref<128xi32, #tpu.memory_space<vmem>>
        %dma_wait3A_230 = arith.constant 0 : i32
        %dma_wait3A_231 = arith.constant 0 : i32
        %dma_wait3A_232 = tpu.memref_slice %arg9[%dma_wait3A_230, %dma_wait3A_231] : memref<10240x128xf32, #tpu.memory_space<vmem_shared>> -> memref<10240x128xf32, #tpu.memory_space<vmem_shared>>
        tpu.wait_indirect_dma semaphore(%run_scoped3A_220 : memref<!tpu.dma_semaphore, #tpu.memory_space<semaphore_mem>>) src(%arg8 : memref<128x128xf32, #tpu.memory_space<vmem>>) dst(%dma_wait3A_232 : memref<10240x128xf32, #tpu.memory_space<vmem_shared>>)
        tpu.yield
      }) : () -> ()
      %dma_start3A_147 = arith.constant 0 : i32
      %dma_start3A_148 = tpu.memref_slice %arg3[%mul3A_72, %dma_start3A_147] : memref<5120x128xi32, #tpu.memory_space<hbm>> -> memref<8x128xi32, #tpu.memory_space<hbm>>
      %dma_start3A_149 = arith.constant 0 : i32
      %dma_start3A_150 = tpu.memref_slice %arg3[%mul3A_72, %dma_start3A_149] : memref<5120x128xi32, #tpu.memory_space<hbm>> -> memref<8x128xi32, #tpu.memory_space<hbm>>
      tpu.enqueue_dma source(%dma_start3A_150 : memref<8x128xi32, #tpu.memory_space<hbm>>) target(%arg5 : memref<8x128xi32, #tpu.memory_space<vmem>>) target_semaphore(%arg12 : memref<!tpu.dma_semaphore, #tpu.memory_space<semaphore_mem>>)
      %dma_start3A_151 = arith.constant 1 : i32
      %dma_start3A_152 = arith.constant 0 : i32
      %dma_start3A_153 = tpu.memref_slice %arg6[%dma_start3A_151, %dma_start3A_152] : memref<8x128xi32, #tpu.memory_space<vmem>> -> memref<1x128xi32, #tpu.memory_space<vmem>>
      %dma_start3A_154 = tpu.memref_squeeze %dma_start3A_153 : memref<1x128xi32, #tpu.memory_space<vmem>> -> memref<128xi32, #tpu.memory_space<vmem>>
      %dma_start3A_155 = arith.constant 0 : i32
      %dma_start3A_156 = arith.constant 0 : i32
      %dma_start3A_157 = tpu.memref_slice %arg2[%dma_start3A_155, %dma_start3A_156] : memref<10000x128xf32, #tpu.memory_space<hbm>> -> memref<10000x128xf32, #tpu.memory_space<hbm>>
      tpu.enqueue_indirect_dma source(%dma_start3A_157 : memref<10000x128xf32, #tpu.memory_space<hbm>>) target(%arg8 : memref<128x128xf32, #tpu.memory_space<vmem>>) offsets(%dma_start3A_154 : memref<128xi32, #tpu.memory_space<vmem>>) semaphore(%arg11 : memref<!tpu.dma_semaphore, #tpu.memory_space<semaphore_mem>>)
      %dma_wait3A_158 = arith.constant 0 : i32
      %dma_wait3A_159 = arith.constant 0 : i32
      %dma_wait3A_160 = tpu.memref_slice %arg6[%dma_wait3A_158, %dma_wait3A_159] : memref<8x128xi32, #tpu.memory_space<vmem>> -> memref<1x128xi32, #tpu.memory_space<vmem>>
      %dma_wait3A_161 = tpu.memref_squeeze %dma_wait3A_160 : memref<1x128xi32, #tpu.memory_space<vmem>> -> memref<128xi32, #tpu.memory_space<vmem>>
      %dma_wait3A_162 = arith.constant 0 : i32
      %dma_wait3A_163 = arith.constant 0 : i32
      %dma_wait3A_164 = tpu.memref_slice %arg2[%dma_wait3A_162, %dma_wait3A_163] : memref<10000x128xf32, #tpu.memory_space<hbm>> -> memref<10000x128xf32, #tpu.memory_space<hbm>>
      tpu.wait_indirect_dma semaphore(%arg10 : memref<!tpu.dma_semaphore, #tpu.memory_space<semaphore_mem>>) src(%dma_wait3A_164 : memref<10000x128xf32, #tpu.memory_space<hbm>>) dst(%arg7 : memref<128x128xf32, #tpu.memory_space<vmem>>)
      %run_scoped3A_165 = arith.constant 4 : i32
      "tpu.region"() ({
        %run_scoped3A_220 = tpu.sem_alloc : memref<!tpu.dma_semaphore, #tpu.memory_space<semaphore_mem>>
        %dma_start3A_221 = arith.constant 0 : i32
        %dma_start3A_222 = tpu.memref_slice %arg6[%run_scoped3A_165, %dma_start3A_221] : memref<8x128xi32, #tpu.memory_space<vmem>> -> memref<1x128xi32, #tpu.memory_space<vmem>>
        %dma_start3A_223 = tpu.memref_squeeze %dma_start3A_222 : memref<1x128xi32, #tpu.memory_space<vmem>> -> memref<128xi32, #tpu.memory_space<vmem>>
        %dma_start3A_224 = arith.constant 0 : i32
        %dma_start3A_225 = arith.constant 0 : i32
        %dma_start3A_226 = tpu.memref_slice %arg9[%dma_start3A_224, %dma_start3A_225] : memref<10240x128xf32, #tpu.memory_space<vmem_shared>> -> memref<10240x128xf32, #tpu.memory_space<vmem_shared>>
        tpu.enqueue_indirect_dma source(%arg7 : memref<128x128xf32, #tpu.memory_space<vmem>>) target(%dma_start3A_226 : memref<10240x128xf32, #tpu.memory_space<vmem_shared>>) offsets(%dma_start3A_223 : memref<128xi32, #tpu.memory_space<vmem>>) semaphore(%run_scoped3A_220 : memref<!tpu.dma_semaphore, #tpu.memory_space<semaphore_mem>>) {add = true}
        %dma_wait3A_227 = arith.constant 0 : i32
        %dma_wait3A_228 = tpu.memref_slice %arg6[%run_scoped3A_165, %dma_wait3A_227] : memref<8x128xi32, #tpu.memory_space<vmem>> -> memref<1x128xi32, #tpu.memory_space<vmem>>
        %dma_wait3A_229 = tpu.memref_squeeze %dma_wait3A_228 : memref<1x128xi32, #tpu.memory_space<vmem>> -> memref<128xi32, #tpu.memory_space<vmem>>
        %dma_wait3A_230 = arith.constant 0 : i32
        %dma_wait3A_231 = arith.constant 0 : i32
        %dma_wait3A_232 = tpu.memref_slice %arg9[%dma_wait3A_230, %dma_wait3A_231] : memref<10240x128xf32, #tpu.memory_space<vmem_shared>> -> memref<10240x128xf32, #tpu.memory_space<vmem_shared>>
        tpu.wait_indirect_dma semaphore(%run_scoped3A_220 : memref<!tpu.dma_semaphore, #tpu.memory_space<semaphore_mem>>) src(%arg7 : memref<128x128xf32, #tpu.memory_space<vmem>>) dst(%dma_wait3A_232 : memref<10240x128xf32, #tpu.memory_space<vmem_shared>>)
        tpu.yield
      }) : () -> ()
      %dma_start3A_166 = arith.constant 2 : i32
      %dma_start3A_167 = arith.constant 0 : i32
      %dma_start3A_168 = tpu.memref_slice %arg6[%dma_start3A_166, %dma_start3A_167] : memref<8x128xi32, #tpu.memory_space<vmem>> -> memref<1x128xi32, #tpu.memory_space<vmem>>
      %dma_start3A_169 = tpu.memref_squeeze %dma_start3A_168 : memref<1x128xi32, #tpu.memory_space<vmem>> -> memref<128xi32, #tpu.memory_space<vmem>>
      %dma_start3A_170 = arith.constant 0 : i32
      %dma_start3A_171 = arith.constant 0 : i32
      %dma_start3A_172 = tpu.memref_slice %arg2[%dma_start3A_170, %dma_start3A_171] : memref<10000x128xf32, #tpu.memory_space<hbm>> -> memref<10000x128xf32, #tpu.memory_space<hbm>>
      tpu.enqueue_indirect_dma source(%dma_start3A_172 : memref<10000x128xf32, #tpu.memory_space<hbm>>) target(%arg7 : memref<128x128xf32, #tpu.memory_space<vmem>>) offsets(%dma_start3A_169 : memref<128xi32, #tpu.memory_space<vmem>>) semaphore(%arg10 : memref<!tpu.dma_semaphore, #tpu.memory_space<semaphore_mem>>)
      %dma_wait3A_173 = arith.constant 1 : i32
      %dma_wait3A_174 = arith.constant 0 : i32
      %dma_wait3A_175 = tpu.memref_slice %arg6[%dma_wait3A_173, %dma_wait3A_174] : memref<8x128xi32, #tpu.memory_space<vmem>> -> memref<1x128xi32, #tpu.memory_space<vmem>>
      %dma_wait3A_176 = tpu.memref_squeeze %dma_wait3A_175 : memref<1x128xi32, #tpu.memory_space<vmem>> -> memref<128xi32, #tpu.memory_space<vmem>>
      %dma_wait3A_177 = arith.constant 0 : i32
      %dma_wait3A_178 = arith.constant 0 : i32
      %dma_wait3A_179 = tpu.memref_slice %arg2[%dma_wait3A_177, %dma_wait3A_178] : memref<10000x128xf32, #tpu.memory_space<hbm>> -> memref<10000x128xf32, #tpu.memory_space<hbm>>
      tpu.wait_indirect_dma semaphore(%arg11 : memref<!tpu.dma_semaphore, #tpu.memory_space<semaphore_mem>>) src(%dma_wait3A_179 : memref<10000x128xf32, #tpu.memory_space<hbm>>) dst(%arg8 : memref<128x128xf32, #tpu.memory_space<vmem>>)
      %run_scoped3A_180 = arith.constant 5 : i32
      "tpu.region"() ({
        %run_scoped3A_220 = tpu.sem_alloc : memref<!tpu.dma_semaphore, #tpu.memory_space<semaphore_mem>>
        %dma_start3A_221 = arith.constant 0 : i32
        %dma_start3A_222 = tpu.memref_slice %arg6[%run_scoped3A_180, %dma_start3A_221] : memref<8x128xi32, #tpu.memory_space<vmem>> -> memref<1x128xi32, #tpu.memory_space<vmem>>
        %dma_start3A_223 = tpu.memref_squeeze %dma_start3A_222 : memref<1x128xi32, #tpu.memory_space<vmem>> -> memref<128xi32, #tpu.memory_space<vmem>>
        %dma_start3A_224 = arith.constant 0 : i32
        %dma_start3A_225 = arith.constant 0 : i32
        %dma_start3A_226 = tpu.memref_slice %arg9[%dma_start3A_224, %dma_start3A_225] : memref<10240x128xf32, #tpu.memory_space<vmem_shared>> -> memref<10240x128xf32, #tpu.memory_space<vmem_shared>>
        tpu.enqueue_indirect_dma source(%arg8 : memref<128x128xf32, #tpu.memory_space<vmem>>) target(%dma_start3A_226 : memref<10240x128xf32, #tpu.memory_space<vmem_shared>>) offsets(%dma_start3A_223 : memref<128xi32, #tpu.memory_space<vmem>>) semaphore(%run_scoped3A_220 : memref<!tpu.dma_semaphore, #tpu.memory_space<semaphore_mem>>) {add = true}
        %dma_wait3A_227 = arith.constant 0 : i32
        %dma_wait3A_228 = tpu.memref_slice %arg6[%run_scoped3A_180, %dma_wait3A_227] : memref<8x128xi32, #tpu.memory_space<vmem>> -> memref<1x128xi32, #tpu.memory_space<vmem>>
        %dma_wait3A_229 = tpu.memref_squeeze %dma_wait3A_228 : memref<1x128xi32, #tpu.memory_space<vmem>> -> memref<128xi32, #tpu.memory_space<vmem>>
        %dma_wait3A_230 = arith.constant 0 : i32
        %dma_wait3A_231 = arith.constant 0 : i32
        %dma_wait3A_232 = tpu.memref_slice %arg9[%dma_wait3A_230, %dma_wait3A_231] : memref<10240x128xf32, #tpu.memory_space<vmem_shared>> -> memref<10240x128xf32, #tpu.memory_space<vmem_shared>>
        tpu.wait_indirect_dma semaphore(%run_scoped3A_220 : memref<!tpu.dma_semaphore, #tpu.memory_space<semaphore_mem>>) src(%arg8 : memref<128x128xf32, #tpu.memory_space<vmem>>) dst(%dma_wait3A_232 : memref<10240x128xf32, #tpu.memory_space<vmem_shared>>)
        tpu.yield
      }) : () -> ()
      %dma_start3A_181 = arith.constant 3 : i32
      %dma_start3A_182 = arith.constant 0 : i32
      %dma_start3A_183 = tpu.memref_slice %arg6[%dma_start3A_181, %dma_start3A_182] : memref<8x128xi32, #tpu.memory_space<vmem>> -> memref<1x128xi32, #tpu.memory_space<vmem>>
      %dma_start3A_184 = tpu.memref_squeeze %dma_start3A_183 : memref<1x128xi32, #tpu.memory_space<vmem>> -> memref<128xi32, #tpu.memory_space<vmem>>
      %dma_start3A_185 = arith.constant 0 : i32
      %dma_start3A_186 = arith.constant 0 : i32
      %dma_start3A_187 = tpu.memref_slice %arg2[%dma_start3A_185, %dma_start3A_186] : memref<10000x128xf32, #tpu.memory_space<hbm>> -> memref<10000x128xf32, #tpu.memory_space<hbm>>
      tpu.enqueue_indirect_dma source(%dma_start3A_187 : memref<10000x128xf32, #tpu.memory_space<hbm>>) target(%arg8 : memref<128x128xf32, #tpu.memory_space<vmem>>) offsets(%dma_start3A_184 : memref<128xi32, #tpu.memory_space<vmem>>) semaphore(%arg11 : memref<!tpu.dma_semaphore, #tpu.memory_space<semaphore_mem>>)
      %dma_wait3A_188 = arith.constant 2 : i32
      %dma_wait3A_189 = arith.constant 0 : i32
      %dma_wait3A_190 = tpu.memref_slice %arg6[%dma_wait3A_188, %dma_wait3A_189] : memref<8x128xi32, #tpu.memory_space<vmem>> -> memref<1x128xi32, #tpu.memory_space<vmem>>
      %dma_wait3A_191 = tpu.memref_squeeze %dma_wait3A_190 : memref<1x128xi32, #tpu.memory_space<vmem>> -> memref<128xi32, #tpu.memory_space<vmem>>
      %dma_wait3A_192 = arith.constant 0 : i32
      %dma_wait3A_193 = arith.constant 0 : i32
      %dma_wait3A_194 = tpu.memref_slice %arg2[%dma_wait3A_192, %dma_wait3A_193] : memref<10000x128xf32, #tpu.memory_space<hbm>> -> memref<10000x128xf32, #tpu.memory_space<hbm>>
      tpu.wait_indirect_dma semaphore(%arg10 : memref<!tpu.dma_semaphore, #tpu.memory_space<semaphore_mem>>) src(%dma_wait3A_194 : memref<10000x128xf32, #tpu.memory_space<hbm>>) dst(%arg7 : memref<128x128xf32, #tpu.memory_space<vmem>>)
      %run_scoped3A_195 = arith.constant 6 : i32
      "tpu.region"() ({
        %run_scoped3A_220 = tpu.sem_alloc : memref<!tpu.dma_semaphore, #tpu.memory_space<semaphore_mem>>
        %dma_start3A_221 = arith.constant 0 : i32
        %dma_start3A_222 = tpu.memref_slice %arg6[%run_scoped3A_195, %dma_start3A_221] : memref<8x128xi32, #tpu.memory_space<vmem>> -> memref<1x128xi32, #tpu.memory_space<vmem>>
        %dma_start3A_223 = tpu.memref_squeeze %dma_start3A_222 : memref<1x128xi32, #tpu.memory_space<vmem>> -> memref<128xi32, #tpu.memory_space<vmem>>
        %dma_start3A_224 = arith.constant 0 : i32
        %dma_start3A_225 = arith.constant 0 : i32
        %dma_start3A_226 = tpu.memref_slice %arg9[%dma_start3A_224, %dma_start3A_225] : memref<10240x128xf32, #tpu.memory_space<vmem_shared>> -> memref<10240x128xf32, #tpu.memory_space<vmem_shared>>
        tpu.enqueue_indirect_dma source(%arg7 : memref<128x128xf32, #tpu.memory_space<vmem>>) target(%dma_start3A_226 : memref<10240x128xf32, #tpu.memory_space<vmem_shared>>) offsets(%dma_start3A_223 : memref<128xi32, #tpu.memory_space<vmem>>) semaphore(%run_scoped3A_220 : memref<!tpu.dma_semaphore, #tpu.memory_space<semaphore_mem>>) {add = true}
        %dma_wait3A_227 = arith.constant 0 : i32
        %dma_wait3A_228 = tpu.memref_slice %arg6[%run_scoped3A_195, %dma_wait3A_227] : memref<8x128xi32, #tpu.memory_space<vmem>> -> memref<1x128xi32, #tpu.memory_space<vmem>>
        %dma_wait3A_229 = tpu.memref_squeeze %dma_wait3A_228 : memref<1x128xi32, #tpu.memory_space<vmem>> -> memref<128xi32, #tpu.memory_space<vmem>>
        %dma_wait3A_230 = arith.constant 0 : i32
        %dma_wait3A_231 = arith.constant 0 : i32
        %dma_wait3A_232 = tpu.memref_slice %arg9[%dma_wait3A_230, %dma_wait3A_231] : memref<10240x128xf32, #tpu.memory_space<vmem_shared>> -> memref<10240x128xf32, #tpu.memory_space<vmem_shared>>
        tpu.wait_indirect_dma semaphore(%run_scoped3A_220 : memref<!tpu.dma_semaphore, #tpu.memory_space<semaphore_mem>>) src(%arg7 : memref<128x128xf32, #tpu.memory_space<vmem>>) dst(%dma_wait3A_232 : memref<10240x128xf32, #tpu.memory_space<vmem_shared>>)
        tpu.yield
      }) : () -> ()
      %dma_wait3A_196 = arith.constant 0 : i32
      %dma_wait3A_197 = tpu.memref_slice %arg3[%mul3A_72, %dma_wait3A_196] : memref<5120x128xi32, #tpu.memory_space<hbm>> -> memref<8x128xi32, #tpu.memory_space<hbm>>
      %dma_wait3A_198 = arith.constant 0 : i32
      %dma_wait3A_199 = tpu.memref_slice %arg3[%mul3A_72, %dma_wait3A_198] : memref<5120x128xi32, #tpu.memory_space<hbm>> -> memref<8x128xi32, #tpu.memory_space<hbm>>
      tpu.wait_dma2 semaphore(%arg12 : memref<!tpu.dma_semaphore, #tpu.memory_space<semaphore_mem>>) src(%dma_wait3A_199 : memref<8x128xi32, #tpu.memory_space<hbm>>) dst(%arg5 : memref<8x128xi32, #tpu.memory_space<vmem>>)
      %dma_start3A_200 = arith.constant 0 : i32
      %dma_start3A_201 = arith.constant 0 : i32
      %dma_start3A_202 = tpu.memref_slice %arg5[%dma_start3A_200, %dma_start3A_201] : memref<8x128xi32, #tpu.memory_space<vmem>> -> memref<1x128xi32, #tpu.memory_space<vmem>>
      %dma_start3A_203 = tpu.memref_squeeze %dma_start3A_202 : memref<1x128xi32, #tpu.memory_space<vmem>> -> memref<128xi32, #tpu.memory_space<vmem>>
      %dma_start3A_204 = arith.constant 0 : i32
      %dma_start3A_205 = arith.constant 0 : i32
      %dma_start3A_206 = tpu.memref_slice %arg2[%dma_start3A_204, %dma_start3A_205] : memref<10000x128xf32, #tpu.memory_space<hbm>> -> memref<10000x128xf32, #tpu.memory_space<hbm>>
      tpu.enqueue_indirect_dma source(%dma_start3A_206 : memref<10000x128xf32, #tpu.memory_space<hbm>>) target(%arg7 : memref<128x128xf32, #tpu.memory_space<vmem>>) offsets(%dma_start3A_203 : memref<128xi32, #tpu.memory_space<vmem>>) semaphore(%arg10 : memref<!tpu.dma_semaphore, #tpu.memory_space<semaphore_mem>>)
      %dma_wait3A_207 = arith.constant 3 : i32
      %dma_wait3A_208 = arith.constant 0 : i32
      %dma_wait3A_209 = tpu.memref_slice %arg6[%dma_wait3A_207, %dma_wait3A_208] : memref<8x128xi32, #tpu.memory_space<vmem>> -> memref<1x128xi32, #tpu.memory_space<vmem>>
      %dma_wait3A_210 = tpu.memref_squeeze %dma_wait3A_209 : memref<1x128xi32, #tpu.memory_space<vmem>> -> memref<128xi32, #tpu.memory_space<vmem>>
      %dma_wait3A_211 = arith.constant 0 : i32
      %dma_wait3A_212 = arith.constant 0 : i32
      %dma_wait3A_213 = tpu.memref_slice %arg2[%dma_wait3A_211, %dma_wait3A_212] : memref<10000x128xf32, #tpu.memory_space<hbm>> -> memref<10000x128xf32, #tpu.memory_space<hbm>>
      tpu.wait_indirect_dma semaphore(%arg11 : memref<!tpu.dma_semaphore, #tpu.memory_space<semaphore_mem>>) src(%dma_wait3A_213 : memref<10000x128xf32, #tpu.memory_space<hbm>>) dst(%arg8 : memref<128x128xf32, #tpu.memory_space<vmem>>)
      %run_scoped3A_214 = arith.constant 7 : i32
      "tpu.region"() ({
        %run_scoped3A_220 = tpu.sem_alloc : memref<!tpu.dma_semaphore, #tpu.memory_space<semaphore_mem>>
        %dma_start3A_221 = arith.constant 0 : i32
        %dma_start3A_222 = tpu.memref_slice %arg6[%run_scoped3A_214, %dma_start3A_221] : memref<8x128xi32, #tpu.memory_space<vmem>> -> memref<1x128xi32, #tpu.memory_space<vmem>>
        %dma_start3A_223 = tpu.memref_squeeze %dma_start3A_222 : memref<1x128xi32, #tpu.memory_space<vmem>> -> memref<128xi32, #tpu.memory_space<vmem>>
        %dma_start3A_224 = arith.constant 0 : i32
        %dma_start3A_225 = arith.constant 0 : i32
        %dma_start3A_226 = tpu.memref_slice %arg9[%dma_start3A_224, %dma_start3A_225] : memref<10240x128xf32, #tpu.memory_space<vmem_shared>> -> memref<10240x128xf32, #tpu.memory_space<vmem_shared>>
        tpu.enqueue_indirect_dma source(%arg8 : memref<128x128xf32, #tpu.memory_space<vmem>>) target(%dma_start3A_226 : memref<10240x128xf32, #tpu.memory_space<vmem_shared>>) offsets(%dma_start3A_223 : memref<128xi32, #tpu.memory_space<vmem>>) semaphore(%run_scoped3A_220 : memref<!tpu.dma_semaphore, #tpu.memory_space<semaphore_mem>>) {add = true}
        %dma_wait3A_227 = arith.constant 0 : i32
        %dma_wait3A_228 = tpu.memref_slice %arg6[%run_scoped3A_214, %dma_wait3A_227] : memref<8x128xi32, #tpu.memory_space<vmem>> -> memref<1x128xi32, #tpu.memory_space<vmem>>
        %dma_wait3A_229 = tpu.memref_squeeze %dma_wait3A_228 : memref<1x128xi32, #tpu.memory_space<vmem>> -> memref<128xi32, #tpu.memory_space<vmem>>
        %dma_wait3A_230 = arith.constant 0 : i32
        %dma_wait3A_231 = arith.constant 0 : i32
        %dma_wait3A_232 = tpu.memref_slice %arg9[%dma_wait3A_230, %dma_wait3A_231] : memref<10240x128xf32, #tpu.memory_space<vmem_shared>> -> memref<10240x128xf32, #tpu.memory_space<vmem_shared>>
        tpu.wait_indirect_dma semaphore(%run_scoped3A_220 : memref<!tpu.dma_semaphore, #tpu.memory_space<semaphore_mem>>) src(%arg8 : memref<128x128xf32, #tpu.memory_space<vmem>>) dst(%dma_wait3A_232 : memref<10240x128xf32, #tpu.memory_space<vmem_shared>>)
        tpu.yield
      }) : () -> ()
      %dma_start3A_215 = arith.constant 0 : i32
      %dma_start3A_216 = tpu.memref_slice %arg3[%mul3A_83, %dma_start3A_215] : memref<5120x128xi32, #tpu.memory_space<hbm>> -> memref<8x128xi32, #tpu.memory_space<hbm>>
      %dma_start3A_217 = arith.constant 0 : i32
      %dma_start3A_218 = tpu.memref_slice %arg3[%mul3A_83, %dma_start3A_217] : memref<5120x128xi32, #tpu.memory_space<hbm>> -> memref<8x128xi32, #tpu.memory_space<hbm>>
      tpu.enqueue_dma source(%dma_start3A_218 : memref<8x128xi32, #tpu.memory_space<hbm>>) target(%arg6 : memref<8x128xi32, #tpu.memory_space<vmem>>) target_semaphore(%arg13 : memref<!tpu.dma_semaphore, #tpu.memory_space<semaphore_mem>>)
      %scan3A_219 = arith.constant 0 : i32
      scf.yield %scan3A_219 : i32
    }
    %scan3A_40 = arith.constant 10 : i32
    %dma_wait3A = arith.constant 0 : i32
    %dma_wait3A_41 = arith.constant 0 : i32
    %dma_wait3A_42 = tpu.memref_slice %arg5[%dma_wait3A, %dma_wait3A_41] : memref<8x128xi32, #tpu.memory_space<vmem>> -> memref<1x128xi32, #tpu.memory_space<vmem>>
    %dma_wait3A_43 = tpu.memref_squeeze %dma_wait3A_42 : memref<1x128xi32, #tpu.memory_space<vmem>> -> memref<128xi32, #tpu.memory_space<vmem>>
    %dma_wait3A_44 = arith.constant 0 : i32
    %dma_wait3A_45 = arith.constant 0 : i32
    %dma_wait3A_46 = tpu.memref_slice %arg2[%dma_wait3A_44, %dma_wait3A_45] : memref<10000x128xf32, #tpu.memory_space<hbm>> -> memref<10000x128xf32, #tpu.memory_space<hbm>>
    tpu.wait_indirect_dma semaphore(%arg10 : memref<!tpu.dma_semaphore, #tpu.memory_space<semaphore_mem>>) src(%dma_wait3A_46 : memref<10000x128xf32, #tpu.memory_space<hbm>>) dst(%arg7 : memref<128x128xf32, #tpu.memory_space<vmem>>)
    %dma_wait3A_47 = arith.constant 0 : i32
    %dma_wait3A_48 = arith.constant 0 : i32
    %dma_wait3A_49 = tpu.memref_slice %arg3[%dma_wait3A_47, %dma_wait3A_48] : memref<5120x128xi32, #tpu.memory_space<hbm>> -> memref<8x128xi32, #tpu.memory_space<hbm>>
    %dma_wait3A_50 = arith.constant 0 : i32
    %dma_wait3A_51 = arith.constant 0 : i32
    %dma_wait3A_52 = tpu.memref_slice %arg3[%dma_wait3A_50, %dma_wait3A_51] : memref<5120x128xi32, #tpu.memory_space<hbm>> -> memref<8x128xi32, #tpu.memory_space<hbm>>
    tpu.wait_dma2 semaphore(%arg13 : memref<!tpu.dma_semaphore, #tpu.memory_space<semaphore_mem>>) src(%dma_wait3A_52 : memref<8x128xi32, #tpu.memory_space<hbm>>) dst(%arg6 : memref<8x128xi32, #tpu.memory_space<vmem>>)
    %barrier3A_53 = arith.constant 0 : index
    tpu.barrier barrier_id(%barrier3A_53)
    %mul3A_54 = arith.constant 640 : i32
    %mul3A_55 = arith.muli %arg1, %mul3A_54 : i32
    %mul3A_56 = arith.constant 10400 : i32
    %mul3A_57 = arith.muli %arg0, %mul3A_56 : i32
    %mul3A_58 = arith.constant 640 : i32
    %mul3A_59 = arith.muli %arg1, %mul3A_58 : i32
    %add3A_60 = arith.addi %mul3A_57, %mul3A_59 : i32
    "tpu.region"() ({
      %run_scoped3A = tpu.sem_alloc : memref<!tpu.dma_semaphore, #tpu.memory_space<semaphore_mem>>
      %dma_start3A_61 = arith.constant 0 : i32
      %dma_start3A_62 = tpu.memref_slice %arg4[%add3A_60, %dma_start3A_61] : memref<20640x128xf32, #tpu.memory_space<hbm>> -> memref<640x128xf32, #tpu.memory_space<hbm>>
      %dma_start3A_63 = arith.constant 0 : i32
      %dma_start3A_64 = tpu.memref_slice %arg9[%mul3A_55, %dma_start3A_63] : memref<10240x128xf32, #tpu.memory_space<vmem_shared>> -> memref<640x128xf32, #tpu.memory_space<vmem_shared>>
      tpu.enqueue_dma source(%dma_start3A_64 : memref<640x128xf32, #tpu.memory_space<vmem_shared>>) target(%dma_start3A_62 : memref<640x128xf32, #tpu.memory_space<hbm>>) target_semaphore(%run_scoped3A : memref<!tpu.dma_semaphore, #tpu.memory_space<semaphore_mem>>)
      %dma_wait3A_65 = arith.constant 0 : i32
      %dma_wait3A_66 = tpu.memref_slice %arg4[%add3A_60, %dma_wait3A_65] : memref<20640x128xf32, #tpu.memory_space<hbm>> -> memref<640x128xf32, #tpu.memory_space<hbm>>
      %dma_wait3A_67 = arith.constant 0 : i32
      %dma_wait3A_68 = tpu.memref_slice %arg9[%mul3A_55, %dma_wait3A_67] : memref<10240x128xf32, #tpu.memory_space<vmem_shared>> -> memref<640x128xf32, #tpu.memory_space<vmem_shared>>
      tpu.wait_dma2 semaphore(%run_scoped3A : memref<!tpu.dma_semaphore, #tpu.memory_space<semaphore_mem>>) src(%dma_wait3A_68 : memref<640x128xf32, #tpu.memory_space<vmem_shared>>) dst(%dma_wait3A_66 : memref<640x128xf32, #tpu.memory_space<hbm>>)
      tpu.yield
    }) : () -> ()
    return
  }
}

module attributes {stable_mosaic.version = 14 : i64} {
  func.func @_mmraw_body(%arg0: i32, %arg1: memref<400x128xf32, #tpu.memory_space<vmem>>, %arg2: memref<128x128xf32, #tpu.memory_space<vmem>>, %arg3: memref<400x128xf32, #tpu.memory_space<vmem>>) attributes {dimension_semantics = [#tpu.dimension_semantics<arbitrary>], iteration_bounds = array<i64: 25>, scalar_prefetch = 0 : i64, scratch_operands = 0 : i64, tpu.core_type = #tpu.core_type<tc>, window_params = [{transform_indices = @transform_0, window_bounds = array<i64: 400, 128>}, {pipeline_mode = #tpu.pipeline_mode<synchronous>, transform_indices = @transform_1, window_bounds = array<i64: 128, 128>}, {transform_indices = @transform_2, window_bounds = array<i64: 400, 128>}]} {
    %get3A = arith.constant 0 : index
    %get3A_0 = arith.constant 0 : index
    %get3A_1 = vector.load %arg1[%get3A, %get3A_0] : memref<400x128xf32, #tpu.memory_space<vmem>>, vector<400x128xf32>
    %get3A_2 = arith.constant 0 : index
    %get3A_3 = arith.constant 0 : index
    %get3A_4 = vector.load %arg2[%get3A_2, %get3A_3] : memref<128x128xf32, #tpu.memory_space<vmem>>, vector<128x128xf32>
    %dot_general3A = arith.constant dense<0.000000e+00> : vector<400x128xf32>
    %dot_general3A_5 = tpu.matmul %get3A_1, %get3A_4, %dot_general3A {dimension_numbers = #tpu.dot_dimension_numbers<[1], [0], [0], [1], [0, 0, 1, 1], [], []>, transpose_lhs_hint = false} : vector<400x128xf32>, vector<128x128xf32>, vector<400x128xf32> -> vector<400x128xf32>
    %swap3A = arith.constant 0 : index
    %swap3A_6 = arith.constant 0 : index
    %swap3A_7 = vector.load %arg3[%swap3A, %swap3A_6] : memref<400x128xf32, #tpu.memory_space<vmem>>, vector<400x128xf32>
    tpu.vector_store %arg3[%swap3A, %swap3A_6], %dot_general3A_5 {strides = array<i32>} : memref<400x128xf32, #tpu.memory_space<vmem>>, vector<400x128xf32>,
    return
  }
  func.func @transform_0(%arg0: i32) -> (i32, i32) {
    %c0_i32 = arith.constant 0 : i32
    %c0_i32_0 = arith.constant 0 : i32
    return %arg0, %c0_i32 : i32, i32
  }
  func.func @transform_1(%arg0: i32) -> (i32, i32) {
    %c0_i32 = arith.constant 0 : i32
    %c0_i32_0 = arith.constant 0 : i32
    %c0_i32_1 = arith.constant 0 : i32
    return %c0_i32, %c0_i32_0 : i32, i32
  }
  func.func @transform_2(%arg0: i32) -> (i32, i32) {
    %c0_i32 = arith.constant 0 : i32
    %c0_i32_0 = arith.constant 0 : i32
    return %arg0, %c0_i32 : i32, i32
  }
}

module attributes {stable_mosaic.version = 14 : i64} {
  func.func @_scale_body(%arg0: i32, %arg1: memref<400x128xf32, #tpu.memory_space<vmem>>, %arg2: memref<400x128xf32, #tpu.memory_space<vmem>>, %arg3: memref<400x128xf32, #tpu.memory_space<vmem>>, %arg4: memref<400x128xf32, #tpu.memory_space<vmem>>) attributes {dimension_semantics = [#tpu.dimension_semantics<arbitrary>], iteration_bounds = array<i64: 25>, scalar_prefetch = 0 : i64, scratch_operands = 0 : i64, tpu.core_type = #tpu.core_type<tc>, window_params = [{transform_indices = @transform_0, window_bounds = array<i64: 400, 128>}, {transform_indices = @transform_1, window_bounds = array<i64: 400, 128>}, {transform_indices = @transform_2, window_bounds = array<i64: 400, 128>}, {transform_indices = @transform_3, window_bounds = array<i64: 400, 128>}]} {
    %get3A = arith.constant 0 : index
    %get3A_0 = arith.constant 0 : index
    %get3A_1 = vector.load %arg2[%get3A, %get3A_0] : memref<400x128xf32, #tpu.memory_space<vmem>>, vector<400x1xf32>
    %add3A = arith.constant 1.000000e+00 : f32
    %add3A_2 = vector.broadcast %add3A : f32 to vector<400x1xf32>
    %add3A_3 = arith.addf %add3A_2, %get3A_1 : vector<400x1xf32>
    %get3A_4 = arith.constant 0 : index
    %get3A_5 = arith.constant 0 : index
    %get3A_6 = vector.load %arg3[%get3A_4, %get3A_5] : memref<400x128xf32, #tpu.memory_space<vmem>>, vector<400x1xf32>
    %add3A_7 = arith.addf %add3A_3, %get3A_6 : vector<400x1xf32>
    %rsqrt3A = math.rsqrt %add3A_7 : vector<400x1xf32>
    %get3A_8 = arith.constant 0 : index
    %get3A_9 = arith.constant 0 : index
    %get3A_10 = vector.load %arg1[%get3A_8, %get3A_9] : memref<400x128xf32, #tpu.memory_space<vmem>>, vector<400x128xf32>
    %mul3A = vector.broadcast %rsqrt3A : vector<400x1xf32> to vector<400x128xf32>
    %mul3A_11 = arith.mulf %mul3A, %get3A_10 : vector<400x128xf32>
    %swap3A = arith.constant 0 : index
    %swap3A_12 = arith.constant 0 : index
    %swap3A_13 = vector.load %arg4[%swap3A, %swap3A_12] : memref<400x128xf32, #tpu.memory_space<vmem>>, vector<400x128xf32>
    tpu.vector_store %arg4[%swap3A, %swap3A_12], %mul3A_11 {strides = array<i32>} : memref<400x128xf32, #tpu.memory_space<vmem>>, vector<400x128xf32>,
    return
  }
  func.func @transform_0(%arg0: i32) -> (i32, i32) {
    %c0_i32 = arith.constant 0 : i32
    %c0_i32_0 = arith.constant 0 : i32
    return %arg0, %c0_i32 : i32, i32
  }
  func.func @transform_1(%arg0: i32) -> (i32, i32) {
    %c0_i32 = arith.constant 0 : i32
    %c0_i32_0 = arith.constant 0 : i32
    return %arg0, %c0_i32 : i32, i32
  }
  func.func @transform_2(%arg0: i32) -> (i32, i32) {
    %add3A = arith.constant 26 : i32
    %add3A_0 = arith.addi %arg0, %add3A : i32
    %c0_i32 = arith.constant 0 : i32
    %c0_i32_1 = arith.constant 0 : i32
    return %add3A_0, %c0_i32 : i32, i32
  }
  func.func @transform_3(%arg0: i32) -> (i32, i32) {
    %c0_i32 = arith.constant 0 : i32
    %c0_i32_0 = arith.constant 0 : i32
    return %arg0, %c0_i32 : i32, i32
  }
}

module attributes {stable_mosaic.version = 14 : i64} {
  func.func @_mm2_body(%arg0: i32, %arg1: memref<400x128xf32, #tpu.memory_space<vmem>>, %arg2: memref<400x128xf32, #tpu.memory_space<vmem>>, %arg3: memref<400x128xf32, #tpu.memory_space<vmem>>, %arg4: memref<400x128xf32, #tpu.memory_space<vmem>>, %arg5: memref<400x128xf32, #tpu.memory_space<vmem>>, %arg6: memref<1x128xf32, #tpu.memory_space<vmem>>, %arg7: memref<128x128xf32, #tpu.memory_space<vmem>>, %arg8: memref<400x128xf32, #tpu.memory_space<vmem>>) attributes {dimension_semantics = [#tpu.dimension_semantics<arbitrary>], iteration_bounds = array<i64: 25>, scalar_prefetch = 0 : i64, scratch_operands = 0 : i64, tpu.core_type = #tpu.core_type<tc>, window_params = [{transform_indices = @transform_0, window_bounds = array<i64: 400, 128>}, {transform_indices = @transform_1, window_bounds = array<i64: 400, 128>}, {transform_indices = @transform_2, window_bounds = array<i64: 400, 128>}, {transform_indices = @transform_3, window_bounds = array<i64: 400, 128>}, {transform_indices = @transform_4, window_bounds = array<i64: 400, 128>}, {pipeline_mode = #tpu.pipeline_mode<synchronous>, transform_indices = @transform_5, window_bounds = array<i64: 1, 128>}, {pipeline_mode = #tpu.pipeline_mode<synchronous>, transform_indices = @transform_6, window_bounds = array<i64: 128, 128>}, {transform_indices = @transform_7, window_bounds = array<i64: 400, 128>}]} {
    %get3A = arith.constant 0 : index
    %get3A_0 = arith.constant 0 : index
    %get3A_1 = vector.load %arg4[%get3A, %get3A_0] : memref<400x128xf32, #tpu.memory_space<vmem>>, vector<400x1xf32>
    %add3A = arith.constant 1.000000e+00 : f32
    %add3A_2 = vector.broadcast %add3A : f32 to vector<400x1xf32>
    %add3A_3 = arith.addf %add3A_2, %get3A_1 : vector<400x1xf32>
    %get3A_4 = arith.constant 0 : index
    %get3A_5 = arith.constant 0 : index
    %get3A_6 = vector.load %arg5[%get3A_4, %get3A_5] : memref<400x128xf32, #tpu.memory_space<vmem>>, vector<400x1xf32>
    %add3A_7 = arith.addf %add3A_3, %get3A_6 : vector<400x1xf32>
    %rsqrt3A = math.rsqrt %add3A_7 : vector<400x1xf32>
    %get3A_8 = arith.constant 0 : index
    %get3A_9 = arith.constant 0 : index
    %get3A_10 = vector.load %arg1[%get3A_8, %get3A_9] : memref<400x128xf32, #tpu.memory_space<vmem>>, vector<400x128xf32>
    %get3A_11 = arith.constant 0 : index
    %get3A_12 = arith.constant 0 : index
    %get3A_13 = vector.load %arg2[%get3A_11, %get3A_12] : memref<400x128xf32, #tpu.memory_space<vmem>>, vector<400x128xf32>
    %add3A_14 = arith.addf %get3A_10, %get3A_13 : vector<400x128xf32>
    %get3A_15 = arith.constant 0 : index
    %get3A_16 = arith.constant 0 : index
    %get3A_17 = vector.load %arg3[%get3A_15, %get3A_16] : memref<400x128xf32, #tpu.memory_space<vmem>>, vector<400x128xf32>
    %add3A_18 = arith.addf %add3A_14, %get3A_17 : vector<400x128xf32>
    %mul3A = vector.broadcast %rsqrt3A : vector<400x1xf32> to vector<400x128xf32>
    %mul3A_19 = arith.mulf %mul3A, %add3A_18 : vector<400x128xf32>
    %get3A_20 = arith.constant 0 : index
    %get3A_21 = arith.constant 0 : index
    %get3A_22 = vector.load %arg6[%get3A_20, %get3A_21] : memref<1x128xf32, #tpu.memory_space<vmem>>, vector<1x128xf32>
    %add3A_23 = vector.broadcast %get3A_22 : vector<1x128xf32> to vector<400x128xf32>
    %add3A_24 = arith.addf %mul3A_19, %add3A_23 : vector<400x128xf32>
    %get3A_25 = arith.constant 0 : index
    %get3A_26 = arith.constant 0 : index
    %get3A_27 = vector.load %arg7[%get3A_25, %get3A_26] : memref<128x128xf32, #tpu.memory_space<vmem>>, vector<128x128xf32>
    %dot_general3A = arith.constant dense<0.000000e+00> : vector<400x128xf32>
    %dot_general3A_28 = tpu.matmul %add3A_24, %get3A_27, %dot_general3A {dimension_numbers = #tpu.dot_dimension_numbers<[1], [0], [0], [1], [0, 0, 1, 1], [], []>, transpose_lhs_hint = false} : vector<400x128xf32>, vector<128x128xf32>, vector<400x128xf32> -> vector<400x128xf32>
    %mul3A_29 = vector.broadcast %rsqrt3A : vector<400x1xf32> to vector<400x128xf32>
    %mul3A_30 = arith.mulf %mul3A_29, %dot_general3A_28 : vector<400x128xf32>
    %swap3A = arith.constant 0 : index
    %swap3A_31 = arith.constant 0 : index
    %swap3A_32 = vector.load %arg8[%swap3A, %swap3A_31] : memref<400x128xf32, #tpu.memory_space<vmem>>, vector<400x128xf32>
    tpu.vector_store %arg8[%swap3A, %swap3A_31], %mul3A_30 {strides = array<i32>} : memref<400x128xf32, #tpu.memory_space<vmem>>, vector<400x128xf32>,
    return
  }
  func.func @transform_0(%arg0: i32) -> (i32, i32) {
    %c0_i32 = arith.constant 0 : i32
    %c0_i32_0 = arith.constant 0 : i32
    return %arg0, %c0_i32 : i32, i32
  }
  func.func @transform_1(%arg0: i32) -> (i32, i32) {
    %add3A = arith.constant 26 : i32
    %add3A_0 = arith.addi %arg0, %add3A : i32
    %c0_i32 = arith.constant 0 : i32
    %c0_i32_1 = arith.constant 0 : i32
    return %add3A_0, %c0_i32 : i32, i32
  }
  func.func @transform_2(%arg0: i32) -> (i32, i32) {
    %c0_i32 = arith.constant 0 : i32
    %c0_i32_0 = arith.constant 0 : i32
    return %arg0, %c0_i32 : i32, i32
  }
  func.func @transform_3(%arg0: i32) -> (i32, i32) {
    %c0_i32 = arith.constant 0 : i32
    %c0_i32_0 = arith.constant 0 : i32
    return %arg0, %c0_i32 : i32, i32
  }
  func.func @transform_4(%arg0: i32) -> (i32, i32) {
    %add3A = arith.constant 26 : i32
    %add3A_0 = arith.addi %arg0, %add3A : i32
    %c0_i32 = arith.constant 0 : i32
    %c0_i32_1 = arith.constant 0 : i32
    return %add3A_0, %c0_i32 : i32, i32
  }
  func.func @transform_5(%arg0: i32) -> (i32, i32) {
    %c0_i32 = arith.constant 0 : i32
    %c0_i32_0 = arith.constant 0 : i32
    %c0_i32_1 = arith.constant 0 : i32
    return %c0_i32, %c0_i32_0 : i32, i32
  }
  func.func @transform_6(%arg0: i32) -> (i32, i32) {
    %c0_i32 = arith.constant 0 : i32
    %c0_i32_0 = arith.constant 0 : i32
    %c0_i32_1 = arith.constant 0 : i32
    return %c0_i32, %c0_i32_0 : i32, i32
  }
  func.func @transform_7(%arg0: i32) -> (i32, i32) {
    %c0_i32 = arith.constant 0 : i32
    %c0_i32_0 = arith.constant 0 : i32
    return %arg0, %c0_i32 : i32, i32
  }
}

module attributes {stable_mosaic.version = 14 : i64} {
  func.func @_fin_body(%arg0: i32, %arg1: memref<400x128xf32, #tpu.memory_space<vmem>>, %arg2: memref<400x128xf32, #tpu.memory_space<vmem>>, %arg3: memref<400x128xf32, #tpu.memory_space<vmem>>, %arg4: memref<400x128xf32, #tpu.memory_space<vmem>>, %arg5: memref<400x128xf32, #tpu.memory_space<vmem>>, %arg6: memref<1x128xf32, #tpu.memory_space<vmem>>, %arg7: memref<400x128xf32, #tpu.memory_space<vmem>>) attributes {dimension_semantics = [#tpu.dimension_semantics<arbitrary>], iteration_bounds = array<i64: 25>, scalar_prefetch = 0 : i64, scratch_operands = 0 : i64, tpu.core_type = #tpu.core_type<tc>, window_params = [{transform_indices = @transform_0, window_bounds = array<i64: 400, 128>}, {transform_indices = @transform_1, window_bounds = array<i64: 400, 128>}, {transform_indices = @transform_2, window_bounds = array<i64: 400, 128>}, {transform_indices = @transform_3, window_bounds = array<i64: 400, 128>}, {transform_indices = @transform_4, window_bounds = array<i64: 400, 128>}, {pipeline_mode = #tpu.pipeline_mode<synchronous>, transform_indices = @transform_5, window_bounds = array<i64: 1, 128>}, {transform_indices = @transform_6, window_bounds = array<i64: 400, 128>}]} {
    %get3A = arith.constant 0 : index
    %get3A_0 = arith.constant 0 : index
    %get3A_1 = vector.load %arg4[%get3A, %get3A_0] : memref<400x128xf32, #tpu.memory_space<vmem>>, vector<400x1xf32>
    %add3A = arith.constant 1.000000e+00 : f32
    %add3A_2 = vector.broadcast %add3A : f32 to vector<400x1xf32>
    %add3A_3 = arith.addf %add3A_2, %get3A_1 : vector<400x1xf32>
    %get3A_4 = arith.constant 0 : index
    %get3A_5 = arith.constant 0 : index
    %get3A_6 = vector.load %arg5[%get3A_4, %get3A_5] : memref<400x128xf32, #tpu.memory_space<vmem>>, vector<400x1xf32>
    %add3A_7 = arith.addf %add3A_3, %get3A_6 : vector<400x1xf32>
    %rsqrt3A = math.rsqrt %add3A_7 : vector<400x1xf32>
    %get3A_8 = arith.constant 0 : index
    %get3A_9 = arith.constant 0 : index
    %get3A_10 = vector.load %arg1[%get3A_8, %get3A_9] : memref<400x128xf32, #tpu.memory_space<vmem>>, vector<400x128xf32>
    %get3A_11 = arith.constant 0 : index
    %get3A_12 = arith.constant 0 : index
    %get3A_13 = vector.load %arg2[%get3A_11, %get3A_12] : memref<400x128xf32, #tpu.memory_space<vmem>>, vector<400x128xf32>
    %add3A_14 = arith.addf %get3A_10, %get3A_13 : vector<400x128xf32>
    %get3A_15 = arith.constant 0 : index
    %get3A_16 = arith.constant 0 : index
    %get3A_17 = vector.load %arg3[%get3A_15, %get3A_16] : memref<400x128xf32, #tpu.memory_space<vmem>>, vector<400x128xf32>
    %add3A_18 = arith.addf %add3A_14, %get3A_17 : vector<400x128xf32>
    %mul3A = vector.broadcast %rsqrt3A : vector<400x1xf32> to vector<400x128xf32>
    %mul3A_19 = arith.mulf %mul3A, %add3A_18 : vector<400x128xf32>
    %get3A_20 = arith.constant 0 : index
    %get3A_21 = arith.constant 0 : index
    %get3A_22 = vector.load %arg6[%get3A_20, %get3A_21] : memref<1x128xf32, #tpu.memory_space<vmem>>, vector<1x128xf32>
    %add3A_23 = vector.broadcast %get3A_22 : vector<1x128xf32> to vector<400x128xf32>
    %add3A_24 = arith.addf %mul3A_19, %add3A_23 : vector<400x128xf32>
    %swap3A = arith.constant 0 : index
    %swap3A_25 = arith.constant 0 : index
    %swap3A_26 = vector.load %arg7[%swap3A, %swap3A_25] : memref<400x128xf32, #tpu.memory_space<vmem>>, vector<400x128xf32>
    tpu.vector_store %arg7[%swap3A, %swap3A_25], %add3A_24 {strides = array<i32>} : memref<400x128xf32, #tpu.memory_space<vmem>>, vector<400x128xf32>,
    return
  }
  func.func @transform_0(%arg0: i32) -> (i32, i32) {
    %c0_i32 = arith.constant 0 : i32
    %c0_i32_0 = arith.constant 0 : i32
    return %arg0, %c0_i32 : i32, i32
  }
  func.func @transform_1(%arg0: i32) -> (i32, i32) {
    %add3A = arith.constant 26 : i32
    %add3A_0 = arith.addi %arg0, %add3A : i32
    %c0_i32 = arith.constant 0 : i32
    %c0_i32_1 = arith.constant 0 : i32
    return %add3A_0, %c0_i32 : i32, i32
  }
  func.func @transform_2(%arg0: i32) -> (i32, i32) {
    %c0_i32 = arith.constant 0 : i32
    %c0_i32_0 = arith.constant 0 : i32
    return %arg0, %c0_i32 : i32, i32
  }
  func.func @transform_3(%arg0: i32) -> (i32, i32) {
    %c0_i32 = arith.constant 0 : i32
    %c0_i32_0 = arith.constant 0 : i32
    return %arg0, %c0_i32 : i32, i32
  }
  func.func @transform_4(%arg0: i32) -> (i32, i32) {
    %add3A = arith.constant 26 : i32
    %add3A_0 = arith.addi %arg0, %add3A : i32
    %c0_i32 = arith.constant 0 : i32
    %c0_i32_1 = arith.constant 0 : i32
    return %add3A_0, %c0_i32 : i32, i32
  }
  func.func @transform_5(%arg0: i32) -> (i32, i32) {
    %c0_i32 = arith.constant 0 : i32
    %c0_i32_0 = arith.constant 0 : i32
    %c0_i32_1 = arith.constant 0 : i32
    return %c0_i32, %c0_i32_0 : i32, i32
  }
  func.func @transform_6(%arg0: i32) -> (i32, i32) {
    %c0_i32 = arith.constant 0 : i32
    %c0_i32_0 = arith.constant 0 : i32
    return %arg0, %c0_i32 : i32, i32
  }
}

</mosaic_0001>

<sc_bundles>
// kernel: kernel.12.cloned.1.call-start
scs
__scs_entry_jumppad:
0x0: {  	(pc) =	sbr.rel $0x88, $3  }
0x1: {  	(tag) =	ssettag $0x0;
	lr =	simm.s32 $0x1  }
0x2: {  	[smem:$0x3F9B] =	sst lr;
	_ =	strace $0xD0000000  }
0x3: {  	_ = 	snop  }
0x4: {  	_ = 	snop  }
0x5: {  	_ = 	snop  }
0x6: {  	_ = 	snop  }
0x7: {  	_ = 	snop  }
__scs_overlays_trampoline_lowered:
0x8: {  	[smem:$0x3FAA] =	sst s0  }
0x9: {  	[smem:$0x3FAB] =	sst s1  }
0xa: {  	[smem:$0x3FAC] =	sst s2  }
0xb: {  	[smem:$0x3FAD] =	sst s3  }
0xc: {  	[smem:$0x3FAE] =	sst s4  }
0xd: {  	[smem:$0x3FAF] =	sst s5  }
0xe: {  	[smem:$0x3FB0] =	sst s6  }
0xf: {  	[smem:$0x3FB1] =	sst s7  }
0x10: {  	[smem:$0x3FB2] =	sst s8  }
0x11: {  	[smem:$0x3FB3] =	sst s9;
	s0 =	simm.s32 @!p0 $0x0  }
0x12: {  	s1 =	sld [smem:$0x3F99];
	s0 =	simm.s32 @p0 $0x1  }
0x13: {  	[smem:$0x3FB4] =	sst s0;
	s0 =	simm.s32 @!p1 $0x0  }
0x14: {  	s2 =	sld [smem:$0x3F98];
	s0 =	simm.s32 @p1 $0x1  }
0x15: {  	[smem:$0x3FB5] =	sst s0;
	s0 =	simm.s32 @!p2 $0x0  }
0x16: {  	s3 =	sld [smem:$0x3FDB];
	s0 =	simm.s32 @p2 $0x1  }
0x17: {  	s4 =	simm.s32 $0x1BF5;
	[smem:$0x3FB7] =	sst s0  }
0x18: {  	s0 =	sld [smem:$0x3F9A];
	_ =	swait.ge [sflag:s4], $0x0  }
0x19: {  	s7 =	sld [smem:$0x3F9B]  }
0x1a: {  	s8 =	sadd.s32 $0xFFFFE003, lr  }
0x1b: {  	s9 =	sadd.s32 $0xFFFFFEF7, lr;
	s5 =	simm.s32 $0xFFFFFFFF;
	p2 =	slt.u32 s8, $0xFFFFF086  }
0x1c: {  	p1 =	slt.u32 s9, $0xF7A;
	s5 =	simm.s32 @!p2 $0x0  }
0x1d: {  	s5 =	simm.s32 @p1 $0x1;
	p0 =	seq.s32 s7, s2  }
0x1e: {  	s7 =	smul.u32 @!p0 $0xF7A, s2;
	p2 =	seq.s32 @!p0 s5, $0x0  }
0x1f: {  	s9 =	smul.u32 $0xF7A, s1;
	s8 =	simm.s32 @!p0 $0x1BF5;
	p2 =	por !p2, p0  }
0x20: {  	[sflag:s8] =	ssyncset.s32 @!p0 $0xFFFFF086;
	s6 =	sadd.s32 @!p0 s3, s7;
	s7 =	simm.s32 @!p0 $0x108  }
0x21: {  	s3 =	sadd.s32 s3, s9;
	s6 =	sadd.s32 @!p0 $0x88, s6;
	s7 =	simm.s32 @p2 $0x1082  }
0x22: {  	[simem:s7], [sflag:s8] =	dma.local @!p0 [hbm:s6], $0xF7A  }
0x23: {  	s9 =	sor.u32 $0xD0000000, s2;
	s6 =	simm.s32 $0x108;
	_ =	swait.ge @!p0 [sflag:s8], $0x0  }
0x24: {  	s3 =	sadd.s32 $0x88, s3;
	s6 =	simm.s32 @!p1 $0x1082;
	[sflag:s4] =	ssyncset.s32 $0xFFFFF086  }
0x25: {  	[simem:s6], [sflag:s4] =	dma.local [hbm:s3], $0xF7A  }
0x26: {  	[smem:$0x3F9B] =	sst s1;
	(tag) =	ssettag s2;
	_ =	strace s9  }
0x27: {  	s1 =	sld [smem:$0x3FAB]  }
0x28: {  	s2 =	sld [smem:$0x3FAC]  }
0x29: {  	s4 =	sld [smem:$0x3FAE]  }
0x2a: {  	p0 =	seq.s32 s5, $0x0;
	s5 =	sld [smem:$0x3FAF]  }
0x2b: {  	s6 =	sld [smem:$0x3FB0]  }
0x2c: {  	s7 =	sld [smem:$0x3FB1]  }
0x2d: {  	s3 =	simm.s32 $0x108;
	s8 =	sld [smem:$0x3FB2]  }
0x2e: {  	s3 =	simm.s32 @!p0 $0x1082;
	s9 =	sld [smem:$0x3FB3]  }
0x2f: {  	lr =	sadd.s32 s0, s3;
	s0 =	sld [smem:$0x3FAA]  }
0x30: {  	s3 =	sld [smem:$0x3FAD]  }
0x31: {  	[smem:$0x3FB6] =	sst s10  }
0x32: {  	s10 =	sld [smem:$0x3FB4];
	_ =	sdelay $0x3  }
0x33: {  	p0 =	seq.s32 s10, $0x1;
	s10 =	sld [smem:$0x3FB6];
	_ =	sdelay $0x3  }
0x34: {  	[smem:$0x3FB6] =	sst s10  }
0x35: {  	s10 =	sld [smem:$0x3FB5];
	_ =	sdelay $0x3  }
0x36: {  	p1 =	seq.s32 s10, $0x1;
	s10 =	sld [smem:$0x3FB6];
	_ =	sdelay $0x3  }
0x37: {  	[smem:$0x3FB6] =	sst s10  }
0x38: {  	s10 =	sld [smem:$0x3FB7]  }
0x39: {  	_ = 	snop;
	(pc) =	sbr.ind lr, $3  }
0x3a: {  	_ = 	snop  }
0x3b: {  	_ = 	snop  }
0x3c: {  	p2 =	seq.s32 s10, $0x1;
	s10 =	sld [smem:$0x3FB6]  }
0x3d: {  	_ =	shalt  }
0x3e: {  	_ =	shalt  }
0x3f: {  	_ =	shalt  }
0x40: {  	_ =	shalt  }
0x41: {  	_ =	shalt  }
0x42: {  	_ =	shalt  }
0x43: {  	_ =	shalt  }
0x44: {  	_ =	shalt  }
0x45: {  	_ =	shalt  }
0x46: {  	_ =	shalt  }
0x47: {  	_ =	shalt  }
0x48: {  	_ =	shalt  }
0x49: {  	_ =	shalt  }
0x4a: {  	_ =	shalt  }
0x4b: {  	_ =	shalt  }
0x4c: {  	_ =	shalt  }
0x4d: {  	_ =	shalt  }
0x4e: {  	_ =	shalt  }
0x4f: {  	_ =	shalt  }
0x50: {  	_ =	shalt  }
0x51: {  	_ =	shalt  }
0x52: {  	_ =	shalt  }
0x53: {  	_ =	shalt  }
0x54: {  	_ =	shalt  }
0x55: {  	_ =	shalt  }
0x56: {  	_ =	shalt  }
0x57: {  	_ =	shalt  }
0x58: {  	_ =	shalt  }
0x59: {  	_ =	shalt  }
0x5a: {  	_ =	shalt  }
0x5b: {  	_ =	shalt  }
0x5c: {  	_ =	shalt  }
0x5d: {  	_ =	shalt  }
0x5e: {  	_ =	shalt  }
0x5f: {  	_ =	shalt  }
0x60: {  	_ =	shalt  }
0x61: {  	_ =	shalt  }
0x62: {  	_ =	shalt  }
0x63: {  	_ =	shalt  }
0x64: {  	_ =	shalt  }
0x65: {  	_ =	shalt  }
0x66: {  	_ =	shalt  }
0x67: {  	_ =	shalt  }
0x68: {  	_ =	shalt  }
0x69: {  	_ =	shalt  }
0x6a: {  	_ =	shalt  }
0x6b: {  	_ =	shalt  }
0x6c: {  	_ =	shalt  }
0x6d: {  	_ =	shalt  }
0x6e: {  	_ =	shalt  }
0x6f: {  	_ =	shalt  }
0x70: {  	_ =	shalt  }
0x71: {  	_ =	shalt  }
0x72: {  	_ =	shalt  }
0x73: {  	_ =	shalt  }
0x74: {  	_ =	shalt  }
0x75: {  	_ =	shalt  }
0x76: {  	_ =	shalt  }
0x77: {  	_ =	shalt  }
0x78: {  	_ =	shalt  }
0x79: {  	_ =	shalt  }
0x7a: {  	_ =	shalt  }
0x7b: {  	_ =	shalt  }
0x7c: {  	_ =	shalt  }
0x7d: {  	_ =	shalt  }
0x7e: {  	_ =	shalt  }
0x7f: {  	_ =	shalt  }
0x80: {  	_ =	shalt  }
0x81: {  	_ =	shalt  }
0x82: {  	_ =	shalt  }
0x83: {  	_ =	shalt  }
0x84: {  	_ =	shalt  }
0x85: {  	_ =	shalt  }
0x86: {  	_ =	shalt  }
0x87: {  	_ =	shalt  }
.Lfunc_end0:
.L_simem_size_0:
called_computation.1_lowered:
.L_overlay_start_0:
0x88: {  	s2 =	sld [smem:$0x3FD9]  }
0x89: {  	s3 =	sld [smem:$0x3FFE];
	_ =	sdelay $0x1  }
0x8a: {  	s1 =	srdreg.scid  }
0x8b: {  	s0 =	sand.u32 $0x1, s1  }
0x8c: {  	s17 =	sshll.u32 s0, $0xA;
	s2 =	sadd.s32 s3, s2  }
0x8d: {  	s2 =	sadd.s32 s2, s17  }
0x8e: {  	[smem:$0x3FC2] =	sst s2  }
0x8f: {  	_ = 	snop  }
0x90: {  	s2 =	sld [smem:$0x3FD0];
	(tm) =	ssettm $0x1  }
0x91: {  	s18 =	sld [smem:$0x3FFB];
	_ =	sdelay $0x3  }
0x92: {  	_ =	strace s18  }
0x93: {  	s3 =	sld [smem:$0x3FFC];
	_ =	sdelay $0x3  }
0x94: {  	_ =	strace s3  }
0x95: {  	s3 =	sld [smem:$0x3FFD];
	_ =	sdelay $0x3  }
0x96: {  	_ =	strace s3  }
0x97: {  	_ =	strace $0x8FFFFFFF  }
0x98: {  	s19 =	sld [smem:$0x3FDB];
	_ =	sdelay $0x1  }
0x99: {  	s4 =	simm.s32 $_scs_section_size  }
0x9a: {  	s5 =	simm.s32 $_size__tile_overlayer_lowered;
	s6 =	simm.s32 $_tile_overlayer_lowered  }
0x9b: {  	s22 =	simm.s32 $0x1BFF;
	s21 =	sshll.u32 s6, $0x1;
	s3 =	sadd.s32 s4, s19  }
0x9c: {  	s7 =	simm.s32 $0x0;
	s20 =	sshll.u32 s5, $0x1;
	s5 =	sadd.s32 s21, s3  }
0x9d: {  	[timem:s7], [sflag:s22] =	dma.local [hbm:s5], s20  }
0x9e: {  	_ =	swait.ge [sflag:s22], s20  }
0x9f: {  	s4 =	ssub.s32 $0x0, s20;
	[sflag:s22] =	ssyncset.done $0x0  }
0xa0: {  	[sflag:s22] =	ssyncadd.s32 s4;
	_ =	sdelay $0x1  }
0xa1: {  	s23 =	simm.s32 $0x1B8B  }
0xa2: {  	_ =	swait.ge [sflag:s23], $0x1  }
0xa3: {  	[sflag:s23] =	ssyncset.done $0x0  }
0xa4: {  	s25 =	simm.s32 $0x1B8E;
	s24 =	sld [smem:$0x3FFE];
	[sflag:s23] =	ssyncadd.s32 $0xFFFFFFFF  }
0xa5: {  	s26 =	simm.s32 $execute0_lowered;
	[smem:$0x3FD2] =	sst s25  }
0xa6: {  	s5 =	sshll.u32 s26, $0x1;
	_ =	strace $0x80000049;
	[dreg:$0x1] =	wrdreg $0xFFFFFFFF  }
0xa7: {  	s28 =	simm.s32 $_size_execute0_lowered;
	s3 =	sadd.s32 s3, s5;
	[dreg:$0x0] =	wrdreg $0x0  }
0xa8: {  	s5 =	sshll.u32 s28, $0x1;
	[dreg:$0x2] =	wrdreg s3  }
0xa9: {  	[dreg:$0x3] =	wrdreg s5  }
0xaa: {  	[dreg:$0x4] =	wrdreg $0xC0  }
0xab: {  	_ =	task [dreg:s7], $0x5FFFF  }
0xac: {  	[dreg:$0x1] =	wrdreg $0xFFFFFFFF  }
0xad: {  	[dreg:$0x0] =	wrdreg $0x60  }
0xae: {  	[dreg:$0x2] =	wrdreg s2  }
0xaf: {  	[dreg:$0x3] =	wrdreg s24  }
0xb0: {  	[dreg:$0x4] =	wrdreg $0x88000  }
0xb1: {  	[dreg:$0x5] =	wrdreg $0x9  }
0xb2: {  	_ =	task.clear_ibuf [dreg:s7], $0x6FFFF;
	_ =	strace $0x90000049  }
0xb3: {  	s29 =	simm.s32 $0x9;
	_ =	strace $0x8000004B  }
0xb4: {  	_ =	swait.ge [sflag:s29], $0x1  }
0xb5: {  	[sflag:s29] =	ssyncadd.s32 $0xFFFFFFFF  }
0xb6: {  	_ =	strace $0x9000004B  }
0xb7: {  	_ =	sfence  }
0xb8: {  	s30 =	sld [smem:$0x0];
	_ =	sdelay $0x2  }
0xb9: {  	s31 =	sshll.u32 s1, $0xD;
	s1 =	sshrl.u32 s1, $0x2  }
0xba: {  	s3 =	sand.u32 $0x4000, s31;
	s1 =	sadd.s32 s1, s30  }
0xbb: {  	s0 =	sor.u32 s3, s0;
	s1 =	sshll.u32 s1, $0x11  }
0xbc: {  	s0 =	sor.u32 s1, s0  }
0xbd: {  	s0 =	sadd.s32 $0x8F2B, s0  }
0xbe: {  	[sflag:s0] =	ssyncadd.remote.s32 $0x1  }
0xbf: {  	_ =	sfence.sel $0xFFFF  }
0xc0: {  	[dreg:$0x0] =	wrdreg $0xFFFFFFFF;
	(pc) =	sbr.abs _section_cstart, $3  }
0xc1: {  	[dreg:$0x1] =	wrdreg $0xFFFFFFFF  }
0xc2: {  	_ =	task.clear_ibuf [dreg:s7], $0x2FFFF;
	_ =	strace $0x9FFFFFFF  }
0xc3: {  	(tm) =	ssettm $0x7FFFFFFF  }
tec
execute0_lowered:
.L_overlay_start_1:
0x0: {  	(tag) =	ssettag $0x1  }
0x1: {  	s1 =	rddreg [dreg:$0x0]  }
0x2: {  	s0 =	rddreg [dreg:$0x1]  }
0x3: {  	s2 =	rddreg [dreg:$0x2];
	s4 =	simm.s32 $0x0;
	s3 =	srdreg.scid  }
0x4: {  	s9 =	stileid.u32;
	s15 =	simm.s32 $0x4800;
	s23 =	simm.s32 $0x200  }
0x5: {  	s24 =	simm.s32 $0x100;
	s25 =	simm.s32 $0x280;
	s26 =	simm.s32 $0x180  }
0x6: {  	s28 =	simm.s32 $0x500;
	s29 =	simm.s32 $0x680;
	s30 =	simm.s32 $0x580  }
0x7: {  	s31 =	simm.s32 $0x700;
	[smem:$0x7FF] =	sst s4;
	s3 =	sand.u32 $0x1, s3  }
0x8: {  	s7 =	smul.u32 $0x2800, s9;
	_ =	strace $0x8000004A;
	[dreg:$0x6] =	wrdreg s23  }
0x9: {  	s5 =	sadd.s32 $0x53200, s0;
	s6 =	smul.u32 $0x28A00, s3;
	[dreg:$0x7] =	wrdreg s24  }
0xa: {  	s8 =	sshll.u32 s3, $0x4;
	s3 =	ssub.s32 $0x2, s3;
	[dreg:$0x8] =	wrdreg s25  }
0xb: {  	[dreg:$0x9] =	wrdreg s26;
	s23 =	simm.s32 $0x4;
	s24 =	simm.s32 $0x380  }
0xc: {  	s25 =	simm.s32 $0x480;
	s8 =	sor.u32 s9, s8;
	s9 =	smul.u32 $0x50000, s9  }
0xd: {  	s26 =	simm.s32 $0x600;
	s17 =	sshrl.u32 s3, $0x1;
	s16 =	smul.u32 $0x14, s8  }
0xe: {  	s6 =	sadd.s32 s7, s6;
	s8 =	smul.u32 $0xA00, s8;
	s3 =	ssub.s32 s3, s17  }
0xf: {  	s17 =	simm.s32 $0x400;
	s0 =	sadd.s32 s6, s0;
	s9 =	sshrl.u32 s9, $0x2  }
0x10: {  	s20 =	smax.u32 s3, $0x1;
	s3 =	simm.s32 $0x780;
	s10 =	sor.u32 $0x3, s16  }
0x11: {  	s6 =	sadd.s32 s5, s8;
	s18 =	sor.u32 $0x2, s16;
	[dreg:$0xc] =	wrdreg s20  }
0x12: {  	s7 =	sadd.s32 s9, s2;
	s0 =	sadd.s32 $0x67200, s0;
	[dreg:$0x4] =	wrdreg s10  }
0x13: {  	s16 =	simm.s32 $0x5;
	s20 =	simm.s32 $0x1;
	[dreg:$0x5] =	wrdreg s18  }
0x14: {  	s8 =	simm.s32 $0x0;
	s19 =	sadd.s32 $0x80, s6;
	[dreg:$0xb] =	wrdreg s0  }
0x15: {  	s21 =	sadd.s32 $0x4000, s7;
	s22 =	sadd.s32 $0x8000, s7;
	[dreg:$0xa] =	wrdreg s19  }
0x16: {  	s13 =	sadd.s32 $0xC000, s7;
	s14 =	sadd.s32 $0x10000, s7;
	[dreg:$0xd] =	wrdreg s21  }
0x17: {  	s18 =	simm.s32 $0x80;
	s0 =	simm.s32 $0x3;
	[dreg:$0xe] =	wrdreg s22  }
0x18: {  	v0 =	vimm.f32 $0.0e+00;
	s19 =	simm.s32 $0x800;
	s21 =	simm.s32 $0x2;
	s22 =	simm.s32 $0x300  }
.LBB2_1:
0x19: {  	s9 =	sand.u32 $0xFE00, s4  }
0x1a: {  	s10 =	sand.u32 $0x70, s4;
	s11 =	sshrl.u32 s9, $0x2  }
0x1b: {  	s9 =	simm.s32 $0x40;
	s11 =	sor.u32 s10, s11;
	s10 =	simm.s32 $0x0  }
.LBB2_2:
0x1c: {  	p0 =	sne.s32 s9, $0xFFC0  }
0x1d: {  	[tilespmem:s11+$0x4800] =	vst v0;
	s10 =	sadd.s32 $0x10, s10;
	s11 =	smov.u32 s9;
	s9 =	sadd.s32 $0x40, s9  }
.Ltmp0:
0x1e: {  	(pc) =	sbr.rel @p0 .LBB2_2-.Ltmp0, $4  }
0x1f: {  	_ = 	snop  }
0x20: {  	s11 =	sand.u32 $0xFE00, s11  }
0x21: {  	s12 =	sand.u32 $0x70, s10;
	s11 =	sshrl.u32 s11, $0x2  }
0x22: {  	s11 =	sor.u32 s12, s11  }
0x23: {  	[tilespmem:s11+$0x4800] =	vst v0  }
0x24: {  	[spmem:s7] =	stream.linear.scatter [tilespmem:s15], [sflag:$0x5], $0x4000, $0x38;
	[tilespmem:$0x1C800] =	vst v63  }
0x25: {  	_ =	swait.ge [sflag:s16], $0x4000  }
0x26: {  	[sflag:s16] =	ssyncset.done $0x0  }
0x27: {  	s9 =	rddreg [dreg:$0xd];
	[sflag:s16] =	ssyncadd.s32 $0xFFFFC000  }
0x28: {  	[spmem:s9] =	stream.linear.scatter [tilespmem:s15], [sflag:$0x5], $0x4000, $0x38;
	[tilespmem:$0x1C800] =	vst v63  }
0x29: {  	_ =	swait.ge [sflag:s16], $0x4000  }
0x2a: {  	[sflag:s16] =	ssyncset.done $0x0  }
0x2b: {  	s11 =	rddreg [dreg:$0xe];
	[sflag:s16] =	ssyncadd.s32 $0xFFFFC000  }
0x2c: {  	[spmem:s11] =	stream.linear.scatter [tilespmem:s15], [sflag:$0x5], $0x4000, $0x38;
	[tilespmem:$0x1C800] =	vst v63  }
0x2d: {  	_ =	swait.ge [sflag:s16], $0x4000  }
0x2e: {  	[sflag:s16] =	ssyncset.done $0x0  }
0x2f: {  	[sflag:s16] =	ssyncadd.s32 $0xFFFFC000  }
0x30: {  	[spmem:s13] =	stream.linear.scatter [tilespmem:s15], [sflag:$0x5], $0x4000, $0x38;
	[tilespmem:$0x1C800] =	vst v63  }
0x31: {  	_ =	swait.ge [sflag:s16], $0x4000  }
0x32: {  	[sflag:s16] =	ssyncset.done $0x0  }
0x33: {  	[sflag:s16] =	ssyncadd.s32 $0xFFFFC000  }
0x34: {  	[spmem:s14] =	stream.linear.scatter [tilespmem:s15], [sflag:$0x5], $0x4000, $0x38;
	[tilespmem:$0x1C800] =	vst v63  }
0x35: {  	_ =	swait.ge [sflag:s16], $0x4000  }
0x36: {  	[sflag:s16] =	ssyncset.done $0x0  }
0x37: {  	s9 =	simm.s32 $0x0;
	[sflag:s16] =	ssyncadd.s32 $0xFFFFC000  }
0x38: {  	[tilespmem:s9], [sflag:$0x5] =	stream.linear.gather [hbm4b:s6+s9], $0x400, $0x38;
	[tilespmem:$0x1C800] =	vst v63  }
0x39: {  	_ =	swait.ge [sflag:s16], $0x400  }
0x3a: {  	[sflag:s16] =	ssyncset.done $0x0  }
0x3b: {  	s10 =	rddreg [dreg:$0xa];
	[sflag:s16] =	ssyncadd.s32 $0xFFFFFC00  }
0x3c: {  	[tilespmem:s17], [sflag:$0x4] =	stream.linear.gather [hbm4b:s10+s9], $0x400, $0x38;
	[tilespmem:$0x1C800] =	vst v63  }
0x3d: {  	[bflag:$0x0] =	sbarrier.arrive $0xFFFF  }
0x3e: {  	[tilespmem:s19], [sflag:$0x1] =	stream.indirect.gather [hbm4b:s1+s18], $0x80, s9, s18, $0xb8;
	[tilespmem:$0x1C800] =	vst v63  }
0x3f: {  	_ = 	snop  }
0x40: {  	[tilespmem:s15], [sflag:$0x2] =	stream.indirect.gather [hbm4b:s1+s18], $0x80, s18, s18, $0xb8;
	[tilespmem:$0x1C800] =	vst v63  }
0x41: {  	s10 =	rddreg [dreg:$0x4];
	_ =	swait.ge [sflag:s20], $0x4000  }
0x42: {  	[sflag:s20] =	ssyncset.done $0x0  }
0x43: {  	s12 =	rddreg [dreg:$0x6];
	[sflag:s20] =	ssyncadd.s32 $0xFFFFC000  }
0x44: {  	[spmem:s2] =	stream.indirect.scatter.add.f32 [tilespmem:s19], [sflag:$0x5], $0x80, s12, s18, $0xb8;
	[tilespmem:$0x1C800] =	vst v63  }
0x45: {  	_ =	swait.ge [sflag:s16], $0x4000  }
0x46: {  	[sflag:s16] =	ssyncset.done $0x0  }
0x47: {  	s12 =	rddreg [dreg:$0x7];
	[sflag:s16] =	ssyncadd.s32 $0xFFFFC000  }
0x48: {  	[tilespmem:s19], [sflag:$0x1] =	stream.indirect.gather [hbm4b:s1+s18], $0x80, s12, s18, $0xb8;
	[tilespmem:$0x1C800] =	vst v63  }
0x49: {  	_ =	swait.ge [sflag:s21], $0x4000  }
0x4a: {  	[sflag:s21] =	ssyncset.done $0x0  }
0x4b: {  	s12 =	rddreg [dreg:$0x8];
	[sflag:s21] =	ssyncadd.s32 $0xFFFFC000  }
0x4c: {  	[spmem:s2] =	stream.indirect.scatter.add.f32 [tilespmem:s15], [sflag:$0x5], $0x80, s12, s18, $0xb8;
	[tilespmem:$0x1C800] =	vst v63  }
0x4d: {  	_ =	swait.ge [sflag:s16], $0x4000  }
0x4e: {  	[sflag:s16] =	ssyncset.done $0x0  }
0x4f: {  	s12 =	rddreg [dreg:$0x9];
	[sflag:s16] =	ssyncadd.s32 $0xFFFFC000  }
0x50: {  	[tilespmem:s15], [sflag:$0x2] =	stream.indirect.gather [hbm4b:s1+s18], $0x80, s12, s18, $0xb8;
	[tilespmem:$0x1C800] =	vst v63  }
0x51: {  	_ =	swait.ge [sflag:s20], $0x4000  }
0x52: {  	[sflag:s20] =	ssyncset.done $0x0  }
0x53: {  	[sflag:s20] =	ssyncadd.s32 $0xFFFFC000  }
0x54: {  	[spmem:s2] =	stream.indirect.scatter.add.f32 [tilespmem:s19], [sflag:$0x5], $0x80, s22, s18, $0xb8;
	[tilespmem:$0x1C800] =	vst v63  }
0x55: {  	_ =	swait.ge [sflag:s16], $0x4000  }
0x56: {  	[sflag:s16] =	ssyncset.done $0x0  }
0x57: {  	[sflag:s16] =	ssyncadd.s32 $0xFFFFC000  }
0x58: {  	_ =	swait.ge [sflag:s23], $0x400  }
0x59: {  	[sflag:s23] =	ssyncset.done $0x0  }
0x5a: {  	[sflag:s23] =	ssyncadd.s32 $0xFFFFFC00  }
0x5b: {  	[tilespmem:s19], [sflag:$0x1] =	stream.indirect.gather [hbm4b:s1+s18], $0x80, s17, s18, $0xb8;
	[tilespmem:$0x1C800] =	vst v63  }
0x5c: {  	_ =	swait.ge [sflag:s21], $0x4000  }
0x5d: {  	[sflag:s21] =	ssyncset.done $0x0  }
0x5e: {  	[sflag:s21] =	ssyncadd.s32 $0xFFFFC000  }
0x5f: {  	[spmem:s2] =	stream.indirect.scatter.add.f32 [tilespmem:s15], [sflag:$0x5], $0x80, s24, s18, $0xb8;
	[tilespmem:$0x1C800] =	vst v63  }
0x60: {  	_ =	swait.ge [sflag:s16], $0x4000  }
0x61: {  	s12 =	smin.u32 s9, $0x11;
	s11 =	rddreg [dreg:$0x5]  }
0x62: {  	s11 =	sadd.s32 s12, s11  }
0x63: {  	[sflag:s16] =	ssyncset.done $0x0;
	s11 =	sshll.u32 s11, $0x7  }
0x64: {  	[sflag:s16] =	ssyncadd.s32 $0xFFFFC000;
	s11 =	sadd.s32 s5, s11  }
0x65: {  	[tilespmem:s4], [sflag:$0x3] =	stream.linear.gather [hbm4b:s11+s4], $0x400, $0x38;
	[tilespmem:$0x1C800] =	vst v63  }
0x66: {  	_ = 	snop  }
0x67: {  	[tilespmem:s15], [sflag:$0x2] =	stream.indirect.gather [hbm4b:s1+s18], $0x80, s25, s18, $0xb8;
	[tilespmem:$0x1C800] =	vst v63  }
0x68: {  	_ =	swait.ge [sflag:s20], $0x4000  }
0x69: {  	[sflag:s20] =	ssyncset.done $0x0  }
0x6a: {  	[sflag:s20] =	ssyncadd.s32 $0xFFFFC000  }
0x6b: {  	[spmem:s2] =	stream.indirect.scatter.add.f32 [tilespmem:s19], [sflag:$0x5], $0x80, s26, s18, $0xb8;
	[tilespmem:$0x1C800] =	vst v63  }
0x6c: {  	_ =	swait.ge [sflag:s16], $0x4000  }
0x6d: {  	[sflag:s16] =	ssyncset.done $0x0  }
0x6e: {  	[sflag:s16] =	ssyncadd.s32 $0xFFFFC000  }
0x6f: {  	[tilespmem:s19], [sflag:$0x1] =	stream.indirect.gather [hbm4b:s1+s18], $0x80, s28, s18, $0xb8;
	[tilespmem:$0x1C800] =	vst v63  }
0x70: {  	_ =	swait.ge [sflag:s21], $0x4000  }
0x71: {  	[sflag:s21] =	ssyncset.done $0x0  }
0x72: {  	[sflag:s21] =	ssyncadd.s32 $0xFFFFC000  }
0x73: {  	[spmem:s2] =	stream.indirect.scatter.add.f32 [tilespmem:s15], [sflag:$0x5], $0x80, s29, s18, $0xb8;
	[tilespmem:$0x1C800] =	vst v63  }
0x74: {  	_ =	swait.ge [sflag:s16], $0x4000  }
0x75: {  	[sflag:s16] =	ssyncset.done $0x0  }
0x76: {  	[sflag:s16] =	ssyncadd.s32 $0xFFFFC000  }
0x77: {  	[tilespmem:s15], [sflag:$0x2] =	stream.indirect.gather [hbm4b:s1+s18], $0x80, s30, s18, $0xb8;
	[tilespmem:$0x1C800] =	vst v63  }
0x78: {  	_ =	swait.ge [sflag:s20], $0x4000  }
0x79: {  	[sflag:s20] =	ssyncset.done $0x0  }
0x7a: {  	[sflag:s20] =	ssyncadd.s32 $0xFFFFC000  }
0x7b: {  	[spmem:s2] =	stream.indirect.scatter.add.f32 [tilespmem:s19], [sflag:$0x5], $0x80, s31, s18, $0xb8;
	[tilespmem:$0x1C800] =	vst v63  }
0x7c: {  	_ =	swait.ge [sflag:s16], $0x4000  }
0x7d: {  	[sflag:s16] =	ssyncset.done $0x0  }
0x7e: {  	[sflag:s16] =	ssyncadd.s32 $0xFFFFC000  }
0x7f: {  	_ =	swait.ge [sflag:s0], $0x400  }
0x80: {  	[sflag:s0] =	ssyncset.done $0x0  }
0x81: {  	[sflag:s0] =	ssyncadd.s32 $0xFFFFFC00  }
0x82: {  	[tilespmem:s19], [sflag:$0x1] =	stream.indirect.gather [hbm4b:s1+s18], $0x80, s4, s18, $0xb8;
	[tilespmem:$0x1C800] =	vst v63  }
0x83: {  	_ =	swait.ge [sflag:s21], $0x4000  }
0x84: {  	[sflag:s21] =	ssyncset.done $0x0  }
0x85: {  	s9 =	smin.u32 s9, $0x10;
	[sflag:s21] =	ssyncadd.s32 $0xFFFFC000  }
0x86: {  	[spmem:s2] =	stream.indirect.scatter.add.f32 [tilespmem:s15], [sflag:$0x5], $0x80, s3, s18, $0xb8;
	[tilespmem:$0x1C800] =	vst v63  }
0x87: {  	s9 =	sadd.s32 s9, s10;
	_ =	swait.ge [sflag:s16], $0x4000  }
0x88: {  	s10 =	sshll.u32 s9, $0x7;
	[sflag:s16] =	ssyncset.done $0x0  }
0x89: {  	s9 =	simm.s32 $0x2;
	s10 =	sadd.s32 s5, s10;
	[sflag:s16] =	ssyncadd.s32 $0xFFFFC000  }
.LBB2_4:
0x8a: {  	[tilespmem:s17], [sflag:$0x4] =	stream.linear.gather [hbm4b:s10+s4], $0x400, $0x38;
	[tilespmem:$0x1C800] =	vst v63  }
0x8b: {  	_ = 	snop  }
0x8c: {  	[tilespmem:s15], [sflag:$0x2] =	stream.indirect.gather [hbm4b:s1+s18], $0x80, s18, s18, $0xb8;
	[tilespmem:$0x1C800] =	vst v63  }
0x8d: {  	s11 =	smov.u32 s9;
	s10 =	rddreg [dreg:$0x4];
	_ =	swait.ge [sflag:s20], $0x4000  }
0x8e: {  	s12 =	smin.u32 s11, $0x10;
	[sflag:s20] =	ssyncset.done $0x0  }
0x8f: {  	s10 =	sadd.s32 s12, s10;
	s12 =	rddreg [dreg:$0x6];
	[sflag:s20] =	ssyncadd.s32 $0xFFFFC000  }
0x90: {  	[spmem:s2] =	stream.indirect.scatter.add.f32 [tilespmem:s19], [sflag:$0x5], $0x80, s12, s18, $0xb8;
	[tilespmem:$0x1C800] =	vst v63  }
0x91: {  	_ =	swait.ge [sflag:s16], $0x4000  }
0x92: {  	[sflag:s16] =	ssyncset.done $0x0  }
0x93: {  	s12 =	rddreg [dreg:$0x7];
	[sflag:s16] =	ssyncadd.s32 $0xFFFFC000  }
0x94: {  	[tilespmem:s19], [sflag:$0x1] =	stream.indirect.gather [hbm4b:s1+s18], $0x80, s12, s18, $0xb8;
	[tilespmem:$0x1C800] =	vst v63  }
0x95: {  	_ =	swait.ge [sflag:s21], $0x4000  }
0x96: {  	[sflag:s21] =	ssyncset.done $0x0  }
0x97: {  	s12 =	rddreg [dreg:$0x8];
	[sflag:s21] =	ssyncadd.s32 $0xFFFFC000  }
0x98: {  	[spmem:s2] =	stream.indirect.scatter.add.f32 [tilespmem:s15], [sflag:$0x5], $0x80, s12, s18, $0xb8;
	[tilespmem:$0x1C800] =	vst v63  }
0x99: {  	_ =	swait.ge [sflag:s16], $0x4000  }
0x9a: {  	[sflag:s16] =	ssyncset.done $0x0  }
0x9b: {  	s12 =	rddreg [dreg:$0x9];
	[sflag:s16] =	ssyncadd.s32 $0xFFFFC000  }
0x9c: {  	[tilespmem:s15], [sflag:$0x2] =	stream.indirect.gather [hbm4b:s1+s18], $0x80, s12, s18, $0xb8;
	[tilespmem:$0x1C800] =	vst v63  }
0x9d: {  	_ =	swait.ge [sflag:s20], $0x4000  }
0x9e: {  	[sflag:s20] =	ssyncset.done $0x0  }
0x9f: {  	[sflag:s20] =	ssyncadd.s32 $0xFFFFC000  }
0xa0: {  	[spmem:s2] =	stream.indirect.scatter.add.f32 [tilespmem:s19], [sflag:$0x5], $0x80, s22, s18, $0xb8;
	[tilespmem:$0x1C800] =	vst v63  }
0xa1: {  	_ =	swait.ge [sflag:s16], $0x4000  }
0xa2: {  	[sflag:s16] =	ssyncset.done $0x0  }
0xa3: {  	[sflag:s16] =	ssyncadd.s32 $0xFFFFC000  }
0xa4: {  	_ =	swait.ge [sflag:s23], $0x400  }
0xa5: {  	[sflag:s23] =	ssyncset.done $0x0  }
0xa6: {  	[sflag:s23] =	ssyncadd.s32 $0xFFFFFC00  }
0xa7: {  	[tilespmem:s19], [sflag:$0x1] =	stream.indirect.gather [hbm4b:s1+s18], $0x80, s17, s18, $0xb8;
	[tilespmem:$0x1C800] =	vst v63  }
0xa8: {  	_ =	swait.ge [sflag:s21], $0x4000  }
0xa9: {  	[sflag:s21] =	ssyncset.done $0x0  }
0xaa: {  	[sflag:s21] =	ssyncadd.s32 $0xFFFFC000  }
0xab: {  	[spmem:s2] =	stream.indirect.scatter.add.f32 [tilespmem:s15], [sflag:$0x5], $0x80, s24, s18, $0xb8;
	[tilespmem:$0x1C800] =	vst v63  }
0xac: {  	_ =	swait.ge [sflag:s16], $0x4000  }
0xad: {  	s11 =	smin.u32 s11, $0x11;
	s12 =	rddreg [dreg:$0x5]  }
0xae: {  	s11 =	sadd.s32 s11, s12  }
0xaf: {  	[sflag:s16] =	ssyncset.done $0x0;
	s11 =	sshll.u32 s11, $0x7  }
0xb0: {  	[sflag:s16] =	ssyncadd.s32 $0xFFFFC000;
	s11 =	sadd.s32 s5, s11  }
0xb1: {  	[tilespmem:s4], [sflag:$0x3] =	stream.linear.gather [hbm4b:s11+s4], $0x400, $0x38;
	[tilespmem:$0x1C800] =	vst v63  }
0xb2: {  	_ = 	snop  }
0xb3: {  	[tilespmem:s15], [sflag:$0x2] =	stream.indirect.gather [hbm4b:s1+s18], $0x80, s25, s18, $0xb8;
	[tilespmem:$0x1C800] =	vst v63  }
0xb4: {  	_ =	swait.ge [sflag:s20], $0x4000  }
0xb5: {  	[sflag:s20] =	ssyncset.done $0x0  }
0xb6: {  	[sflag:s20] =	ssyncadd.s32 $0xFFFFC000  }
0xb7: {  	[spmem:s2] =	stream.indirect.scatter.add.f32 [tilespmem:s19], [sflag:$0x5], $0x80, s26, s18, $0xb8;
	[tilespmem:$0x1C800] =	vst v63  }
0xb8: {  	_ =	swait.ge [sflag:s16], $0x4000  }
0xb9: {  	[sflag:s16] =	ssyncset.done $0x0  }
0xba: {  	[sflag:s16] =	ssyncadd.s32 $0xFFFFC000  }
0xbb: {  	[tilespmem:s19], [sflag:$0x1] =	stream.indirect.gather [hbm4b:s1+s18], $0x80, s28, s18, $0xb8;
	[tilespmem:$0x1C800] =	vst v63  }
0xbc: {  	_ =	swait.ge [sflag:s21], $0x4000  }
0xbd: {  	[sflag:s21] =	ssyncset.done $0x0  }
0xbe: {  	[sflag:s21] =	ssyncadd.s32 $0xFFFFC000  }
0xbf: {  	[spmem:s2] =	stream.indirect.scatter.add.f32 [tilespmem:s15], [sflag:$0x5], $0x80, s29, s18, $0xb8;
	[tilespmem:$0x1C800] =	vst v63  }
0xc0: {  	_ =	swait.ge [sflag:s16], $0x4000  }
0xc1: {  	[sflag:s16] =	ssyncset.done $0x0  }
0xc2: {  	[sflag:s16] =	ssyncadd.s32 $0xFFFFC000  }
0xc3: {  	[tilespmem:s15], [sflag:$0x2] =	stream.indirect.gather [hbm4b:s1+s18], $0x80, s30, s18, $0xb8;
	[tilespmem:$0x1C800] =	vst v63  }
0xc4: {  	_ =	swait.ge [sflag:s20], $0x4000  }
0xc5: {  	[sflag:s20] =	ssyncset.done $0x0  }
0xc6: {  	[sflag:s20] =	ssyncadd.s32 $0xFFFFC000  }
0xc7: {  	[spmem:s2] =	stream.indirect.scatter.add.f32 [tilespmem:s19], [sflag:$0x5], $0x80, s31, s18, $0xb8;
	[tilespmem:$0x1C800] =	vst v63  }
0xc8: {  	_ =	swait.ge [sflag:s16], $0x4000  }
0xc9: {  	[sflag:s16] =	ssyncset.done $0x0  }
0xca: {  	[sflag:s16] =	ssyncadd.s32 $0xFFFFC000  }
0xcb: {  	_ =	swait.ge [sflag:s0], $0x400  }
0xcc: {  	[sflag:s0] =	ssyncset.done $0x0  }
0xcd: {  	[sflag:s0] =	ssyncadd.s32 $0xFFFFFC00  }
0xce: {  	[tilespmem:s19], [sflag:$0x1] =	stream.indirect.gather [hbm4b:s1+s18], $0x80, s4, s18, $0xb8;
	[tilespmem:$0x1C800] =	vst v63  }
0xcf: {  	_ =	swait.ge [sflag:s21], $0x4000  }
0xd0: {  	p0 =	sne.s32 s9, $0x12;
	[sflag:s21] =	ssyncset.done $0x0  }
.Ltmp1:
0xd1: {  	[sflag:s21] =	ssyncadd.s32 $0xFFFFC000;
	(pc) =	sbr.rel @p0 .LBB2_4-.Ltmp1, $4  }
0xd2: {  	[spmem:s2] =	stream.indirect.scatter.add.f32 [tilespmem:s15], [sflag:$0x5], $0x80, s3, s18, $0xb8;
	[tilespmem:$0x1C800] =	vst v63  }
0xd3: {  	_ =	swait.ge [sflag:s16], $0x4000  }
0xd4: {  	s10 =	sshll.u32 s10, $0x7;
	[sflag:s16] =	ssyncset.done $0x0  }
0xd5: {  	s9 =	sadd.s32 $0x2, s9;
	s10 =	sadd.s32 s5, s10;
	[sflag:s16] =	ssyncadd.s32 $0xFFFFC000  }
0xd6: {  	[tilespmem:s17], [sflag:$0x4] =	stream.linear.gather [hbm4b:s10+s4], $0x400, $0x38;
	[tilespmem:$0x1C800] =	vst v63  }
0xd7: {  	_ =	swait.ge [sflag:s20], $0x4000  }
0xd8: {  	[sflag:s20] =	ssyncset.done $0x0  }
0xd9: {  	[sflag:s20] =	ssyncadd.s32 $0xFFFFC000  }
0xda: {  	_ =	swait.ge [sflag:s23], $0x400  }
0xdb: {  	[sflag:s23] =	ssyncset.done $0x0  }
0xdc: {  	s9 =	stileid.u32;
	[sflag:s23] =	ssyncadd.s32 $0xFFFFFC00  }
0xdd: {  	s9 =	sshll.u32 s9, $0x6;
	[bflag:$0x0] =	sbarrier.arrive $0xFFFF  }
0xde: {  	s12 =	sshrl.u32 s7, $0x3;
	s9 =	sor.u32 $0x1C05, s9;
	s11 =	rddreg [dreg:$0xb]  }
0xdf: {  	[hbm:s11], [sflag:s9] =	dma.local [spmem:s12], $0x2800  }
0xe0: {  	_ =	swait.ge [sflag:s16], $0x2800  }
0xe1: {  	s8 =	sadd.s32 $0x1, s8;
	s12 =	rddreg [dreg:$0xc]  }
0xe2: {  	p0 =	sne.s32 s8, s12  }
.Ltmp2:
0xe3: {  	_ = 	snop;
	(pc) =	sbr.rel @p0 .LBB2_1-.Ltmp2, $3  }
0xe4: {  	_ =	sdelay $0x1  }
0xe5: {  	[sflag:s16] =	ssyncset.done $0x0  }
0xe6: {  	[sflag:s16] =	ssyncadd.s32 $0xFFFFD800  }
0xe7: {  	_ =	sfence.sel $0x180000  }
0xe8: {  	[bflag:$0x0] =	sbarrier.arrive $0xFFFF  }
0xe9: {  	_ =	strace $0x9000004A  }
0xea: {  	s0 =	stileid.u32;
	[bflag:$0x2] =	sbarrier.arrive $0xFFFF  }
0xeb: {  	p0 =	sne.s32 s0, $0x0;
	s0 =	rddreg [dreg:$0x3]  }
0xec: {  	s0 =	sadd.s32 @!p0 $0x100000, s0  }
0xed: {  	[sflag:s0] =	ssyncadd.tile.s32 @!p0 $0x1;
	_ =	shalt  }
.Lfunc_end2:
_tile_overlayer_lowered:
.L_overlay_start_2:
0xee: {  	(tag) =	ssettag $0x2  }
0xef: {  	s0 =	rddreg [dreg:$0x0];
	s2 =	stileid.u32  }
0xf0: {  	s1 =	rddreg [dreg:$0x1];
	p0 =	sne.s32 s2, $0x0  }
0xf1: {  	s3 =	rddreg [dreg:$0x2];
	[bflag:$0x3] =	sbarrier.arrive $0xFFFF;
	s2 =	simm.s32 @!p0 $0x1C05  }
0xf2: {  	[timem:s3], [sflag:s2] =	dma.local @!p0 [hbm:s0], s1  }
0xf3: {  	s0 =	simm.s32 @!p0 $0x5  }
0xf4: {  	_ =	swait.ge @!p0 [sflag:s0], s1  }
0xf5: {  	s1 =	ssub.s32 @!p0 $0x0, s1;
	[sflag:s0] =	ssyncset.done @!p0 $0x0  }
0xf6: {  	[sflag:s0] =	ssyncadd.s32 @!p0 s1  }
0xf7: {  	[bflag:$0x3] =	sbarrier.arrive $0xFFFF  }
0xf8: {  	_ =	shalt  }

// kernel: kernel.15.cloned.1.call-start
scs
__scs_entry_jumppad:
0x0: {  	(pc) =	sbr.rel $0x88, $3  }
0x1: {  	(tag) =	ssettag $0x0;
	lr =	simm.s32 $0x1  }
0x2: {  	[smem:$0x3F9B] =	sst lr;
	_ =	strace $0xD0000000  }
0x3: {  	_ = 	snop  }
0x4: {  	_ = 	snop  }
0x5: {  	_ = 	snop  }
0x6: {  	_ = 	snop  }
0x7: {  	_ = 	snop  }
__scs_overlays_trampoline_lowered:
0x8: {  	[smem:$0x3FAA] =	sst s0  }
0x9: {  	[smem:$0x3FAB] =	sst s1  }
0xa: {  	[smem:$0x3FAC] =	sst s2  }
0xb: {  	[smem:$0x3FAD] =	sst s3  }
0xc: {  	[smem:$0x3FAE] =	sst s4  }
0xd: {  	[smem:$0x3FAF] =	sst s5  }
0xe: {  	[smem:$0x3FB0] =	sst s6  }
0xf: {  	[smem:$0x3FB1] =	sst s7  }
0x10: {  	[smem:$0x3FB2] =	sst s8  }
0x11: {  	[smem:$0x3FB3] =	sst s9;
	s0 =	simm.s32 @!p0 $0x0  }
0x12: {  	s1 =	sld [smem:$0x3F99];
	s0 =	simm.s32 @p0 $0x1  }
0x13: {  	[smem:$0x3FB4] =	sst s0;
	s0 =	simm.s32 @!p1 $0x0  }
0x14: {  	s2 =	sld [smem:$0x3F98];
	s0 =	simm.s32 @p1 $0x1  }
0x15: {  	[smem:$0x3FB5] =	sst s0;
	s0 =	simm.s32 @!p2 $0x0  }
0x16: {  	s3 =	sld [smem:$0x3FDB];
	s0 =	simm.s32 @p2 $0x1  }
0x17: {  	s4 =	simm.s32 $0x1BF5;
	[smem:$0x3FB7] =	sst s0  }
0x18: {  	s0 =	sld [smem:$0x3F9A];
	_ =	swait.ge [sflag:s4], $0x0  }
0x19: {  	s7 =	sld [smem:$0x3F9B]  }
0x1a: {  	s8 =	sadd.s32 $0xFFFFE003, lr  }
0x1b: {  	s9 =	sadd.s32 $0xFFFFFEF7, lr;
	s5 =	simm.s32 $0xFFFFFFFF;
	p2 =	slt.u32 s8, $0xFFFFF086  }
0x1c: {  	p1 =	slt.u32 s9, $0xF7A;
	s5 =	simm.s32 @!p2 $0x0  }
0x1d: {  	s5 =	simm.s32 @p1 $0x1;
	p0 =	seq.s32 s7, s2  }
0x1e: {  	s7 =	smul.u32 @!p0 $0xF7A, s2;
	p2 =	seq.s32 @!p0 s5, $0x0  }
0x1f: {  	s9 =	smul.u32 $0xF7A, s1;
	s8 =	simm.s32 @!p0 $0x1BF5;
	p2 =	por !p2, p0  }
0x20: {  	[sflag:s8] =	ssyncset.s32 @!p0 $0xFFFFF086;
	s6 =	sadd.s32 @!p0 s3, s7;
	s7 =	simm.s32 @!p0 $0x108  }
0x21: {  	s3 =	sadd.s32 s3, s9;
	s6 =	sadd.s32 @!p0 $0x88, s6;
	s7 =	simm.s32 @p2 $0x1082  }
0x22: {  	[simem:s7], [sflag:s8] =	dma.local @!p0 [hbm:s6], $0xF7A  }
0x23: {  	s9 =	sor.u32 $0xD0000000, s2;
	s6 =	simm.s32 $0x108;
	_ =	swait.ge @!p0 [sflag:s8], $0x0  }
0x24: {  	s3 =	sadd.s32 $0x88, s3;
	s6 =	simm.s32 @!p1 $0x1082;
	[sflag:s4] =	ssyncset.s32 $0xFFFFF086  }
0x25: {  	[simem:s6], [sflag:s4] =	dma.local [hbm:s3], $0xF7A  }
0x26: {  	[smem:$0x3F9B] =	sst s1;
	(tag) =	ssettag s2;
	_ =	strace s9  }
0x27: {  	s1 =	sld [smem:$0x3FAB]  }
0x28: {  	s2 =	sld [smem:$0x3FAC]  }
0x29: {  	s4 =	sld [smem:$0x3FAE]  }
0x2a: {  	p0 =	seq.s32 s5, $0x0;
	s5 =	sld [smem:$0x3FAF]  }
0x2b: {  	s6 =	sld [smem:$0x3FB0]  }
0x2c: {  	s7 =	sld [smem:$0x3FB1]  }
0x2d: {  	s3 =	simm.s32 $0x108;
	s8 =	sld [smem:$0x3FB2]  }
0x2e: {  	s3 =	simm.s32 @!p0 $0x1082;
	s9 =	sld [smem:$0x3FB3]  }
0x2f: {  	lr =	sadd.s32 s0, s3;
	s0 =	sld [smem:$0x3FAA]  }
0x30: {  	s3 =	sld [smem:$0x3FAD]  }
0x31: {  	[smem:$0x3FB6] =	sst s10  }
0x32: {  	s10 =	sld [smem:$0x3FB4];
	_ =	sdelay $0x3  }
0x33: {  	p0 =	seq.s32 s10, $0x1;
	s10 =	sld [smem:$0x3FB6];
	_ =	sdelay $0x3  }
0x34: {  	[smem:$0x3FB6] =	sst s10  }
0x35: {  	s10 =	sld [smem:$0x3FB5];
	_ =	sdelay $0x3  }
0x36: {  	p1 =	seq.s32 s10, $0x1;
	s10 =	sld [smem:$0x3FB6];
	_ =	sdelay $0x3  }
0x37: {  	[smem:$0x3FB6] =	sst s10  }
0x38: {  	s10 =	sld [smem:$0x3FB7]  }
0x39: {  	_ = 	snop;
	(pc) =	sbr.ind lr, $3  }
0x3a: {  	_ = 	snop  }
0x3b: {  	_ = 	snop  }
0x3c: {  	p2 =	seq.s32 s10, $0x1;
	s10 =	sld [smem:$0x3FB6]  }
0x3d: {  	_ =	shalt  }
0x3e: {  	_ =	shalt  }
0x3f: {  	_ =	shalt  }
0x40: {  	_ =	shalt  }
0x41: {  	_ =	shalt  }
0x42: {  	_ =	shalt  }
0x43: {  	_ =	shalt  }
0x44: {  	_ =	shalt  }
0x45: {  	_ =	shalt  }
0x46: {  	_ =	shalt  }
0x47: {  	_ =	shalt  }
0x48: {  	_ =	shalt  }
0x49: {  	_ =	shalt  }
0x4a: {  	_ =	shalt  }
0x4b: {  	_ =	shalt  }
0x4c: {  	_ =	shalt  }
0x4d: {  	_ =	shalt  }
0x4e: {  	_ =	shalt  }
0x4f: {  	_ =	shalt  }
0x50: {  	_ =	shalt  }
0x51: {  	_ =	shalt  }
0x52: {  	_ =	shalt  }
0x53: {  	_ =	shalt  }
0x54: {  	_ =	shalt  }
0x55: {  	_ =	shalt  }
0x56: {  	_ =	shalt  }
0x57: {  	_ =	shalt  }
0x58: {  	_ =	shalt  }
0x59: {  	_ =	shalt  }
0x5a: {  	_ =	shalt  }
0x5b: {  	_ =	shalt  }
0x5c: {  	_ =	shalt  }
0x5d: {  	_ =	shalt  }
0x5e: {  	_ =	shalt  }
0x5f: {  	_ =	shalt  }
0x60: {  	_ =	shalt  }
0x61: {  	_ =	shalt  }
0x62: {  	_ =	shalt  }
0x63: {  	_ =	shalt  }
0x64: {  	_ =	shalt  }
0x65: {  	_ =	shalt  }
0x66: {  	_ =	shalt  }
0x67: {  	_ =	shalt  }
0x68: {  	_ =	shalt  }
0x69: {  	_ =	shalt  }
0x6a: {  	_ =	shalt  }
0x6b: {  	_ =	shalt  }
0x6c: {  	_ =	shalt  }
0x6d: {  	_ =	shalt  }
0x6e: {  	_ =	shalt  }
0x6f: {  	_ =	shalt  }
0x70: {  	_ =	shalt  }
0x71: {  	_ =	shalt  }
0x72: {  	_ =	shalt  }
0x73: {  	_ =	shalt  }
0x74: {  	_ =	shalt  }
0x75: {  	_ =	shalt  }
0x76: {  	_ =	shalt  }
0x77: {  	_ =	shalt  }
0x78: {  	_ =	shalt  }
0x79: {  	_ =	shalt  }
0x7a: {  	_ =	shalt  }
0x7b: {  	_ =	shalt  }
0x7c: {  	_ =	shalt  }
0x7d: {  	_ =	shalt  }
0x7e: {  	_ =	shalt  }
0x7f: {  	_ =	shalt  }
0x80: {  	_ =	shalt  }
0x81: {  	_ =	shalt  }
0x82: {  	_ =	shalt  }
0x83: {  	_ =	shalt  }
0x84: {  	_ =	shalt  }
0x85: {  	_ =	shalt  }
0x86: {  	_ =	shalt  }
0x87: {  	_ =	shalt  }
.Lfunc_end0:
.L_simem_size_0:
called_computation.2_lowered:
.L_overlay_start_0:
0x88: {  	s2 =	sld [smem:$0x3FD9]  }
0x89: {  	s3 =	sld [smem:$0x3FFE];
	_ =	sdelay $0x1  }
0x8a: {  	s1 =	srdreg.scid  }
0x8b: {  	s0 =	sand.u32 $0x1, s1  }
0x8c: {  	s17 =	sshll.u32 s0, $0xA;
	s2 =	sadd.s32 s3, s2  }
0x8d: {  	s2 =	sadd.s32 s2, s17  }
0x8e: {  	[smem:$0x3FC2] =	sst s2  }
0x8f: {  	_ = 	snop  }
0x90: {  	s2 =	sld [smem:$0x3FD0];
	(tm) =	ssettm $0x1  }
0x91: {  	s18 =	sld [smem:$0x3FFB];
	_ =	sdelay $0x3  }
0x92: {  	_ =	strace s18  }
0x93: {  	s3 =	sld [smem:$0x3FFC];
	_ =	sdelay $0x3  }
0x94: {  	_ =	strace s3  }
0x95: {  	s3 =	sld [smem:$0x3FFD];
	_ =	sdelay $0x3  }
0x96: {  	_ =	strace s3  }
0x97: {  	_ =	strace $0x8FFFFFFF  }
0x98: {  	s19 =	sld [smem:$0x3FDB];
	_ =	sdelay $0x1  }
0x99: {  	s4 =	simm.s32 $_scs_section_size  }
0x9a: {  	s5 =	simm.s32 $_size__tile_overlayer_lowered;
	s6 =	simm.s32 $_tile_overlayer_lowered  }
0x9b: {  	s22 =	simm.s32 $0x1BFF;
	s21 =	sshll.u32 s6, $0x1;
	s3 =	sadd.s32 s4, s19  }
0x9c: {  	s7 =	simm.s32 $0x0;
	s20 =	sshll.u32 s5, $0x1;
	s5 =	sadd.s32 s21, s3  }
0x9d: {  	[timem:s7], [sflag:s22] =	dma.local [hbm:s5], s20  }
0x9e: {  	_ =	swait.ge [sflag:s22], s20  }
0x9f: {  	s4 =	ssub.s32 $0x0, s20;
	[sflag:s22] =	ssyncset.done $0x0  }
0xa0: {  	[sflag:s22] =	ssyncadd.s32 s4;
	_ =	sdelay $0x1  }
0xa1: {  	s23 =	simm.s32 $0x1B8B  }
0xa2: {  	_ =	swait.ge [sflag:s23], $0x1  }
0xa3: {  	[sflag:s23] =	ssyncset.done $0x0  }
0xa4: {  	s25 =	simm.s32 $0x1B8E;
	s24 =	sld [smem:$0x3FFE];
	[sflag:s23] =	ssyncadd.s32 $0xFFFFFFFF  }
0xa5: {  	s26 =	simm.s32 $execute0_lowered;
	[smem:$0x3FD2] =	sst s25  }
0xa6: {  	s5 =	sshll.u32 s26, $0x1;
	_ =	strace $0x8000004C;
	[dreg:$0x1] =	wrdreg $0xFFFFFFFF  }
0xa7: {  	s28 =	simm.s32 $_size_execute0_lowered;
	s3 =	sadd.s32 s3, s5;
	[dreg:$0x0] =	wrdreg $0x0  }
0xa8: {  	s5 =	sshll.u32 s28, $0x1;
	[dreg:$0x2] =	wrdreg s3  }
0xa9: {  	[dreg:$0x3] =	wrdreg s5  }
0xaa: {  	[dreg:$0x4] =	wrdreg $0xC0  }
0xab: {  	_ =	task [dreg:s7], $0x5FFFF  }
0xac: {  	[dreg:$0x1] =	wrdreg $0xFFFFFFFF  }
0xad: {  	[dreg:$0x0] =	wrdreg $0x60  }
0xae: {  	[dreg:$0x2] =	wrdreg s2  }
0xaf: {  	[dreg:$0x3] =	wrdreg s24  }
0xb0: {  	[dreg:$0x4] =	wrdreg $0x88000  }
0xb1: {  	[dreg:$0x5] =	wrdreg $0x9  }
0xb2: {  	_ =	task.clear_ibuf [dreg:s7], $0x6FFFF;
	_ =	strace $0x9000004C  }
0xb3: {  	s29 =	simm.s32 $0x9;
	_ =	strace $0x8000004E  }
0xb4: {  	_ =	swait.ge [sflag:s29], $0x1  }
0xb5: {  	[sflag:s29] =	ssyncadd.s32 $0xFFFFFFFF  }
0xb6: {  	_ =	strace $0x9000004E  }
0xb7: {  	_ =	sfence  }
0xb8: {  	s30 =	sld [smem:$0x0];
	_ =	sdelay $0x2  }
0xb9: {  	s31 =	sshll.u32 s1, $0xD;
	s1 =	sshrl.u32 s1, $0x2  }
0xba: {  	s3 =	sand.u32 $0x4000, s31;
	s1 =	sadd.s32 s1, s30  }
0xbb: {  	s0 =	sor.u32 s3, s0;
	s1 =	sshll.u32 s1, $0x11  }
0xbc: {  	s0 =	sor.u32 s1, s0  }
0xbd: {  	s0 =	sadd.s32 $0x8F2B, s0  }
0xbe: {  	[sflag:s0] =	ssyncadd.remote.s32 $0x1  }
0xbf: {  	_ =	sfence.sel $0xFFFF  }
0xc0: {  	[dreg:$0x0] =	wrdreg $0xFFFFFFFF;
	(pc) =	sbr.abs _section_cstart, $3  }
0xc1: {  	[dreg:$0x1] =	wrdreg $0xFFFFFFFF  }
0xc2: {  	_ =	task.clear_ibuf [dreg:s7], $0x2FFFF;
	_ =	strace $0x9FFFFFFF  }
0xc3: {  	(tm) =	ssettm $0x7FFFFFFF  }
tec
execute0_lowered:
.L_overlay_start_1:
0x0: {  	(tag) =	ssettag $0x1  }
0x1: {  	s1 =	rddreg [dreg:$0x0]  }
0x2: {  	s0 =	rddreg [dreg:$0x1]  }
0x3: {  	s2 =	rddreg [dreg:$0x2];
	s4 =	simm.s32 $0x0;
	s3 =	srdreg.scid  }
0x4: {  	s9 =	stileid.u32;
	s15 =	simm.s32 $0x4800;
	s23 =	simm.s32 $0x200  }
0x5: {  	s24 =	simm.s32 $0x100;
	s25 =	simm.s32 $0x280;
	s26 =	simm.s32 $0x180  }
0x6: {  	s28 =	simm.s32 $0x500;
	s29 =	simm.s32 $0x680;
	s30 =	simm.s32 $0x580  }
0x7: {  	s31 =	simm.s32 $0x700;
	[smem:$0x7FF] =	sst s4;
	s3 =	sand.u32 $0x1, s3  }
0x8: {  	s7 =	smul.u32 $0x2800, s9;
	_ =	strace $0x8000004D;
	[dreg:$0x6] =	wrdreg s23  }
0x9: {  	s5 =	sadd.s32 $0x53200, s0;
	s6 =	smul.u32 $0x28A00, s3;
	[dreg:$0x7] =	wrdreg s24  }
0xa: {  	s8 =	sshll.u32 s3, $0x4;
	s3 =	ssub.s32 $0x2, s3;
	[dreg:$0x8] =	wrdreg s25  }
0xb: {  	[dreg:$0x9] =	wrdreg s26;
	s23 =	simm.s32 $0x4;
	s24 =	simm.s32 $0x380  }
0xc: {  	s25 =	simm.s32 $0x480;
	s8 =	sor.u32 s9, s8;
	s9 =	smul.u32 $0x50000, s9  }
0xd: {  	s26 =	simm.s32 $0x600;
	s17 =	sshrl.u32 s3, $0x1;
	s16 =	smul.u32 $0x14, s8  }
0xe: {  	s6 =	sadd.s32 s7, s6;
	s8 =	smul.u32 $0xA00, s8;
	s3 =	ssub.s32 s3, s17  }
0xf: {  	s17 =	simm.s32 $0x400;
	s0 =	sadd.s32 s6, s0;
	s9 =	sshrl.u32 s9, $0x2  }
0x10: {  	s20 =	smax.u32 s3, $0x1;
	s3 =	simm.s32 $0x780;
	s10 =	sor.u32 $0x3, s16  }
0x11: {  	s6 =	sadd.s32 s5, s8;
	s18 =	sor.u32 $0x2, s16;
	[dreg:$0xc] =	wrdreg s20  }
0x12: {  	s7 =	sadd.s32 s9, s2;
	s0 =	sadd.s32 $0x67200, s0;
	[dreg:$0x4] =	wrdreg s10  }
0x13: {  	s16 =	simm.s32 $0x5;
	s20 =	simm.s32 $0x1;
	[dreg:$0x5] =	wrdreg s18  }
0x14: {  	s8 =	simm.s32 $0x0;
	s19 =	sadd.s32 $0x80, s6;
	[dreg:$0xb] =	wrdreg s0  }
0x15: {  	s21 =	sadd.s32 $0x4000, s7;
	s22 =	sadd.s32 $0x8000, s7;
	[dreg:$0xa] =	wrdreg s19  }
0x16: {  	s13 =	sadd.s32 $0xC000, s7;
	s14 =	sadd.s32 $0x10000, s7;
	[dreg:$0xd] =	wrdreg s21  }
0x17: {  	s18 =	simm.s32 $0x80;
	s0 =	simm.s32 $0x3;
	[dreg:$0xe] =	wrdreg s22  }
0x18: {  	v0 =	vimm.f32 $0.0e+00;
	s19 =	simm.s32 $0x800;
	s21 =	simm.s32 $0x2;
	s22 =	simm.s32 $0x300  }
.LBB2_1:
0x19: {  	s9 =	sand.u32 $0xFE00, s4  }
0x1a: {  	s10 =	sand.u32 $0x70, s4;
	s11 =	sshrl.u32 s9, $0x2  }
0x1b: {  	s9 =	simm.s32 $0x40;
	s11 =	sor.u32 s10, s11;
	s10 =	simm.s32 $0x0  }
.LBB2_2:
0x1c: {  	p0 =	sne.s32 s9, $0xFFC0  }
0x1d: {  	[tilespmem:s11+$0x4800] =	vst v0;
	s10 =	sadd.s32 $0x10, s10;
	s11 =	smov.u32 s9;
	s9 =	sadd.s32 $0x40, s9  }
.Ltmp0:
0x1e: {  	(pc) =	sbr.rel @p0 .LBB2_2-.Ltmp0, $4  }
0x1f: {  	_ = 	snop  }
0x20: {  	s11 =	sand.u32 $0xFE00, s11  }
0x21: {  	s12 =	sand.u32 $0x70, s10;
	s11 =	sshrl.u32 s11, $0x2  }
0x22: {  	s11 =	sor.u32 s12, s11  }
0x23: {  	[tilespmem:s11+$0x4800] =	vst v0  }
0x24: {  	[spmem:s7] =	stream.linear.scatter [tilespmem:s15], [sflag:$0x5], $0x4000, $0x38;
	[tilespmem:$0x1C800] =	vst v63  }
0x25: {  	_ =	swait.ge [sflag:s16], $0x4000  }
0x26: {  	[sflag:s16] =	ssyncset.done $0x0  }
0x27: {  	s9 =	rddreg [dreg:$0xd];
	[sflag:s16] =	ssyncadd.s32 $0xFFFFC000  }
0x28: {  	[spmem:s9] =	stream.linear.scatter [tilespmem:s15], [sflag:$0x5], $0x4000, $0x38;
	[tilespmem:$0x1C800] =	vst v63  }
0x29: {  	_ =	swait.ge [sflag:s16], $0x4000  }
0x2a: {  	[sflag:s16] =	ssyncset.done $0x0  }
0x2b: {  	s11 =	rddreg [dreg:$0xe];
	[sflag:s16] =	ssyncadd.s32 $0xFFFFC000  }
0x2c: {  	[spmem:s11] =	stream.linear.scatter [tilespmem:s15], [sflag:$0x5], $0x4000, $0x38;
	[tilespmem:$0x1C800] =	vst v63  }
0x2d: {  	_ =	swait.ge [sflag:s16], $0x4000  }
0x2e: {  	[sflag:s16] =	ssyncset.done $0x0  }
0x2f: {  	[sflag:s16] =	ssyncadd.s32 $0xFFFFC000  }
0x30: {  	[spmem:s13] =	stream.linear.scatter [tilespmem:s15], [sflag:$0x5], $0x4000, $0x38;
	[tilespmem:$0x1C800] =	vst v63  }
0x31: {  	_ =	swait.ge [sflag:s16], $0x4000  }
0x32: {  	[sflag:s16] =	ssyncset.done $0x0  }
0x33: {  	[sflag:s16] =	ssyncadd.s32 $0xFFFFC000  }
0x34: {  	[spmem:s14] =	stream.linear.scatter [tilespmem:s15], [sflag:$0x5], $0x4000, $0x38;
	[tilespmem:$0x1C800] =	vst v63  }
0x35: {  	_ =	swait.ge [sflag:s16], $0x4000  }
0x36: {  	[sflag:s16] =	ssyncset.done $0x0  }
0x37: {  	s9 =	simm.s32 $0x0;
	[sflag:s16] =	ssyncadd.s32 $0xFFFFC000  }
0x38: {  	[tilespmem:s9], [sflag:$0x5] =	stream.linear.gather [hbm4b:s6+s9], $0x400, $0x38;
	[tilespmem:$0x1C800] =	vst v63  }
0x39: {  	_ =	swait.ge [sflag:s16], $0x400  }
0x3a: {  	[sflag:s16] =	ssyncset.done $0x0  }
0x3b: {  	s10 =	rddreg [dreg:$0xa];
	[sflag:s16] =	ssyncadd.s32 $0xFFFFFC00  }
0x3c: {  	[tilespmem:s17], [sflag:$0x4] =	stream.linear.gather [hbm4b:s10+s9], $0x400, $0x38;
	[tilespmem:$0x1C800] =	vst v63  }
0x3d: {  	[bflag:$0x0] =	sbarrier.arrive $0xFFFF  }
0x3e: {  	[tilespmem:s19], [sflag:$0x1] =	stream.indirect.gather [hbm4b:s1+s18], $0x80, s9, s18, $0xb8;
	[tilespmem:$0x1C800] =	vst v63  }
0x3f: {  	_ = 	snop  }
0x40: {  	[tilespmem:s15], [sflag:$0x2] =	stream.indirect.gather [hbm4b:s1+s18], $0x80, s18, s18, $0xb8;
	[tilespmem:$0x1C800] =	vst v63  }
0x41: {  	s10 =	rddreg [dreg:$0x4];
	_ =	swait.ge [sflag:s20], $0x4000  }
0x42: {  	[sflag:s20] =	ssyncset.done $0x0  }
0x43: {  	s12 =	rddreg [dreg:$0x6];
	[sflag:s20] =	ssyncadd.s32 $0xFFFFC000  }
0x44: {  	[spmem:s2] =	stream.indirect.scatter.add.f32 [tilespmem:s19], [sflag:$0x5], $0x80, s12, s18, $0xb8;
	[tilespmem:$0x1C800] =	vst v63  }
0x45: {  	_ =	swait.ge [sflag:s16], $0x4000  }
0x46: {  	[sflag:s16] =	ssyncset.done $0x0  }
0x47: {  	s12 =	rddreg [dreg:$0x7];
	[sflag:s16] =	ssyncadd.s32 $0xFFFFC000  }
0x48: {  	[tilespmem:s19], [sflag:$0x1] =	stream.indirect.gather [hbm4b:s1+s18], $0x80, s12, s18, $0xb8;
	[tilespmem:$0x1C800] =	vst v63  }
0x49: {  	_ =	swait.ge [sflag:s21], $0x4000  }
0x4a: {  	[sflag:s21] =	ssyncset.done $0x0  }
0x4b: {  	s12 =	rddreg [dreg:$0x8];
	[sflag:s21] =	ssyncadd.s32 $0xFFFFC000  }
0x4c: {  	[spmem:s2] =	stream.indirect.scatter.add.f32 [tilespmem:s15], [sflag:$0x5], $0x80, s12, s18, $0xb8;
	[tilespmem:$0x1C800] =	vst v63  }
0x4d: {  	_ =	swait.ge [sflag:s16], $0x4000  }
0x4e: {  	[sflag:s16] =	ssyncset.done $0x0  }
0x4f: {  	s12 =	rddreg [dreg:$0x9];
	[sflag:s16] =	ssyncadd.s32 $0xFFFFC000  }
0x50: {  	[tilespmem:s15], [sflag:$0x2] =	stream.indirect.gather [hbm4b:s1+s18], $0x80, s12, s18, $0xb8;
	[tilespmem:$0x1C800] =	vst v63  }
0x51: {  	_ =	swait.ge [sflag:s20], $0x4000  }
0x52: {  	[sflag:s20] =	ssyncset.done $0x0  }
0x53: {  	[sflag:s20] =	ssyncadd.s32 $0xFFFFC000  }
0x54: {  	[spmem:s2] =	stream.indirect.scatter.add.f32 [tilespmem:s19], [sflag:$0x5], $0x80, s22, s18, $0xb8;
	[tilespmem:$0x1C800] =	vst v63  }
0x55: {  	_ =	swait.ge [sflag:s16], $0x4000  }
0x56: {  	[sflag:s16] =	ssyncset.done $0x0  }
0x57: {  	[sflag:s16] =	ssyncadd.s32 $0xFFFFC000  }
0x58: {  	_ =	swait.ge [sflag:s23], $0x400  }
0x59: {  	[sflag:s23] =	ssyncset.done $0x0  }
0x5a: {  	[sflag:s23] =	ssyncadd.s32 $0xFFFFFC00  }
0x5b: {  	[tilespmem:s19], [sflag:$0x1] =	stream.indirect.gather [hbm4b:s1+s18], $0x80, s17, s18, $0xb8;
	[tilespmem:$0x1C800] =	vst v63  }
0x5c: {  	_ =	swait.ge [sflag:s21], $0x4000  }
0x5d: {  	[sflag:s21] =	ssyncset.done $0x0  }
0x5e: {  	[sflag:s21] =	ssyncadd.s32 $0xFFFFC000  }
0x5f: {  	[spmem:s2] =	stream.indirect.scatter.add.f32 [tilespmem:s15], [sflag:$0x5], $0x80, s24, s18, $0xb8;
	[tilespmem:$0x1C800] =	vst v63  }
0x60: {  	_ =	swait.ge [sflag:s16], $0x4000  }
0x61: {  	s12 =	smin.u32 s9, $0x11;
	s11 =	rddreg [dreg:$0x5]  }
0x62: {  	s11 =	sadd.s32 s12, s11  }
0x63: {  	[sflag:s16] =	ssyncset.done $0x0;
	s11 =	sshll.u32 s11, $0x7  }
0x64: {  	[sflag:s16] =	ssyncadd.s32 $0xFFFFC000;
	s11 =	sadd.s32 s5, s11  }
0x65: {  	[tilespmem:s4], [sflag:$0x3] =	stream.linear.gather [hbm4b:s11+s4], $0x400, $0x38;
	[tilespmem:$0x1C800] =	vst v63  }
0x66: {  	_ = 	snop  }
0x67: {  	[tilespmem:s15], [sflag:$0x2] =	stream.indirect.gather [hbm4b:s1+s18], $0x80, s25, s18, $0xb8;
	[tilespmem:$0x1C800] =	vst v63  }
0x68: {  	_ =	swait.ge [sflag:s20], $0x4000  }
0x69: {  	[sflag:s20] =	ssyncset.done $0x0  }
0x6a: {  	[sflag:s20] =	ssyncadd.s32 $0xFFFFC000  }
0x6b: {  	[spmem:s2] =	stream.indirect.scatter.add.f32 [tilespmem:s19], [sflag:$0x5], $0x80, s26, s18, $0xb8;
	[tilespmem:$0x1C800] =	vst v63  }
0x6c: {  	_ =	swait.ge [sflag:s16], $0x4000  }
0x6d: {  	[sflag:s16] =	ssyncset.done $0x0  }
0x6e: {  	[sflag:s16] =	ssyncadd.s32 $0xFFFFC000  }
0x6f: {  	[tilespmem:s19], [sflag:$0x1] =	stream.indirect.gather [hbm4b:s1+s18], $0x80, s28, s18, $0xb8;
	[tilespmem:$0x1C800] =	vst v63  }
0x70: {  	_ =	swait.ge [sflag:s21], $0x4000  }
0x71: {  	[sflag:s21] =	ssyncset.done $0x0  }
0x72: {  	[sflag:s21] =	ssyncadd.s32 $0xFFFFC000  }
0x73: {  	[spmem:s2] =	stream.indirect.scatter.add.f32 [tilespmem:s15], [sflag:$0x5], $0x80, s29, s18, $0xb8;
	[tilespmem:$0x1C800] =	vst v63  }
0x74: {  	_ =	swait.ge [sflag:s16], $0x4000  }
0x75: {  	[sflag:s16] =	ssyncset.done $0x0  }
0x76: {  	[sflag:s16] =	ssyncadd.s32 $0xFFFFC000  }
0x77: {  	[tilespmem:s15], [sflag:$0x2] =	stream.indirect.gather [hbm4b:s1+s18], $0x80, s30, s18, $0xb8;
	[tilespmem:$0x1C800] =	vst v63  }
0x78: {  	_ =	swait.ge [sflag:s20], $0x4000  }
0x79: {  	[sflag:s20] =	ssyncset.done $0x0  }
0x7a: {  	[sflag:s20] =	ssyncadd.s32 $0xFFFFC000  }
0x7b: {  	[spmem:s2] =	stream.indirect.scatter.add.f32 [tilespmem:s19], [sflag:$0x5], $0x80, s31, s18, $0xb8;
	[tilespmem:$0x1C800] =	vst v63  }
0x7c: {  	_ =	swait.ge [sflag:s16], $0x4000  }
0x7d: {  	[sflag:s16] =	ssyncset.done $0x0  }
0x7e: {  	[sflag:s16] =	ssyncadd.s32 $0xFFFFC000  }
0x7f: {  	_ =	swait.ge [sflag:s0], $0x400  }
0x80: {  	[sflag:s0] =	ssyncset.done $0x0  }
0x81: {  	[sflag:s0] =	ssyncadd.s32 $0xFFFFFC00  }
0x82: {  	[tilespmem:s19], [sflag:$0x1] =	stream.indirect.gather [hbm4b:s1+s18], $0x80, s4, s18, $0xb8;
	[tilespmem:$0x1C800] =	vst v63  }
0x83: {  	_ =	swait.ge [sflag:s21], $0x4000  }
0x84: {  	[sflag:s21] =	ssyncset.done $0x0  }
0x85: {  	s9 =	smin.u32 s9, $0x10;
	[sflag:s21] =	ssyncadd.s32 $0xFFFFC000  }
0x86: {  	[spmem:s2] =	stream.indirect.scatter.add.f32 [tilespmem:s15], [sflag:$0x5], $0x80, s3, s18, $0xb8;
	[tilespmem:$0x1C800] =	vst v63  }
0x87: {  	s9 =	sadd.s32 s9, s10;
	_ =	swait.ge [sflag:s16], $0x4000  }
0x88: {  	s10 =	sshll.u32 s9, $0x7;
	[sflag:s16] =	ssyncset.done $0x0  }
0x89: {  	s9 =	simm.s32 $0x2;
	s10 =	sadd.s32 s5, s10;
	[sflag:s16] =	ssyncadd.s32 $0xFFFFC000  }
.LBB2_4:
0x8a: {  	[tilespmem:s17], [sflag:$0x4] =	stream.linear.gather [hbm4b:s10+s4], $0x400, $0x38;
	[tilespmem:$0x1C800] =	vst v63  }
0x8b: {  	_ = 	snop  }
0x8c: {  	[tilespmem:s15], [sflag:$0x2] =	stream.indirect.gather [hbm4b:s1+s18], $0x80, s18, s18, $0xb8;
	[tilespmem:$0x1C800] =	vst v63  }
0x8d: {  	s11 =	smov.u32 s9;
	s10 =	rddreg [dreg:$0x4];
	_ =	swait.ge [sflag:s20], $0x4000  }
0x8e: {  	s12 =	smin.u32 s11, $0x10;
	[sflag:s20] =	ssyncset.done $0x0  }
0x8f: {  	s10 =	sadd.s32 s12, s10;
	s12 =	rddreg [dreg:$0x6];
	[sflag:s20] =	ssyncadd.s32 $0xFFFFC000  }
0x90: {  	[spmem:s2] =	stream.indirect.scatter.add.f32 [tilespmem:s19], [sflag:$0x5], $0x80, s12, s18, $0xb8;
	[tilespmem:$0x1C800] =	vst v63  }
0x91: {  	_ =	swait.ge [sflag:s16], $0x4000  }
0x92: {  	[sflag:s16] =	ssyncset.done $0x0  }
0x93: {  	s12 =	rddreg [dreg:$0x7];
	[sflag:s16] =	ssyncadd.s32 $0xFFFFC000  }
0x94: {  	[tilespmem:s19], [sflag:$0x1] =	stream.indirect.gather [hbm4b:s1+s18], $0x80, s12, s18, $0xb8;
	[tilespmem:$0x1C800] =	vst v63  }
0x95: {  	_ =	swait.ge [sflag:s21], $0x4000  }
0x96: {  	[sflag:s21] =	ssyncset.done $0x0  }
0x97: {  	s12 =	rddreg [dreg:$0x8];
	[sflag:s21] =	ssyncadd.s32 $0xFFFFC000  }
0x98: {  	[spmem:s2] =	stream.indirect.scatter.add.f32 [tilespmem:s15], [sflag:$0x5], $0x80, s12, s18, $0xb8;
	[tilespmem:$0x1C800] =	vst v63  }
0x99: {  	_ =	swait.ge [sflag:s16], $0x4000  }
0x9a: {  	[sflag:s16] =	ssyncset.done $0x0  }
0x9b: {  	s12 =	rddreg [dreg:$0x9];
	[sflag:s16] =	ssyncadd.s32 $0xFFFFC000  }
0x9c: {  	[tilespmem:s15], [sflag:$0x2] =	stream.indirect.gather [hbm4b:s1+s18], $0x80, s12, s18, $0xb8;
	[tilespmem:$0x1C800] =	vst v63  }
0x9d: {  	_ =	swait.ge [sflag:s20], $0x4000  }
0x9e: {  	[sflag:s20] =	ssyncset.done $0x0  }
0x9f: {  	[sflag:s20] =	ssyncadd.s32 $0xFFFFC000  }
0xa0: {  	[spmem:s2] =	stream.indirect.scatter.add.f32 [tilespmem:s19], [sflag:$0x5], $0x80, s22, s18, $0xb8;
	[tilespmem:$0x1C800] =	vst v63  }
0xa1: {  	_ =	swait.ge [sflag:s16], $0x4000  }
0xa2: {  	[sflag:s16] =	ssyncset.done $0x0  }
0xa3: {  	[sflag:s16] =	ssyncadd.s32 $0xFFFFC000  }
0xa4: {  	_ =	swait.ge [sflag:s23], $0x400  }
0xa5: {  	[sflag:s23] =	ssyncset.done $0x0  }
0xa6: {  	[sflag:s23] =	ssyncadd.s32 $0xFFFFFC00  }
0xa7: {  	[tilespmem:s19], [sflag:$0x1] =	stream.indirect.gather [hbm4b:s1+s18], $0x80, s17, s18, $0xb8;
	[tilespmem:$0x1C800] =	vst v63  }
0xa8: {  	_ =	swait.ge [sflag:s21], $0x4000  }
0xa9: {  	[sflag:s21] =	ssyncset.done $0x0  }
0xaa: {  	[sflag:s21] =	ssyncadd.s32 $0xFFFFC000  }
0xab: {  	[spmem:s2] =	stream.indirect.scatter.add.f32 [tilespmem:s15], [sflag:$0x5], $0x80, s24, s18, $0xb8;
	[tilespmem:$0x1C800] =	vst v63  }
0xac: {  	_ =	swait.ge [sflag:s16], $0x4000  }
0xad: {  	s11 =	smin.u32 s11, $0x11;
	s12 =	rddreg [dreg:$0x5]  }
0xae: {  	s11 =	sadd.s32 s11, s12  }
0xaf: {  	[sflag:s16] =	ssyncset.done $0x0;
	s11 =	sshll.u32 s11, $0x7  }
0xb0: {  	[sflag:s16] =	ssyncadd.s32 $0xFFFFC000;
	s11 =	sadd.s32 s5, s11  }
0xb1: {  	[tilespmem:s4], [sflag:$0x3] =	stream.linear.gather [hbm4b:s11+s4], $0x400, $0x38;
	[tilespmem:$0x1C800] =	vst v63  }
0xb2: {  	_ = 	snop  }
0xb3: {  	[tilespmem:s15], [sflag:$0x2] =	stream.indirect.gather [hbm4b:s1+s18], $0x80, s25, s18, $0xb8;
	[tilespmem:$0x1C800] =	vst v63  }
0xb4: {  	_ =	swait.ge [sflag:s20], $0x4000  }
0xb5: {  	[sflag:s20] =	ssyncset.done $0x0  }
0xb6: {  	[sflag:s20] =	ssyncadd.s32 $0xFFFFC000  }
0xb7: {  	[spmem:s2] =	stream.indirect.scatter.add.f32 [tilespmem:s19], [sflag:$0x5], $0x80, s26, s18, $0xb8;
	[tilespmem:$0x1C800] =	vst v63  }
0xb8: {  	_ =	swait.ge [sflag:s16], $0x4000  }
0xb9: {  	[sflag:s16] =	ssyncset.done $0x0  }
0xba: {  	[sflag:s16] =	ssyncadd.s32 $0xFFFFC000  }
0xbb: {  	[tilespmem:s19], [sflag:$0x1] =	stream.indirect.gather [hbm4b:s1+s18], $0x80, s28, s18, $0xb8;
	[tilespmem:$0x1C800] =	vst v63  }
0xbc: {  	_ =	swait.ge [sflag:s21], $0x4000  }
0xbd: {  	[sflag:s21] =	ssyncset.done $0x0  }
0xbe: {  	[sflag:s21] =	ssyncadd.s32 $0xFFFFC000  }
0xbf: {  	[spmem:s2] =	stream.indirect.scatter.add.f32 [tilespmem:s15], [sflag:$0x5], $0x80, s29, s18, $0xb8;
	[tilespmem:$0x1C800] =	vst v63  }
0xc0: {  	_ =	swait.ge [sflag:s16], $0x4000  }
0xc1: {  	[sflag:s16] =	ssyncset.done $0x0  }
0xc2: {  	[sflag:s16] =	ssyncadd.s32 $0xFFFFC000  }
0xc3: {  	[tilespmem:s15], [sflag:$0x2] =	stream.indirect.gather [hbm4b:s1+s18], $0x80, s30, s18, $0xb8;
	[tilespmem:$0x1C800] =	vst v63  }
0xc4: {  	_ =	swait.ge [sflag:s20], $0x4000  }
0xc5: {  	[sflag:s20] =	ssyncset.done $0x0  }
0xc6: {  	[sflag:s20] =	ssyncadd.s32 $0xFFFFC000  }
0xc7: {  	[spmem:s2] =	stream.indirect.scatter.add.f32 [tilespmem:s19], [sflag:$0x5], $0x80, s31, s18, $0xb8;
	[tilespmem:$0x1C800] =	vst v63  }
0xc8: {  	_ =	swait.ge [sflag:s16], $0x4000  }
0xc9: {  	[sflag:s16] =	ssyncset.done $0x0  }
0xca: {  	[sflag:s16] =	ssyncadd.s32 $0xFFFFC000  }
0xcb: {  	_ =	swait.ge [sflag:s0], $0x400  }
0xcc: {  	[sflag:s0] =	ssyncset.done $0x0  }
0xcd: {  	[sflag:s0] =	ssyncadd.s32 $0xFFFFFC00  }
0xce: {  	[tilespmem:s19], [sflag:$0x1] =	stream.indirect.gather [hbm4b:s1+s18], $0x80, s4, s18, $0xb8;
	[tilespmem:$0x1C800] =	vst v63  }
0xcf: {  	_ =	swait.ge [sflag:s21], $0x4000  }
0xd0: {  	p0 =	sne.s32 s9, $0x12;
	[sflag:s21] =	ssyncset.done $0x0  }
.Ltmp1:
0xd1: {  	[sflag:s21] =	ssyncadd.s32 $0xFFFFC000;
	(pc) =	sbr.rel @p0 .LBB2_4-.Ltmp1, $4  }
0xd2: {  	[spmem:s2] =	stream.indirect.scatter.add.f32 [tilespmem:s15], [sflag:$0x5], $0x80, s3, s18, $0xb8;
	[tilespmem:$0x1C800] =	vst v63  }
0xd3: {  	_ =	swait.ge [sflag:s16], $0x4000  }
0xd4: {  	s10 =	sshll.u32 s10, $0x7;
	[sflag:s16] =	ssyncset.done $0x0  }
0xd5: {  	s9 =	sadd.s32 $0x2, s9;
	s10 =	sadd.s32 s5, s10;
	[sflag:s16] =	ssyncadd.s32 $0xFFFFC000  }
0xd6: {  	[tilespmem:s17], [sflag:$0x4] =	stream.linear.gather [hbm4b:s10+s4], $0x400, $0x38;
	[tilespmem:$0x1C800] =	vst v63  }
0xd7: {  	_ =	swait.ge [sflag:s20], $0x4000  }
0xd8: {  	[sflag:s20] =	ssyncset.done $0x0  }
0xd9: {  	[sflag:s20] =	ssyncadd.s32 $0xFFFFC000  }
0xda: {  	_ =	swait.ge [sflag:s23], $0x400  }
0xdb: {  	[sflag:s23] =	ssyncset.done $0x0  }
0xdc: {  	s9 =	stileid.u32;
	[sflag:s23] =	ssyncadd.s32 $0xFFFFFC00  }
0xdd: {  	s9 =	sshll.u32 s9, $0x6;
	[bflag:$0x0] =	sbarrier.arrive $0xFFFF  }
0xde: {  	s12 =	sshrl.u32 s7, $0x3;
	s9 =	sor.u32 $0x1C05, s9;
	s11 =	rddreg [dreg:$0xb]  }
0xdf: {  	[hbm:s11], [sflag:s9] =	dma.local [spmem:s12], $0x2800  }
0xe0: {  	_ =	swait.ge [sflag:s16], $0x2800  }
0xe1: {  	s8 =	sadd.s32 $0x1, s8;
	s12 =	rddreg [dreg:$0xc]  }
0xe2: {  	p0 =	sne.s32 s8, s12  }
.Ltmp2:
0xe3: {  	_ = 	snop;
	(pc) =	sbr.rel @p0 .LBB2_1-.Ltmp2, $3  }
0xe4: {  	_ =	sdelay $0x1  }
0xe5: {  	[sflag:s16] =	ssyncset.done $0x0  }
0xe6: {  	[sflag:s16] =	ssyncadd.s32 $0xFFFFD800  }
0xe7: {  	_ =	sfence.sel $0x180000  }
0xe8: {  	[bflag:$0x0] =	sbarrier.arrive $0xFFFF  }
0xe9: {  	_ =	strace $0x9000004D  }
0xea: {  	s0 =	stileid.u32;
	[bflag:$0x2] =	sbarrier.arrive $0xFFFF  }
0xeb: {  	p0 =	sne.s32 s0, $0x0;
	s0 =	rddreg [dreg:$0x3]  }
0xec: {  	s0 =	sadd.s32 @!p0 $0x100000, s0  }
0xed: {  	[sflag:s0] =	ssyncadd.tile.s32 @!p0 $0x1;
	_ =	shalt  }
.Lfunc_end2:
_tile_overlayer_lowered:
.L_overlay_start_2:
0xee: {  	(tag) =	ssettag $0x2  }
0xef: {  	s0 =	rddreg [dreg:$0x0];
	s2 =	stileid.u32  }
0xf0: {  	s1 =	rddreg [dreg:$0x1];
	p0 =	sne.s32 s2, $0x0  }
0xf1: {  	s3 =	rddreg [dreg:$0x2];
	[bflag:$0x3] =	sbarrier.arrive $0xFFFF;
	s2 =	simm.s32 @!p0 $0x1C05  }
0xf2: {  	[timem:s3], [sflag:s2] =	dma.local @!p0 [hbm:s0], s1  }
0xf3: {  	s0 =	simm.s32 @!p0 $0x5  }
0xf4: {  	_ =	swait.ge @!p0 [sflag:s0], s1  }
0xf5: {  	s1 =	ssub.s32 @!p0 $0x0, s1;
	[sflag:s0] =	ssyncset.done @!p0 $0x0  }
0xf6: {  	[sflag:s0] =	ssyncadd.s32 @!p0 s1  }
0xf7: {  	[bflag:$0x3] =	sbarrier.arrive $0xFFFF  }
0xf8: {  	_ =	shalt  }

// kernel: kernel.9.cloned.1.call-start
scs
__scs_entry_jumppad:
0x0: {  	(pc) =	sbr.rel $0x88, $3  }
0x1: {  	(tag) =	ssettag $0x0;
	lr =	simm.s32 $0x1  }
0x2: {  	[smem:$0x3F9B] =	sst lr;
	_ =	strace $0xD0000000  }
0x3: {  	_ = 	snop  }
0x4: {  	_ = 	snop  }
0x5: {  	_ = 	snop  }
0x6: {  	_ = 	snop  }
0x7: {  	_ = 	snop  }
__scs_overlays_trampoline_lowered:
0x8: {  	[smem:$0x3FAA] =	sst s0  }
0x9: {  	[smem:$0x3FAB] =	sst s1  }
0xa: {  	[smem:$0x3FAC] =	sst s2  }
0xb: {  	[smem:$0x3FAD] =	sst s3  }
0xc: {  	[smem:$0x3FAE] =	sst s4  }
0xd: {  	[smem:$0x3FAF] =	sst s5  }
0xe: {  	[smem:$0x3FB0] =	sst s6  }
0xf: {  	[smem:$0x3FB1] =	sst s7  }
0x10: {  	[smem:$0x3FB2] =	sst s8  }
0x11: {  	[smem:$0x3FB3] =	sst s9;
	s0 =	simm.s32 @!p0 $0x0  }
0x12: {  	s1 =	sld [smem:$0x3F99];
	s0 =	simm.s32 @p0 $0x1  }
0x13: {  	[smem:$0x3FB4] =	sst s0;
	s0 =	simm.s32 @!p1 $0x0  }
0x14: {  	s2 =	sld [smem:$0x3F98];
	s0 =	simm.s32 @p1 $0x1  }
0x15: {  	[smem:$0x3FB5] =	sst s0;
	s0 =	simm.s32 @!p2 $0x0  }
0x16: {  	s3 =	sld [smem:$0x3FDB];
	s0 =	simm.s32 @p2 $0x1  }
0x17: {  	s4 =	simm.s32 $0x1BF5;
	[smem:$0x3FB7] =	sst s0  }
0x18: {  	s0 =	sld [smem:$0x3F9A];
	_ =	swait.ge [sflag:s4], $0x0  }
0x19: {  	s7 =	sld [smem:$0x3F9B]  }
0x1a: {  	s8 =	sadd.s32 $0xFFFFE003, lr  }
0x1b: {  	s9 =	sadd.s32 $0xFFFFFEF7, lr;
	s5 =	simm.s32 $0xFFFFFFFF;
	p2 =	slt.u32 s8, $0xFFFFF086  }
0x1c: {  	p1 =	slt.u32 s9, $0xF7A;
	s5 =	simm.s32 @!p2 $0x0  }
0x1d: {  	s5 =	simm.s32 @p1 $0x1;
	p0 =	seq.s32 s7, s2  }
0x1e: {  	s7 =	smul.u32 @!p0 $0xF7A, s2;
	p2 =	seq.s32 @!p0 s5, $0x0  }
0x1f: {  	s9 =	smul.u32 $0xF7A, s1;
	s8 =	simm.s32 @!p0 $0x1BF5;
	p2 =	por !p2, p0  }
0x20: {  	[sflag:s8] =	ssyncset.s32 @!p0 $0xFFFFF086;
	s6 =	sadd.s32 @!p0 s3, s7;
	s7 =	simm.s32 @!p0 $0x108  }
0x21: {  	s3 =	sadd.s32 s3, s9;
	s6 =	sadd.s32 @!p0 $0x88, s6;
	s7 =	simm.s32 @p2 $0x1082  }
0x22: {  	[simem:s7], [sflag:s8] =	dma.local @!p0 [hbm:s6], $0xF7A  }
0x23: {  	s9 =	sor.u32 $0xD0000000, s2;
	s6 =	simm.s32 $0x108;
	_ =	swait.ge @!p0 [sflag:s8], $0x0  }
0x24: {  	s3 =	sadd.s32 $0x88, s3;
	s6 =	simm.s32 @!p1 $0x1082;
	[sflag:s4] =	ssyncset.s32 $0xFFFFF086  }
0x25: {  	[simem:s6], [sflag:s4] =	dma.local [hbm:s3], $0xF7A  }
0x26: {  	[smem:$0x3F9B] =	sst s1;
	(tag) =	ssettag s2;
	_ =	strace s9  }
0x27: {  	s1 =	sld [smem:$0x3FAB]  }
0x28: {  	s2 =	sld [smem:$0x3FAC]  }
0x29: {  	s4 =	sld [smem:$0x3FAE]  }
0x2a: {  	p0 =	seq.s32 s5, $0x0;
	s5 =	sld [smem:$0x3FAF]  }
0x2b: {  	s6 =	sld [smem:$0x3FB0]  }
0x2c: {  	s7 =	sld [smem:$0x3FB1]  }
0x2d: {  	s3 =	simm.s32 $0x108;
	s8 =	sld [smem:$0x3FB2]  }
0x2e: {  	s3 =	simm.s32 @!p0 $0x1082;
	s9 =	sld [smem:$0x3FB3]  }
0x2f: {  	lr =	sadd.s32 s0, s3;
	s0 =	sld [smem:$0x3FAA]  }
0x30: {  	s3 =	sld [smem:$0x3FAD]  }
0x31: {  	[smem:$0x3FB6] =	sst s10  }
0x32: {  	s10 =	sld [smem:$0x3FB4];
	_ =	sdelay $0x3  }
0x33: {  	p0 =	seq.s32 s10, $0x1;
	s10 =	sld [smem:$0x3FB6];
	_ =	sdelay $0x3  }
0x34: {  	[smem:$0x3FB6] =	sst s10  }
0x35: {  	s10 =	sld [smem:$0x3FB5];
	_ =	sdelay $0x3  }
0x36: {  	p1 =	seq.s32 s10, $0x1;
	s10 =	sld [smem:$0x3FB6];
	_ =	sdelay $0x3  }
0x37: {  	[smem:$0x3FB6] =	sst s10  }
0x38: {  	s10 =	sld [smem:$0x3FB7]  }
0x39: {  	_ = 	snop;
	(pc) =	sbr.ind lr, $3  }
0x3a: {  	_ = 	snop  }
0x3b: {  	_ = 	snop  }
0x3c: {  	p2 =	seq.s32 s10, $0x1;
	s10 =	sld [smem:$0x3FB6]  }
0x3d: {  	_ =	shalt  }
0x3e: {  	_ =	shalt  }
0x3f: {  	_ =	shalt  }
0x40: {  	_ =	shalt  }
0x41: {  	_ =	shalt  }
0x42: {  	_ =	shalt  }
0x43: {  	_ =	shalt  }
0x44: {  	_ =	shalt  }
0x45: {  	_ =	shalt  }
0x46: {  	_ =	shalt  }
0x47: {  	_ =	shalt  }
0x48: {  	_ =	shalt  }
0x49: {  	_ =	shalt  }
0x4a: {  	_ =	shalt  }
0x4b: {  	_ =	shalt  }
0x4c: {  	_ =	shalt  }
0x4d: {  	_ =	shalt  }
0x4e: {  	_ =	shalt  }
0x4f: {  	_ =	shalt  }
0x50: {  	_ =	shalt  }
0x51: {  	_ =	shalt  }
0x52: {  	_ =	shalt  }
0x53: {  	_ =	shalt  }
0x54: {  	_ =	shalt  }
0x55: {  	_ =	shalt  }
0x56: {  	_ =	shalt  }
0x57: {  	_ =	shalt  }
0x58: {  	_ =	shalt  }
0x59: {  	_ =	shalt  }
0x5a: {  	_ =	shalt  }
0x5b: {  	_ =	shalt  }
0x5c: {  	_ =	shalt  }
0x5d: {  	_ =	shalt  }
0x5e: {  	_ =	shalt  }
0x5f: {  	_ =	shalt  }
0x60: {  	_ =	shalt  }
0x61: {  	_ =	shalt  }
0x62: {  	_ =	shalt  }
0x63: {  	_ =	shalt  }
0x64: {  	_ =	shalt  }
0x65: {  	_ =	shalt  }
0x66: {  	_ =	shalt  }
0x67: {  	_ =	shalt  }
0x68: {  	_ =	shalt  }
0x69: {  	_ =	shalt  }
0x6a: {  	_ =	shalt  }
0x6b: {  	_ =	shalt  }
0x6c: {  	_ =	shalt  }
0x6d: {  	_ =	shalt  }
0x6e: {  	_ =	shalt  }
0x6f: {  	_ =	shalt  }
0x70: {  	_ =	shalt  }
0x71: {  	_ =	shalt  }
0x72: {  	_ =	shalt  }
0x73: {  	_ =	shalt  }
0x74: {  	_ =	shalt  }
0x75: {  	_ =	shalt  }
0x76: {  	_ =	shalt  }
0x77: {  	_ =	shalt  }
0x78: {  	_ =	shalt  }
0x79: {  	_ =	shalt  }
0x7a: {  	_ =	shalt  }
0x7b: {  	_ =	shalt  }
0x7c: {  	_ =	shalt  }
0x7d: {  	_ =	shalt  }
0x7e: {  	_ =	shalt  }
0x7f: {  	_ =	shalt  }
0x80: {  	_ =	shalt  }
0x81: {  	_ =	shalt  }
0x82: {  	_ =	shalt  }
0x83: {  	_ =	shalt  }
0x84: {  	_ =	shalt  }
0x85: {  	_ =	shalt  }
0x86: {  	_ =	shalt  }
0x87: {  	_ =	shalt  }
.Lfunc_end0:
.L_simem_size_0:
called_computation_lowered:
.L_overlay_start_0:
0x88: {  	s2 =	sld [smem:$0x3FD9]  }
0x89: {  	s3 =	sld [smem:$0x3FFE];
	_ =	sdelay $0x1  }
0x8a: {  	s1 =	srdreg.scid  }
0x8b: {  	s0 =	sand.u32 $0x1, s1  }
0x8c: {  	s17 =	sshll.u32 s0, $0xA;
	s2 =	sadd.s32 s3, s2  }
0x8d: {  	s2 =	sadd.s32 s2, s17  }
0x8e: {  	[smem:$0x3FC2] =	sst s2  }
0x8f: {  	_ = 	snop  }
0x90: {  	s2 =	sld [smem:$0x3FD0];
	(tm) =	ssettm $0x1  }
0x91: {  	s18 =	sld [smem:$0x3FFB];
	_ =	sdelay $0x3  }
0x92: {  	_ =	strace s18  }
0x93: {  	s3 =	sld [smem:$0x3FFC];
	_ =	sdelay $0x3  }
0x94: {  	_ =	strace s3  }
0x95: {  	s3 =	sld [smem:$0x3FFD];
	_ =	sdelay $0x3  }
0x96: {  	_ =	strace s3  }
0x97: {  	_ =	strace $0x8FFFFFFF  }
0x98: {  	s19 =	sld [smem:$0x3FDB];
	_ =	sdelay $0x1  }
0x99: {  	s4 =	simm.s32 $_scs_section_size  }
0x9a: {  	s5 =	simm.s32 $_size__tile_overlayer_lowered;
	s6 =	simm.s32 $_tile_overlayer_lowered  }
0x9b: {  	s22 =	simm.s32 $0x1BFF;
	s21 =	sshll.u32 s6, $0x1;
	s3 =	sadd.s32 s4, s19  }
0x9c: {  	s7 =	simm.s32 $0x0;
	s20 =	sshll.u32 s5, $0x1;
	s5 =	sadd.s32 s21, s3  }
0x9d: {  	[timem:s7], [sflag:s22] =	dma.local [hbm:s5], s20  }
0x9e: {  	_ =	swait.ge [sflag:s22], s20  }
0x9f: {  	s4 =	ssub.s32 $0x0, s20;
	[sflag:s22] =	ssyncset.done $0x0  }
0xa0: {  	[sflag:s22] =	ssyncadd.s32 s4;
	_ =	sdelay $0x1  }
0xa1: {  	s23 =	simm.s32 $0x1B8B  }
0xa2: {  	_ =	swait.ge [sflag:s23], $0x1  }
0xa3: {  	[sflag:s23] =	ssyncset.done $0x0  }
0xa4: {  	s25 =	simm.s32 $0x1B8E;
	s24 =	sld [smem:$0x3FFE];
	[sflag:s23] =	ssyncadd.s32 $0xFFFFFFFF  }
0xa5: {  	s26 =	simm.s32 $execute0_lowered;
	[smem:$0x3FD2] =	sst s25  }
0xa6: {  	s5 =	sshll.u32 s26, $0x1;
	_ =	strace $0x80000046;
	[dreg:$0x1] =	wrdreg $0xFFFFFFFF  }
0xa7: {  	s28 =	simm.s32 $_size_execute0_lowered;
	s3 =	sadd.s32 s3, s5;
	[dreg:$0x0] =	wrdreg $0x0  }
0xa8: {  	s5 =	sshll.u32 s28, $0x1;
	[dreg:$0x2] =	wrdreg s3  }
0xa9: {  	[dreg:$0x3] =	wrdreg s5  }
0xaa: {  	[dreg:$0x4] =	wrdreg $0xC0  }
0xab: {  	_ =	task [dreg:s7], $0x5FFFF  }
0xac: {  	[dreg:$0x1] =	wrdreg $0xFFFFFFFF  }
0xad: {  	[dreg:$0x0] =	wrdreg $0x60  }
0xae: {  	[dreg:$0x2] =	wrdreg s2  }
0xaf: {  	[dreg:$0x3] =	wrdreg s24  }
0xb0: {  	[dreg:$0x4] =	wrdreg $0x90000  }
0xb1: {  	[dreg:$0x5] =	wrdreg $0x9  }
0xb2: {  	_ =	task.clear_ibuf [dreg:s7], $0x6FFFF;
	_ =	strace $0x90000046  }
0xb3: {  	s29 =	simm.s32 $0x9;
	_ =	strace $0x80000048  }
0xb4: {  	_ =	swait.ge [sflag:s29], $0x1  }
0xb5: {  	[sflag:s29] =	ssyncadd.s32 $0xFFFFFFFF  }
0xb6: {  	_ =	strace $0x90000048  }
0xb7: {  	_ =	sfence  }
0xb8: {  	s30 =	sld [smem:$0x0];
	_ =	sdelay $0x2  }
0xb9: {  	s31 =	sshll.u32 s1, $0xD;
	s1 =	sshrl.u32 s1, $0x2  }
0xba: {  	s3 =	sand.u32 $0x4000, s31;
	s1 =	sadd.s32 s1, s30  }
0xbb: {  	s0 =	sor.u32 s3, s0;
	s1 =	sshll.u32 s1, $0x11  }
0xbc: {  	s0 =	sor.u32 s1, s0  }
0xbd: {  	s0 =	sadd.s32 $0x8F2B, s0  }
0xbe: {  	[sflag:s0] =	ssyncadd.remote.s32 $0x1  }
0xbf: {  	_ =	sfence.sel $0xFFFF  }
0xc0: {  	[dreg:$0x0] =	wrdreg $0xFFFFFFFF;
	(pc) =	sbr.abs _section_cstart, $3  }
0xc1: {  	[dreg:$0x1] =	wrdreg $0xFFFFFFFF  }
0xc2: {  	_ =	task.clear_ibuf [dreg:s7], $0x2FFFF;
	_ =	strace $0x9FFFFFFF  }
0xc3: {  	(tm) =	ssettm $0x7FFFFFFF  }
tec
execute0_lowered:
.L_overlay_start_1:
0x0: {  	(tag) =	ssettag $0x1  }
0x1: {  	s4 =	rddreg [dreg:$0x0]  }
0x2: {  	s5 =	rddreg [dreg:$0x1]  }
0x3: {  	s1 =	rddreg [dreg:$0x2]  }
0x4: {  	s2 =	srdreg.scid;
	s0 =	rddreg [dreg:$0x3];
	s3 =	simm.s32 $0x0  }
0x5: {  	s15 =	simm.s32 $0x6800;
	s16 =	simm.s32 $0x2;
	s17 =	simm.s32 $0x80  }
0x6: {  	s18 =	simm.s32 $0x2800;
	s19 =	simm.s32 $0x100;
	s20 =	simm.s32 $0x180  }
0x7: {  	s21 =	simm.s32 $0x200;
	s22 =	simm.s32 $0x280;
	s23 =	simm.s32 $0x300  }
0x8: {  	s24 =	simm.s32 $0x380;
	s25 =	simm.s32 $0x1;
	s6 =	sand.u32 $0x1, s2  }
0x9: {  	s26 =	simm.s32 $0x0;
	s2 =	stileid.u32;
	s7 =	smul.u32 $0x28A00, s6  }
0xa: {  	[smem:$0x7FF] =	sst s3;
	s8 =	smul.u32 $0x2800, s2;
	s9 =	sshll.u32 s6, $0x4  }
0xb: {  	s10 =	smul.u32 $0x50000, s2;
	s6 =	ssub.s32 $0x2, s6;
	s9 =	sor.u32 s2, s9  }
0xc: {  	_ =	strace $0x80000047;
	s29 =	sshrl.u32 s6, $0x1;
	s28 =	smul.u32 $0x500, s9  }
0xd: {  	s7 =	sadd.s32 s8, s7;
	s30 =	sshrl.u32 s10, $0x2;
	s31 =	ssub.s32 s6, s29  }
0xe: {  	s7 =	sadd.s32 s7, s5;
	s5 =	sadd.s32 s30, s1;
	s4 =	sadd.s32 s4, s28  }
0xf: {  	s6 =	sadd.s32 $0x2800, s7;
	s7 =	smax.u32 s31, $0x1;
	s8 =	sadd.s32 $0x2800, s5  }
0x10: {  	s9 =	sadd.s32 $0x5000, s5;
	s10 =	sadd.s32 $0x7800, s5;
	s11 =	sadd.s32 $0xA000, s5  }
0x11: {  	v0 =	vimm.f32 $1.000000000e+00;
	v1 =	vimm.f32 $0.0e+00;
	s12 =	sadd.s32 $0xC800, s5;
	s13 =	sadd.s32 $0xF000, s5;
	s14 =	sadd.s32 $0x11800, s5  }
.LBB2_1:
0x12: {  	s28 =	simm.s32 $0x0;
	s29 =	simm.s32 $0x0  }
.LBB2_2:
0x13: {  	p0 =	sne.s32 s29, $0xFFC0  }
.Ltmp0:
0x14: {  	_ = 	snop;
	(pc) =	sbr.rel @p0 .LBB2_2-.Ltmp0, $4  }
0x15: {  	s30 =	sand.u32 $0xFE00, s29  }
0x16: {  	s31 =	sand.u32 $0x70, s28;
	s30 =	sshrl.u32 s30, $0x2  }
0x17: {  	s30 =	sor.u32 s31, s30  }
0x18: {  	s28 =	sadd.s32 $0x10, s28;
	s29 =	sadd.s32 $0x40, s29;
	[tilespmem:s30+$0x2800] =	vst v0  }
0x19: {  	s28 =	simm.s32 $0x0  }
0x1a: {  	s29 =	sand.u32 $0xFE00, s28  }
0x1b: {  	s30 =	sand.u32 $0x70, s28;
	s31 =	sshrl.u32 s29, $0x2  }
0x1c: {  	s29 =	simm.s32 $0x40;
	s30 =	sor.u32 s30, s31  }
.LBB2_4:
0x1d: {  	p0 =	sne.s32 s29, $0x9FC0  }
0x1e: {  	[tilespmem:s30+$0x6800] =	vst v1;
	s28 =	sadd.s32 $0x10, s28;
	s30 =	smov.u32 s29;
	s29 =	sadd.s32 $0x40, s29  }
.Ltmp1:
0x1f: {  	(pc) =	sbr.rel @p0 .LBB2_4-.Ltmp1, $4  }
0x20: {  	_ = 	snop  }
0x21: {  	s30 =	sand.u32 $0xFE00, s30  }
0x22: {  	s31 =	sand.u32 $0x70, s28;
	s30 =	sshrl.u32 s30, $0x2  }
0x23: {  	s30 =	sor.u32 s31, s30  }
0x24: {  	[tilespmem:s30+$0x6800] =	vst v1  }
0x25: {  	[spmem:s5] =	stream.linear.scatter [tilespmem:s15], [sflag:$0x2], $0x2800, $0x38;
	[tilespmem:$0x1D000] =	vst v63  }
0x26: {  	_ =	swait.ge [sflag:s16], $0x2800  }
0x27: {  	[sflag:s16] =	ssyncset.done $0x0  }
0x28: {  	[sflag:s16] =	ssyncadd.s32 $0xFFFFD800  }
0x29: {  	[spmem:s8] =	stream.linear.scatter [tilespmem:s15], [sflag:$0x2], $0x2800, $0x38;
	[tilespmem:$0x1D000] =	vst v63  }
0x2a: {  	_ =	swait.ge [sflag:s16], $0x2800  }
0x2b: {  	[sflag:s16] =	ssyncset.done $0x0  }
0x2c: {  	[sflag:s16] =	ssyncadd.s32 $0xFFFFD800  }
0x2d: {  	[spmem:s9] =	stream.linear.scatter [tilespmem:s15], [sflag:$0x2], $0x2800, $0x38;
	[tilespmem:$0x1D000] =	vst v63  }
0x2e: {  	_ =	swait.ge [sflag:s16], $0x2800  }
0x2f: {  	[sflag:s16] =	ssyncset.done $0x0  }
0x30: {  	[sflag:s16] =	ssyncadd.s32 $0xFFFFD800  }
0x31: {  	[spmem:s10] =	stream.linear.scatter [tilespmem:s15], [sflag:$0x2], $0x2800, $0x38;
	[tilespmem:$0x1D000] =	vst v63  }
0x32: {  	_ =	swait.ge [sflag:s16], $0x2800  }
0x33: {  	[sflag:s16] =	ssyncset.done $0x0  }
0x34: {  	[sflag:s16] =	ssyncadd.s32 $0xFFFFD800  }
0x35: {  	[spmem:s11] =	stream.linear.scatter [tilespmem:s15], [sflag:$0x2], $0x2800, $0x38;
	[tilespmem:$0x1D000] =	vst v63  }
0x36: {  	_ =	swait.ge [sflag:s16], $0x2800  }
0x37: {  	[sflag:s16] =	ssyncset.done $0x0  }
0x38: {  	[sflag:s16] =	ssyncadd.s32 $0xFFFFD800  }
0x39: {  	[spmem:s12] =	stream.linear.scatter [tilespmem:s15], [sflag:$0x2], $0x2800, $0x38;
	[tilespmem:$0x1D000] =	vst v63  }
0x3a: {  	_ =	swait.ge [sflag:s16], $0x2800  }
0x3b: {  	[sflag:s16] =	ssyncset.done $0x0  }
0x3c: {  	[sflag:s16] =	ssyncadd.s32 $0xFFFFD800  }
0x3d: {  	[spmem:s13] =	stream.linear.scatter [tilespmem:s15], [sflag:$0x2], $0x2800, $0x38;
	[tilespmem:$0x1D000] =	vst v63  }
0x3e: {  	_ =	swait.ge [sflag:s16], $0x2800  }
0x3f: {  	[sflag:s16] =	ssyncset.done $0x0  }
0x40: {  	[sflag:s16] =	ssyncadd.s32 $0xFFFFD800  }
0x41: {  	[spmem:s14] =	stream.linear.scatter [tilespmem:s15], [sflag:$0x2], $0x2800, $0x38;
	[tilespmem:$0x1D000] =	vst v63  }
0x42: {  	_ =	swait.ge [sflag:s16], $0x2800  }
0x43: {  	[sflag:s16] =	ssyncset.done $0x0  }
0x44: {  	[sflag:s16] =	ssyncadd.s32 $0xFFFFD800  }
0x45: {  	[tilespmem:s3], [sflag:$0x2] =	stream.linear.gather [hbm4b:s4+s3], $0x2800, $0x38;
	[tilespmem:$0x1D000] =	vst v63  }
0x46: {  	_ =	swait.ge [sflag:s16], $0x2800  }
0x47: {  	[sflag:s16] =	ssyncset.done $0x0  }
0x48: {  	[sflag:s16] =	ssyncadd.s32 $0xFFFFD800  }
0x49: {  	[bflag:$0x0] =	sbarrier.arrive $0xFFFF  }
0x4a: {  	[spmem:s1] =	stream.indirect.scatter.add.f32 [tilespmem:s18], [sflag:$0x1], $0x80, s3, s17, $0xb8;
	[tilespmem:$0x1D000] =	vst v63  }
0x4b: {  	_ = 	snop  }
0x4c: {  	[spmem:s1] =	stream.indirect.scatter.add.f32 [tilespmem:s18], [sflag:$0x1], $0x80, s17, s17, $0xb8;
	[tilespmem:$0x1D000] =	vst v63  }
0x4d: {  	_ = 	snop  }
0x4e: {  	[spmem:s1] =	stream.indirect.scatter.add.f32 [tilespmem:s18], [sflag:$0x1], $0x80, s19, s17, $0xb8;
	[tilespmem:$0x1D000] =	vst v63  }
0x4f: {  	_ = 	snop  }
0x50: {  	[spmem:s1] =	stream.indirect.scatter.add.f32 [tilespmem:s18], [sflag:$0x1], $0x80, s20, s17, $0xb8;
	[tilespmem:$0x1D000] =	vst v63  }
0x51: {  	_ = 	snop  }
0x52: {  	[spmem:s1] =	stream.indirect.scatter.add.f32 [tilespmem:s18], [sflag:$0x1], $0x80, s21, s17, $0xb8;
	[tilespmem:$0x1D000] =	vst v63  }
0x53: {  	_ = 	snop  }
0x54: {  	[spmem:s1] =	stream.indirect.scatter.add.f32 [tilespmem:s18], [sflag:$0x1], $0x80, s22, s17, $0xb8;
	[tilespmem:$0x1D000] =	vst v63  }
0x55: {  	_ = 	snop  }
0x56: {  	[spmem:s1] =	stream.indirect.scatter.add.f32 [tilespmem:s18], [sflag:$0x1], $0x80, s23, s17, $0xb8;
	[tilespmem:$0x1D000] =	vst v63  }
0x57: {  	_ = 	snop  }
0x58: {  	[spmem:s1] =	stream.indirect.scatter.add.f32 [tilespmem:s18], [sflag:$0x1], $0x80, s24, s17, $0xb8;
	[tilespmem:$0x1D000] =	vst v63  }
0x59: {  	_ =	swait.ge [sflag:s25], $0x4000  }
0x5a: {  	[sflag:s25] =	ssyncset.done $0x0  }
0x5b: {  	s28 =	simm.s32 $0x1200;
	s29 =	simm.s32 $0x400;
	[sflag:s25] =	ssyncadd.s32 $0xFFFFC000  }
.LBB2_6:
0x5c: {  	[spmem:s1] =	stream.indirect.scatter.add.f32 [tilespmem:s18], [sflag:$0x1], $0x80, s29, s17, $0xb8;
	[tilespmem:$0x1D000] =	vst v63  }
0x5d: {  	s29 =	smov.u32 s28;
	p0 =	sne.s32 s28, $0x9E00  }
.Ltmp2:
0x5e: {  	s28 =	sadd.s32 $0x200, s28;
	(pc) =	sbr.rel @p0 .LBB2_6-.Ltmp2, $4  }
0x5f: {  	_ = 	snop  }
0x60: {  	_ =	swait.ge [sflag:s25], $0x4000  }
0x61: {  	[sflag:s25] =	ssyncset.done $0x0  }
0x62: {  	s29 =	sshra.s32 s29, $0x2;
	[sflag:s25] =	ssyncadd.s32 $0xFFFFC000  }
0x63: {  	[spmem:s1] =	stream.indirect.scatter.add.f32 [tilespmem:s18], [sflag:$0x1], $0x80, s29, s17, $0xb8;
	[tilespmem:$0x1D000] =	vst v63  }
0x64: {  	_ =	swait.ge [sflag:s25], $0x4000  }
0x65: {  	[sflag:s25] =	ssyncset.done $0x0  }
0x66: {  	[sflag:s25] =	ssyncadd.s32 $0xFFFFC000  }
0x67: {  	_ =	swait.ge [sflag:s25], $0x4000  }
0x68: {  	[sflag:s25] =	ssyncset.done $0x0  }
0x69: {  	[sflag:s25] =	ssyncadd.s32 $0xFFFFC000  }
0x6a: {  	_ =	swait.ge [sflag:s25], $0x4000  }
0x6b: {  	[sflag:s25] =	ssyncset.done $0x0  }
0x6c: {  	[sflag:s25] =	ssyncadd.s32 $0xFFFFC000  }
0x6d: {  	_ =	swait.ge [sflag:s25], $0x4000  }
0x6e: {  	[sflag:s25] =	ssyncset.done $0x0  }
0x6f: {  	[sflag:s25] =	ssyncadd.s32 $0xFFFFC000  }
0x70: {  	_ =	swait.ge [sflag:s25], $0x4000  }
0x71: {  	[sflag:s25] =	ssyncset.done $0x0  }
0x72: {  	[sflag:s25] =	ssyncadd.s32 $0xFFFFC000  }
0x73: {  	_ =	swait.ge [sflag:s25], $0x4000  }
0x74: {  	[sflag:s25] =	ssyncset.done $0x0  }
0x75: {  	[sflag:s25] =	ssyncadd.s32 $0xFFFFC000  }
0x76: {  	_ =	swait.ge [sflag:s25], $0x4000  }
0x77: {  	[sflag:s25] =	ssyncset.done $0x0  }
0x78: {  	[sflag:s25] =	ssyncadd.s32 $0xFFFFC000  }
0x79: {  	_ =	swait.ge [sflag:s25], $0x4000  }
0x7a: {  	s28 =	sshll.u32 s2, $0x6;
	s26 =	sadd.s32 $0x1, s26;
	[sflag:s25] =	ssyncset.done $0x0  }
0x7b: {  	s31 =	sshrl.u32 s5, $0x3;
	p0 =	sne.s32 s26, s7;
	[sflag:s25] =	ssyncadd.s32 $0xFFFFC000  }
.Ltmp3:
0x7c: {  	s28 =	sor.u32 $0x1C02, s28;
	[bflag:$0x0] =	sbarrier.arrive $0xFFFF;
	(pc) =	sbr.rel @p0 .LBB2_1-.Ltmp3, $4  }
0x7d: {  	[hbm:s6], [sflag:s28] =	dma.local [spmem:s31], $0x2800  }
0x7e: {  	_ =	swait.ge [sflag:s16], $0x2800  }
0x7f: {  	[sflag:s16] =	ssyncset.done $0x0  }
0x80: {  	[sflag:s16] =	ssyncadd.s32 $0xFFFFD800  }
0x81: {  	_ =	sfence.sel $0x180000  }
0x82: {  	[bflag:$0x0] =	sbarrier.arrive $0xFFFF  }
0x83: {  	p0 =	sne.s32 s2, $0x0;
	_ =	strace $0x90000047  }
0x84: {  	s0 =	sadd.s32 @!p0 $0x100000, s0;
	[bflag:$0x2] =	sbarrier.arrive $0xFFFF  }
0x85: {  	[sflag:s0] =	ssyncadd.tile.s32 @!p0 $0x1;
	_ =	shalt  }
.Lfunc_end2:
_tile_overlayer_lowered:
.L_overlay_start_2:
0x86: {  	(tag) =	ssettag $0x2  }
0x87: {  	s0 =	rddreg [dreg:$0x0];
	s2 =	stileid.u32  }
0x88: {  	s1 =	rddreg [dreg:$0x1];
	p0 =	sne.s32 s2, $0x0  }
0x89: {  	s3 =	rddreg [dreg:$0x2];
	[bflag:$0x3] =	sbarrier.arrive $0xFFFF;
	s2 =	simm.s32 @!p0 $0x1C02  }
0x8a: {  	[timem:s3], [sflag:s2] =	dma.local @!p0 [hbm:s0], s1  }
0x8b: {  	s0 =	simm.s32 @!p0 $0x2  }
0x8c: {  	_ =	swait.ge @!p0 [sflag:s0], s1  }
0x8d: {  	s1 =	ssub.s32 @!p0 $0x0, s1;
	[sflag:s0] =	ssyncset.done @!p0 $0x0  }
0x8e: {  	[sflag:s0] =	ssyncadd.s32 @!p0 s1  }
0x8f: {  	[bflag:$0x3] =	sbarrier.arrive $0xFFFF  }
0x90: {  	_ =	shalt  }

</sc_bundles>
